<compile_context>
chip_gen: v7x
topology: tpu7x:2x2x1
jax: 0.10.2.dev20260603
libtpu: 0.0.44.dev20260713+nightly
codegen_flags: <defaults>
</compile_context>

<pallas_src>
import jax
import jax.numpy as jnp
import numpy as np
from jax import lax
from jax.experimental import pallas as pl
from jax.experimental.pallas import tpu as pltpu
from jax.experimental.pallas import tpu_sc as plsc

N = 10000
E = 160000
D_IN = 256
D_OUT = 256
HEADS = 4
OUT_CH = 64

NW = 32
ROWS = 320
NPAD = NW * ROWS
AW = 288
CAP = 5760
KB = 32
EB = 2000

BLK = 400



def _p1_body(x_ref, w_ref, b_ref, p_ref, ilv_ref, hbf_ref, hf_ref, auxd_ref,
             aux2_ref):
    xb = x_ref[...]
    h = jnp.dot(xb, w_ref[...], preferred_element_type=jnp.float32)
    h = h + b_ref[...]
    aux = jnp.dot(h, p_ref[...], preferred_element_type=jnp.float32)
    ones = jnp.ones((BLK, 4), jnp.float32)
    z4 = jnp.zeros((BLK, 4), jnp.float32)
    z8 = jnp.zeros((BLK, 8), jnp.float32)
    vale = jnp.concatenate([ones, aux[:, 0:4]], axis=1)
    inter = jnp.dot(vale, ilv_ref[...], preferred_element_type=jnp.float32)
    hbf_ref[...] = jnp.concatenate([h, inter], axis=1).astype(jnp.bfloat16)
    hf_ref[...] = h
    auxd_ref[...] = jnp.concatenate([z4, aux[:, 4:8], z8], axis=1)
    aux2_ref[...] = aux[:, 8:24]


def _phase1(x, W, b2d, Pmat, Ilv):
    grid = (N // BLK,)
    return pl.pallas_call(
        _p1_body,
        grid=grid,
        in_specs=[
            pl.BlockSpec((BLK, D_IN), lambda i: (i, 0)),
            pl.BlockSpec((D_IN, D_OUT), lambda i: (0, 0)),
            pl.BlockSpec((1, D_OUT), lambda i: (0, 0)),
            pl.BlockSpec((D_IN, 32), lambda i: (0, 0)),
            pl.BlockSpec((8, 32), lambda i: (0, 0)),
        ],
        out_specs=[
            pl.BlockSpec((BLK, AW), lambda i: (i, 0)),
            pl.BlockSpec((BLK, D_OUT), lambda i: (i, 0)),
            pl.BlockSpec((BLK, 16), lambda i: (i, 0)),
            pl.BlockSpec((BLK, 16), lambda i: (i, 0)),
        ],
        out_shape=[
            jax.ShapeDtypeStruct((N, AW), jnp.bfloat16),
            jax.ShapeDtypeStruct((N, D_OUT), jnp.float32),
            jax.ShapeDtypeStruct((N, 16), jnp.float32),
            jax.ShapeDtypeStruct((N, 16), jnp.float32),
        ],
    )(x, W, b2d, Pmat, Ilv)



def _sc_body(edge_hbm, haug_hbm, auxd_hbm, zi_hbm, zf_hbm,
             out_hbm, selsrc, seldst, esrc, edst, esrc1, edst1, h0, h1, a0,
             a1, wbuf, acc, semh0, semh1, sema0, sema1, semes, semed, semes1,
             semed1):
    cid = lax.axis_index("c")
    sid = lax.axis_index("s")
    wid = sid * 2 + cid
    base = wid * ROWS
    iota16 = lax.broadcasted_iota(jnp.int32, (16,), 0)

    pltpu.sync_copy(zf_hbm, acc)
    pltpu.sync_copy(zi_hbm, selsrc)
    pltpu.sync_copy(zi_hbm, seldst)

    def f_issue(b, eb_s, eb_d, ss, sd):
        off = jnp.minimum(b * EB, E - EB)
        pltpu.async_copy(edge_hbm.at[0, pl.ds(off, EB)], eb_s, ss)
        pltpu.async_copy(edge_hbm.at[1, pl.ds(off, EB)], eb_d, sd)

    def f_wait(eb_s, eb_d, ss, sd):
        pltpu.make_async_copy(edge_hbm.at[0, pl.ds(0, EB)], eb_s, ss).wait()
        pltpu.make_async_copy(edge_hbm.at[1, pl.ds(0, EB)], eb_d, sd).wait()

    def f_scan(eb_s, eb_d, cnt):
        def in_body(t, cntv):
            d = eb_d[pl.ds(t * 16, 16)]
            s = eb_s[pl.ds(t * 16, 16)]
            ld = d - base
            m = (ld >= 0) & (ld < ROWS)
            pcv = plsc.all_reduce_population_count(m)
            pos = plsc.cumsum(m.astype(jnp.int32))
            idx = jnp.minimum(cntv, CAP - 16) + pos - 1
            plsc.store_scatter(selsrc, [idx], s, mask=m)
            plsc.store_scatter(seldst, [idx], d, mask=m)
            return cntv + pcv

        return plsc.parallel_loop(0, EB // 16, unroll=4, carry=cnt)(in_body)

    cnt0 = jnp.zeros((16,), jnp.int32)
    f_issue(0, esrc, edst, semes, semed)

    def fpair(i, cnt):
        b0 = 2 * i
        f_issue(b0 + 1, esrc1, edst1, semes1, semed1)
        f_wait(esrc, edst, semes, semed)
        cnt = f_scan(esrc, edst, cnt)
        f_issue(b0 + 2, esrc, edst, semes, semed)
        f_wait(esrc1, edst1, semes1, semed1)
        cnt = f_scan(esrc1, edst1, cnt)
        return cnt

    countv = lax.fori_loop(0, E // EB // 2, fpair, cnt0)
    f_wait(esrc, edst, semes, semed)
    count = jnp.minimum(countv[0], CAP)

    def g_issue(b, hb, ab, sh, sa):
        off = jnp.minimum(b * KB, CAP - KB)
        pltpu.async_copy(haug_hbm.at[selsrc.at[pl.ds(off, KB)]], hb, sh)
        pltpu.async_copy(auxd_hbm.at[seldst.at[pl.ds(off, KB)]], ab, sa)

    def g_wait(hb, ab, sh, sa):
        pltpu.make_async_copy(haug_hbm.at[selsrc.at[pl.ds(0, KB)]], hb,
                              sh).wait()
        pltpu.make_async_copy(auxd_hbm.at[seldst.at[pl.ds(0, KB)]], ab,
                              sa).wait()

    def process(b, hb, ab):
        off = jnp.minimum(b * KB, CAP - KB)

        def edge_body(j):
            jv = jnp.full((16,), j, jnp.int32)
            dsel = plsc.load_gather(seldst, [jv + off])
            ldv = jnp.clip(dsel - base, 0, ROWS - 1)
            caux = hb[j, pl.ds(256, 32)]
            e_aux, _ = plsc.unpack(caux, format=plsc.PackFormat.INTERLEAVED)
            z = e_aux + ab[j]
            z = jnp.where(z > 0, z, 0.2 * z)
            w = jnp.exp(z)
            valid = ((iota16 >= 4) & (iota16 < 8)
                     & (jnp.full((16,), off + j, jnp.int32) < count))
            w = jnp.where(valid, w, 0.0)
            wbuf[j] = w
            wbc = [plsc.load_gather(wbuf,
                                    [jv, jnp.full((16,), 4 + h, jnp.int32)])
                   for h in range(4)]
            wsh = plsc.load_gather(wbuf, [jv, jnp.minimum(iota16 + 4, 15)])
            for c in range(8):
                hv = hb[j, pl.ds(c * 32, 32)]
                ev, ov = plsc.unpack(hv, format=plsc.PackFormat.INTERLEAVED)
                wj = wbc[c // 2]
                plsc.addupdate_scatter(acc, [ldv, c * 32 + iota16], ev * wj)
                plsc.addupdate_scatter(acc, [ldv, c * 32 + 16 + iota16],
                                       ov * wj)
            plsc.addupdate_scatter(acc, [ldv, 256 + iota16], e_aux * wsh)

        plsc.parallel_loop(0, KB, unroll=8)(edge_body)

    nb = (count + (KB - 1)) // KB
    npair = (nb + 1) // 2

    g_issue(0, h0, a0, semh0, sema0)

    def pair_body(i, _):
        b0 = 2 * i
        g_issue(b0 + 1, h1, a1, semh1, sema1)
        g_wait(h0, a0, semh0, sema0)
        process(b0, h0, a0)
        g_issue(b0 + 2, h0, a0, semh0, sema0)
        g_wait(h1, a1, semh1, sema1)
        process(b0 + 1, h1, a1)
        return 0

    lax.fori_loop(0, npair, pair_body, 0)
    g_wait(h0, a0, semh0, sema0)

    pltpu.sync_copy(acc, out_hbm.at[pl.ds(base, ROWS)])


def _phase2(edge_index, haug, auxd):
    zi = jnp.zeros((CAP,), jnp.int32)
    zf = jnp.zeros((ROWS, AW), jnp.float32)
    mesh = plsc.VectorSubcoreMesh(core_axis_name="c", subcore_axis_name="s")
    fn = pl.kernel(
        _sc_body,
        out_type=jax.ShapeDtypeStruct((NPAD, AW), jnp.float32),
        mesh=mesh,
        compiler_params=pltpu.CompilerParams(needs_layout_passes=False,
                                             use_tc_tiling_on_sc=False),
        scratch_types=[
            pltpu.VMEM((CAP,), jnp.int32),
            pltpu.VMEM((CAP,), jnp.int32),
            pltpu.VMEM((EB,), jnp.int32),
            pltpu.VMEM((EB,), jnp.int32),
            pltpu.VMEM((EB,), jnp.int32),
            pltpu.VMEM((EB,), jnp.int32),
            pltpu.VMEM((KB, AW), jnp.bfloat16),
            pltpu.VMEM((KB, AW), jnp.bfloat16),
            pltpu.VMEM((KB, 16), jnp.float32),
            pltpu.VMEM((KB, 16), jnp.float32),
            pltpu.VMEM((KB, 16), jnp.float32),
            pltpu.VMEM((ROWS, AW), jnp.float32),
            pltpu.SemaphoreType.DMA,
            pltpu.SemaphoreType.DMA,
            pltpu.SemaphoreType.DMA,
            pltpu.SemaphoreType.DMA,
            pltpu.SemaphoreType.DMA,
            pltpu.SemaphoreType.DMA,
            pltpu.SemaphoreType.DMA,
            pltpu.SemaphoreType.DMA,
        ],
    )
    return fn(edge_index, haug, auxd, zi, zf)



def _p3_body(acc_ref, aux2_ref, haug_ref, q_ref, s_ref, rb_ref, d_ref,
             out_ref):
    accb = acc_ref[...]
    num = jnp.dot(accb[:, :256], d_ref[...],
                  preferred_element_type=jnp.float32)
    den = accb[:, 256:260]
    S = s_ref[...]
    rinv = 1.0 / (den + 1e-16)
    agg = num * jnp.dot(rinv, S, preferred_element_type=jnp.float32)
    sr0 = jnp.dot(agg, q_ref[...], preferred_element_type=jnp.float32)[:, :4]
    aux2 = aux2_ref[...]
    rb = rb_ref[...]
    z0 = aux2[:, 0:4] + sr0
    z1 = aux2[:, 4:8] + aux2[:, 8:12]
    l0 = jnp.where(z0 > 0, z0, 0.2 * z0) + rb[:, 0:4]
    l1 = jnp.where(z1 > 0, z1, 0.2 * z1) + rb[:, 4:8]
    b0 = jax.nn.sigmoid(l0 - l1)
    b1 = 1.0 - b0
    h = haug_ref[...]
    out = agg * jnp.dot(b0, S, preferred_element_type=jnp.float32) + \
        h * jnp.dot(b1, S, preferred_element_type=jnp.float32)
    out_ref[...] = jnp.maximum(out, 0.0)


def _phase3(acc, aux2, hf, Q, S, rbv, Dsel):
    grid = (N // BLK,)
    return pl.pallas_call(
        _p3_body,
        grid=grid,
        in_specs=[
            pl.BlockSpec((BLK, AW), lambda i: (i, 0)),
            pl.BlockSpec((BLK, 16), lambda i: (i, 0)),
            pl.BlockSpec((BLK, D_OUT), lambda i: (i, 0)),
            pl.BlockSpec((D_OUT, 8), lambda i: (0, 0)),
            pl.BlockSpec((4, D_OUT), lambda i: (0, 0)),
            pl.BlockSpec((1, 8), lambda i: (0, 0)),
            pl.BlockSpec((D_OUT, D_OUT), lambda i: (0, 0)),
        ],
        out_specs=pl.BlockSpec((BLK, D_OUT), lambda i: (i, 0)),
        out_shape=jax.ShapeDtypeStruct((N, D_OUT), jnp.float32),
    )(acc, aux2, hf, Q, S, rbv, Dsel)



def _blockdiag(v):
    eye = jnp.eye(HEADS, dtype=jnp.float32)
    return (v[:, :, None] * eye[:, None, :]).reshape(HEADS * OUT_CH, HEADS)


_S_SEL = np.kron(np.eye(4, dtype=np.float32), np.ones((1, 64), np.float32))
_ILV = np.zeros((8, 32), np.float32)
for _k in range(8):
    _ILV[_k, 2 * _k] = 1.0
_PERM = np.zeros((256, 256), np.float32)
for _c in range(8):
    for _k in range(16):
        _PERM[32 * _c + _k, 32 * _c + 2 * _k] = 1.0
        _PERM[32 * _c + 16 + _k, 32 * _c + 2 * _k + 1] = 1.0


def kernel(x, edge_index, global_node_index, W, b, attn, rel_attn_l,
           rel_attn_r, rel_bias):
    b2d = b.reshape(1, D_OUT)
    Pmat = jnp.concatenate([
        _blockdiag(attn[:, :OUT_CH]),
        _blockdiag(attn[:, OUT_CH:]),
        _blockdiag(rel_attn_l[0]),
        _blockdiag(rel_attn_l[1]),
        _blockdiag(rel_attn_r[1]),
        jnp.zeros((D_IN, 12), jnp.float32),
    ], axis=1)
    Q = jnp.concatenate([_blockdiag(rel_attn_r[0]),
                         jnp.zeros((D_IN, 4), jnp.float32)], axis=1)
    rbv = jnp.concatenate([jnp.full((4,), rel_bias[0], jnp.float32),
                           jnp.full((4,), rel_bias[1], jnp.float32)]
                          ).reshape(1, 8)

    hbf, hf, auxd, aux2 = _phase1(x, W, b2d, Pmat, jnp.asarray(_ILV))
    accp = _phase2(edge_index, hbf, auxd)
    out = _phase3(accp, aux2, hf, Q, jnp.asarray(_S_SEL), rbv,
                  jnp.asarray(_PERM))
    return out

# --- scband reference (transcript-rebuilt; emitter-appended) ---
"""Pipeline reference for scband-latte-69965017252602 (READ-ONLY COPY).

The authoritative reference and input builder live on the scoring server;
editing this copy changes nothing except your own understanding.
"""

import jax, jax.numpy as jnp
import numpy as np

N = 10000
E = 160000
D_IN = 256
D_OUT = 256
HEADS = 4
OUT_CH = D_OUT // HEADS
R = 2  # one metapath relation + self relation


def setup_inputs(seed: int = 0) -> dict:
    key = jax.random.key(seed)
    ks = jax.random.split(key, 8)
    x = jax.random.normal(ks[0], (N, D_IN), dtype=jnp.float32)
    edge_index = jax.random.randint(ks[1], (2, E), 0, N)
    global_node_index = jnp.arange(N)
    # learned parameters sized per init_kwargs
    W = jax.random.normal(ks[2], (D_IN, D_OUT), dtype=jnp.float32) * (1.0 / np.sqrt(D_IN))
    b = jnp.zeros((D_OUT,), dtype=jnp.float32)
    attn = jax.random.normal(ks[3], (HEADS, 2 * OUT_CH), dtype=jnp.float32) * 0.1
    rel_attn_l = jax.random.normal(ks[4], (R, HEADS, OUT_CH), dtype=jnp.float32) * 0.1
    rel_attn_r = jax.random.normal(ks[5], (R, HEADS, OUT_CH), dtype=jnp.float32) * 0.1
    rel_bias = jnp.zeros((R,), dtype=jnp.float32)
    return {"x": x, "edge_index": edge_index, "global_node_index": global_node_index,
            "W": W, "b": b, "attn": attn,
            "rel_attn_l": rel_attn_l, "rel_attn_r": rel_attn_r, "rel_bias": rel_bias}


def _segment_softmax(logits, seg, num):
    # softmax over incoming edges per destination node (per head)
    maxs = jax.ops.segment_max(logits, seg, num_segments=num)
    maxs = jnp.where(jnp.isfinite(maxs), maxs, 0.0)
    e = jnp.exp(logits - maxs[seg])
    s = jax.ops.segment_sum(e, seg, num_segments=num)
    return e / (s[seg] + 1e-16)


def reference(x, edge_index, global_node_index, W, b, attn, rel_attn_l, rel_attn_r, rel_bias):
    # projection: per-ntype Linear, reshape to [N, heads, out_channels]
    h = (x @ W + b).reshape(N, HEADS, OUT_CH)
    src = edge_index[0]
    dst = edge_index[1]
    h_src = h[src]
    h_dst = h[dst]
    # metapath edge attention (GAT-style with attn vector over concat(src, dst))
    cat = jnp.concatenate([h_src, h_dst], axis=-1)          # [E, H, 2C]
    alpha = (cat * attn[None, :, :]).sum(-1)                # [E, H]
    alpha = jax.nn.leaky_relu(alpha, 0.2)                    # attn_activation LeakyReLU(0.2)
    alpha = _segment_softmax(alpha, dst, N)                  # softmax over in-edges per dst
    # (attn_dropout skipped: eval mode)
    msg = h_src * alpha[..., None]                           # [E, H, C]
    agg = jax.ops.segment_sum(msg, dst, num_segments=N)      # aggr='add' -> [N, H, C]
    # stack relation embeddings; last slot is the self (projected) embedding
    h_out = jnp.stack([agg, h], axis=1)                      # [N, R, H, C]
    # get_beta_weights: relation-level attention
    x_l = h[:, None, :, :] * rel_attn_l[None]                # [N, R, H, C]
    x_r = h_out * rel_attn_r[None]                           # [N, R, H, C]
    beta = jax.nn.leaky_relu((x_l + x_r).sum(-1), 0.2) + rel_bias[None, :, None]  # [N, R, H]
    beta = jax.nn.softmax(beta, axis=1)                      # softmax over relations
    # (attn_dropout skipped: eval mode)
    out = (h_out * beta[..., None]).sum(axis=1)              # [N, H, C]
    out = out.reshape(N, D_OUT)
    out = jax.nn.relu(out)                                   # activation='relu'
    # (dropout skipped: eval mode)
    return out

if __name__ == "__main__":
    import jax
    _d = setup_inputs()
    print(jax.jit(kernel)(*tuple(_d.values())))

</pallas_src>

<mosaic_0001>
#map = affine_map<(d0, d1) -> (0, 0)>
#map1 = affine_map<(d0, d1) -> (0)>
module attributes {stable_mosaic.version = 14 : i64} {
  func.func @_sc_body(%arg0: i32, %arg1: i32, %arg2: memref<2x160000xi32, #tpu.memory_space<hbm>>, %arg3: memref<10000x288xbf16, #tpu.memory_space<hbm>>, %arg4: memref<10000x16xf32, #tpu.memory_space<hbm>>, %arg5: memref<5760xi32, #tpu.memory_space<hbm>>, %arg6: memref<320x288xf32, #tpu.memory_space<hbm>>, %arg7: memref<10240x288xf32, #tpu.memory_space<hbm>>, %arg8: memref<5760xi32, #tpu.memory_space<vmem>>, %arg9: memref<5760xi32, #tpu.memory_space<vmem>>, %arg10: memref<2000xi32, #tpu.memory_space<vmem>>, %arg11: memref<2000xi32, #tpu.memory_space<vmem>>, %arg12: memref<2000xi32, #tpu.memory_space<vmem>>, %arg13: memref<2000xi32, #tpu.memory_space<vmem>>, %arg14: memref<32x288xbf16, #tpu.memory_space<vmem>>, %arg15: memref<32x288xbf16, #tpu.memory_space<vmem>>, %arg16: memref<32x16xf32, #tpu.memory_space<vmem>>, %arg17: memref<32x16xf32, #tpu.memory_space<vmem>>, %arg18: memref<32x16xf32, #tpu.memory_space<vmem>>, %arg19: memref<320x288xf32, #tpu.memory_space<vmem>>, %arg20: memref<!tpu.dma_semaphore, #tpu.memory_space<semaphore_mem>>, %arg21: memref<!tpu.dma_semaphore, #tpu.memory_space<semaphore_mem>>, %arg22: memref<!tpu.dma_semaphore, #tpu.memory_space<semaphore_mem>>, %arg23: memref<!tpu.dma_semaphore, #tpu.memory_space<semaphore_mem>>, %arg24: memref<!tpu.dma_semaphore, #tpu.memory_space<semaphore_mem>>, %arg25: memref<!tpu.dma_semaphore, #tpu.memory_space<semaphore_mem>>, %arg26: memref<!tpu.dma_semaphore, #tpu.memory_space<semaphore_mem>>, %arg27: memref<!tpu.dma_semaphore, #tpu.memory_space<semaphore_mem>>) attributes {dimension_semantics = [#tpu.dimension_semantics<core_parallel>, #tpu.dimension_semantics<subcore_parallel>], iteration_bounds = array<i64: 2, 16>, scalar_prefetch = 0 : i64, scratch_operands = 20 : i64, tpu.core_type = #tpu.core_type<sc_vector_subcore>, window_params = [{transform_indices = #map}, {transform_indices = #map}, {transform_indices = #map}, {transform_indices = #map1}, {transform_indices = #map}, {transform_indices = #map}]} {
    %mul3A = arith.constant 2 : i32
    %mul3A_0 = arith.muli %arg1, %mul3A : i32
    %add3A = arith.addi %mul3A_0, %arg0 : i32
    %mul3A_1 = arith.constant 320 : i32
    %mul3A_2 = arith.muli %add3A, %mul3A_1 : i32
    %iota3A = tpu.iota {dimensions = array<i32: 0>} : vector<16xi32>
    "tpu.region"() ({
      %run_scoped3A = tpu.sem_alloc : memref<!tpu.dma_semaphore, #tpu.memory_space<semaphore_mem>>
      tpu.enqueue_dma source(%arg6 : memref<320x288xf32, #tpu.memory_space<hbm>>) target(%arg19 : memref<320x288xf32, #tpu.memory_space<vmem>>) target_semaphore(%run_scoped3A : memref<!tpu.dma_semaphore, #tpu.memory_space<semaphore_mem>>)
      tpu.wait_dma2 semaphore(%run_scoped3A : memref<!tpu.dma_semaphore, #tpu.memory_space<semaphore_mem>>) src(%arg6 : memref<320x288xf32, #tpu.memory_space<hbm>>) dst(%arg19 : memref<320x288xf32, #tpu.memory_space<vmem>>)
      tpu.yield
    }) : () -> ()
    "tpu.region"() ({
      %run_scoped3A = tpu.sem_alloc : memref<!tpu.dma_semaphore, #tpu.memory_space<semaphore_mem>>
      tpu.enqueue_dma source(%arg5 : memref<5760xi32, #tpu.memory_space<hbm>>) target(%arg8 : memref<5760xi32, #tpu.memory_space<vmem>>) target_semaphore(%run_scoped3A : memref<!tpu.dma_semaphore, #tpu.memory_space<semaphore_mem>>)
      tpu.wait_dma2 semaphore(%run_scoped3A : memref<!tpu.dma_semaphore, #tpu.memory_space<semaphore_mem>>) src(%arg5 : memref<5760xi32, #tpu.memory_space<hbm>>) dst(%arg8 : memref<5760xi32, #tpu.memory_space<vmem>>)
      tpu.yield
    }) : () -> ()
    "tpu.region"() ({
      %run_scoped3A = tpu.sem_alloc : memref<!tpu.dma_semaphore, #tpu.memory_space<semaphore_mem>>
      tpu.enqueue_dma source(%arg5 : memref<5760xi32, #tpu.memory_space<hbm>>) target(%arg9 : memref<5760xi32, #tpu.memory_space<vmem>>) target_semaphore(%run_scoped3A : memref<!tpu.dma_semaphore, #tpu.memory_space<semaphore_mem>>)
      tpu.wait_dma2 semaphore(%run_scoped3A : memref<!tpu.dma_semaphore, #tpu.memory_space<semaphore_mem>>) src(%arg5 : memref<5760xi32, #tpu.memory_space<hbm>>) dst(%arg9 : memref<5760xi32, #tpu.memory_space<vmem>>)
      tpu.yield
    }) : () -> ()
    %broadcast_in_dim3A = arith.constant 0 : i32
    %broadcast_in_dim3A_3 = vector.broadcast %broadcast_in_dim3A : i32 to vector<16xi32>
    %min3A = arith.constant 0 : i32
    %min3A_4 = arith.constant 158000 : i32
    %min3A_5 = arith.minsi %min3A, %min3A_4 : i32
    %dma_start3A = arith.constant 0 : i32
    %dma_start3A_6 = tpu.memref_slice %arg2[%dma_start3A, %min3A_5] : memref<2x160000xi32, #tpu.memory_space<hbm>> -> memref<1x2000xi32, #tpu.memory_space<hbm>>
    %dma_start3A_7 = tpu.memref_squeeze %dma_start3A_6 : memref<1x2000xi32, #tpu.memory_space<hbm>> -> memref<2000xi32, #tpu.memory_space<hbm>>
    %dma_start3A_8 = tpu.memref_slice %arg2[%dma_start3A, %min3A_5] : memref<2x160000xi32, #tpu.memory_space<hbm>> -> memref<1x2000xi32, #tpu.memory_space<hbm>>
    %dma_start3A_9 = tpu.memref_squeeze %dma_start3A_8 : memref<1x2000xi32, #tpu.memory_space<hbm>> -> memref<2000xi32, #tpu.memory_space<hbm>>
    tpu.enqueue_dma source(%dma_start3A_9 : memref<2000xi32, #tpu.memory_space<hbm>>) target(%arg10 : memref<2000xi32, #tpu.memory_space<vmem>>) target_semaphore(%arg24 : memref<!tpu.dma_semaphore, #tpu.memory_space<semaphore_mem>>)
    %dma_start3A_10 = arith.constant 1 : i32
    %dma_start3A_11 = tpu.memref_slice %arg2[%dma_start3A_10, %min3A_5] : memref<2x160000xi32, #tpu.memory_space<hbm>> -> memref<1x2000xi32, #tpu.memory_space<hbm>>
    %dma_start3A_12 = tpu.memref_squeeze %dma_start3A_11 : memref<1x2000xi32, #tpu.memory_space<hbm>> -> memref<2000xi32, #tpu.memory_space<hbm>>
    %dma_start3A_13 = tpu.memref_slice %arg2[%dma_start3A_10, %min3A_5] : memref<2x160000xi32, #tpu.memory_space<hbm>> -> memref<1x2000xi32, #tpu.memory_space<hbm>>
    %dma_start3A_14 = tpu.memref_squeeze %dma_start3A_13 : memref<1x2000xi32, #tpu.memory_space<hbm>> -> memref<2000xi32, #tpu.memory_space<hbm>>
    tpu.enqueue_dma source(%dma_start3A_14 : memref<2000xi32, #tpu.memory_space<hbm>>) target(%arg11 : memref<2000xi32, #tpu.memory_space<vmem>>) target_semaphore(%arg25 : memref<!tpu.dma_semaphore, #tpu.memory_space<semaphore_mem>>)
    %scan3A = arith.constant 0 : i32
    %scan3A_15 = arith.constant 40 : i32
    %scan3A_16 = arith.addi %scan3A, %scan3A_15 : i32
    %scan3A_17 = arith.constant 1 : i32
    %scan3A_18 = scf.for %scan3A_111 = %scan3A to %scan3A_16 step %scan3A_17 iter_args(%scan3A_112 = %broadcast_in_dim3A_3) -> (vector<16xi32>)  : i32 {
      %mul3A_113 = arith.constant 2 : i32
      %mul3A_114 = arith.muli %mul3A_113, %scan3A_111 : i32
      %add3A_115 = arith.constant 1 : i32
      %add3A_116 = arith.addi %mul3A_114, %add3A_115 : i32
      %mul3A_117 = arith.constant 2000 : i32
      %mul3A_118 = arith.muli %add3A_116, %mul3A_117 : i32
      %min3A_119 = arith.constant 158000 : i32
      %min3A_120 = arith.minsi %mul3A_118, %min3A_119 : i32
      %dma_start3A_121 = arith.constant 0 : i32
      %dma_start3A_122 = tpu.memref_slice %arg2[%dma_start3A_121, %min3A_120] : memref<2x160000xi32, #tpu.memory_space<hbm>> -> memref<1x2000xi32, #tpu.memory_space<hbm>>
      %dma_start3A_123 = tpu.memref_squeeze %dma_start3A_122 : memref<1x2000xi32, #tpu.memory_space<hbm>> -> memref<2000xi32, #tpu.memory_space<hbm>>
      %dma_start3A_124 = tpu.memref_slice %arg2[%dma_start3A_121, %min3A_120] : memref<2x160000xi32, #tpu.memory_space<hbm>> -> memref<1x2000xi32, #tpu.memory_space<hbm>>
      %dma_start3A_125 = tpu.memref_squeeze %dma_start3A_124 : memref<1x2000xi32, #tpu.memory_space<hbm>> -> memref<2000xi32, #tpu.memory_space<hbm>>
      tpu.enqueue_dma source(%dma_start3A_125 : memref<2000xi32, #tpu.memory_space<hbm>>) target(%arg12 : memref<2000xi32, #tpu.memory_space<vmem>>) target_semaphore(%arg26 : memref<!tpu.dma_semaphore, #tpu.memory_space<semaphore_mem>>)
      %dma_start3A_126 = arith.constant 1 : i32
      %dma_start3A_127 = tpu.memref_slice %arg2[%dma_start3A_126, %min3A_120] : memref<2x160000xi32, #tpu.memory_space<hbm>> -> memref<1x2000xi32, #tpu.memory_space<hbm>>
      %dma_start3A_128 = tpu.memref_squeeze %dma_start3A_127 : memref<1x2000xi32, #tpu.memory_space<hbm>> -> memref<2000xi32, #tpu.memory_space<hbm>>
      %dma_start3A_129 = tpu.memref_slice %arg2[%dma_start3A_126, %min3A_120] : memref<2x160000xi32, #tpu.memory_space<hbm>> -> memref<1x2000xi32, #tpu.memory_space<hbm>>
      %dma_start3A_130 = tpu.memref_squeeze %dma_start3A_129 : memref<1x2000xi32, #tpu.memory_space<hbm>> -> memref<2000xi32, #tpu.memory_space<hbm>>
      tpu.enqueue_dma source(%dma_start3A_130 : memref<2000xi32, #tpu.memory_space<hbm>>) target(%arg13 : memref<2000xi32, #tpu.memory_space<vmem>>) target_semaphore(%arg27 : memref<!tpu.dma_semaphore, #tpu.memory_space<semaphore_mem>>)
      %dma_wait3A_131 = arith.constant 0 : i32
      %dma_wait3A_132 = arith.constant 0 : i32
      %dma_wait3A_133 = tpu.memref_slice %arg2[%dma_wait3A_131, %dma_wait3A_132] : memref<2x160000xi32, #tpu.memory_space<hbm>> -> memref<1x2000xi32, #tpu.memory_space<hbm>>
      %dma_wait3A_134 = tpu.memref_squeeze %dma_wait3A_133 : memref<1x2000xi32, #tpu.memory_space<hbm>> -> memref<2000xi32, #tpu.memory_space<hbm>>
      %dma_wait3A_135 = arith.constant 0 : i32
      %dma_wait3A_136 = tpu.memref_slice %arg2[%dma_wait3A_131, %dma_wait3A_135] : memref<2x160000xi32, #tpu.memory_space<hbm>> -> memref<1x2000xi32, #tpu.memory_space<hbm>>
      %dma_wait3A_137 = tpu.memref_squeeze %dma_wait3A_136 : memref<1x2000xi32, #tpu.memory_space<hbm>> -> memref<2000xi32, #tpu.memory_space<hbm>>
      tpu.wait_dma2 semaphore(%arg24 : memref<!tpu.dma_semaphore, #tpu.memory_space<semaphore_mem>>) src(%dma_wait3A_137 : memref<2000xi32, #tpu.memory_space<hbm>>) dst(%arg10 : memref<2000xi32, #tpu.memory_space<vmem>>)
      %dma_wait3A_138 = arith.constant 1 : i32
      %dma_wait3A_139 = arith.constant 0 : i32
      %dma_wait3A_140 = tpu.memref_slice %arg2[%dma_wait3A_138, %dma_wait3A_139] : memref<2x160000xi32, #tpu.memory_space<hbm>> -> memref<1x2000xi32, #tpu.memory_space<hbm>>
      %dma_wait3A_141 = tpu.memref_squeeze %dma_wait3A_140 : memref<1x2000xi32, #tpu.memory_space<hbm>> -> memref<2000xi32, #tpu.memory_space<hbm>>
      %dma_wait3A_142 = arith.constant 0 : i32
      %dma_wait3A_143 = tpu.memref_slice %arg2[%dma_wait3A_138, %dma_wait3A_142] : memref<2x160000xi32, #tpu.memory_space<hbm>> -> memref<1x2000xi32, #tpu.memory_space<hbm>>
      %dma_wait3A_144 = tpu.memref_squeeze %dma_wait3A_143 : memref<1x2000xi32, #tpu.memory_space<hbm>> -> memref<2000xi32, #tpu.memory_space<hbm>>
      tpu.wait_dma2 semaphore(%arg25 : memref<!tpu.dma_semaphore, #tpu.memory_space<semaphore_mem>>) src(%dma_wait3A_144 : memref<2000xi32, #tpu.memory_space<hbm>>) dst(%arg11 : memref<2000xi32, #tpu.memory_space<vmem>>)
      %parallel_loop3A = arith.constant 0 : i32
      %parallel_loop3A_145 = arith.constant 125 : i32
      %parallel_loop3A_146 = arith.constant 1 : i32
      %parallel_loop3A_147 = scf.for %parallel_loop3A_182 = %parallel_loop3A to %parallel_loop3A_145 step %parallel_loop3A_146 iter_args(%parallel_loop3A_183 = %scan3A_112) -> (vector<16xi32>)  : i32 {
        %parallel_loop3A_184 = arith.constant 16 : i32
        %parallel_loop3A_185 = arith.muli %parallel_loop3A_182, %parallel_loop3A_184 : i32
        %parallel_loop3A_186 = arith.index_cast %parallel_loop3A_185 : i32 to index
        %parallel_loop3A_187 = tpu.vector_load %arg11[%parallel_loop3A_186] {strides = array<i32>} : memref<2000xi32, #tpu.memory_space<vmem>>, vector<16xi32>,
        %parallel_loop3A_188 = arith.constant 16 : i32
        %parallel_loop3A_189 = arith.muli %parallel_loop3A_182, %parallel_loop3A_188 : i32
        %parallel_loop3A_190 = arith.index_cast %parallel_loop3A_189 : i32 to index
        %parallel_loop3A_191 = tpu.vector_load %arg10[%parallel_loop3A_190] {strides = array<i32>} : memref<2000xi32, #tpu.memory_space<vmem>>, vector<16xi32>,
        %parallel_loop3A_192 = vector.broadcast %mul3A_2 : i32 to vector<16xi32>
        %parallel_loop3A_193 = arith.subi %parallel_loop3A_187, %parallel_loop3A_192 : vector<16xi32>
        %parallel_loop3A_194 = arith.constant 0 : i32
        %parallel_loop3A_195 = vector.broadcast %parallel_loop3A_194 : i32 to vector<16xi32>
        %parallel_loop3A_196 = arith.cmpi sge, %parallel_loop3A_193, %parallel_loop3A_195 : vector<16xi32>
        %parallel_loop3A_197 = arith.constant 320 : i32
        %parallel_loop3A_198 = vector.broadcast %parallel_loop3A_197 : i32 to vector<16xi32>
        %parallel_loop3A_199 = arith.cmpi slt, %parallel_loop3A_193, %parallel_loop3A_198 : vector<16xi32>
        %parallel_loop3A_200 = arith.andi %parallel_loop3A_196, %parallel_loop3A_199 : vector<16xi1>
        %parallel_loop3A_201 = tpu.all_reduce %parallel_loop3A_200 {dim = 0 : i64, kind = #tpu.reduction_kind<sum>} : vector<16xi1> -> vector<16xi32>
        %parallel_loop3A_202 = arith.extui %parallel_loop3A_200 : vector<16xi1> to vector<16xi32>
        %parallel_loop3A_203 = arith.constant true
        %parallel_loop3A_204 = vector.broadcast %parallel_loop3A_203 : i1 to vector<16xi1>
        %parallel_loop3A_205 = tpu.scan <sum>, %parallel_loop3A_202 masked %parallel_loop3A_204 : vector<16xi32>, vector<16xi1> -> vector<16xi32>
        %parallel_loop3A_206 = arith.constant 5744 : i32
        %parallel_loop3A_207 = vector.broadcast %parallel_loop3A_206 : i32 to vector<16xi32>
        %parallel_loop3A_208 = arith.minsi %parallel_loop3A_183, %parallel_loop3A_207 : vector<16xi32>
        %parallel_loop3A_209 = arith.addi %parallel_loop3A_208, %parallel_loop3A_205 : vector<16xi32>
        %parallel_loop3A_210 = arith.constant 1 : i32
        %parallel_loop3A_211 = vector.broadcast %parallel_loop3A_210 : i32 to vector<16xi32>
        %parallel_loop3A_212 = arith.subi %parallel_loop3A_209, %parallel_loop3A_211 : vector<16xi32>
        tpu.vector_store_idx %arg8[%parallel_loop3A_212], %parallel_loop3A_191 masked %parallel_loop3A_200 : memref<5760xi32, #tpu.memory_space<vmem>>[vector<16xi32>], vector<16xi32>, vector<16xi1>
        tpu.vector_store_idx %arg9[%parallel_loop3A_212], %parallel_loop3A_187 masked %parallel_loop3A_200 : memref<5760xi32, #tpu.memory_space<vmem>>[vector<16xi32>], vector<16xi32>, vector<16xi1>
        %parallel_loop3A_213 = arith.addi %parallel_loop3A_183, %parallel_loop3A_201 : vector<16xi32>
        scf.yield %parallel_loop3A_213 : vector<16xi32>
      } {sc.loop_unroll_factor = 4 : i64, sc.parallel_access}
      %add3A_148 = arith.constant 2 : i32
      %add3A_149 = arith.addi %mul3A_114, %add3A_148 : i32
      %mul3A_150 = arith.constant 2000 : i32
      %mul3A_151 = arith.muli %add3A_149, %mul3A_150 : i32
      %min3A_152 = arith.constant 158000 : i32
      %min3A_153 = arith.minsi %mul3A_151, %min3A_152 : i32
      %dma_start3A_154 = arith.constant 0 : i32
      %dma_start3A_155 = tpu.memref_slice %arg2[%dma_start3A_154, %min3A_153] : memref<2x160000xi32, #tpu.memory_space<hbm>> -> memref<1x2000xi32, #tpu.memory_space<hbm>>
      %dma_start3A_156 = tpu.memref_squeeze %dma_start3A_155 : memref<1x2000xi32, #tpu.memory_space<hbm>> -> memref<2000xi32, #tpu.memory_space<hbm>>
      %dma_start3A_157 = tpu.memref_slice %arg2[%dma_start3A_154, %min3A_153] : memref<2x160000xi32, #tpu.memory_space<hbm>> -> memref<1x2000xi32, #tpu.memory_space<hbm>>
      %dma_start3A_158 = tpu.memref_squeeze %dma_start3A_157 : memref<1x2000xi32, #tpu.memory_space<hbm>> -> memref<2000xi32, #tpu.memory_space<hbm>>
      tpu.enqueue_dma source(%dma_start3A_158 : memref<2000xi32, #tpu.memory_space<hbm>>) target(%arg10 : memref<2000xi32, #tpu.memory_space<vmem>>) target_semaphore(%arg24 : memref<!tpu.dma_semaphore, #tpu.memory_space<semaphore_mem>>)
      %dma_start3A_159 = arith.constant 1 : i32
      %dma_start3A_160 = tpu.memref_slice %arg2[%dma_start3A_159, %min3A_153] : memref<2x160000xi32, #tpu.memory_space<hbm>> -> memref<1x2000xi32, #tpu.memory_space<hbm>>
      %dma_start3A_161 = tpu.memref_squeeze %dma_start3A_160 : memref<1x2000xi32, #tpu.memory_space<hbm>> -> memref<2000xi32, #tpu.memory_space<hbm>>
      %dma_start3A_162 = tpu.memref_slice %arg2[%dma_start3A_159, %min3A_153] : memref<2x160000xi32, #tpu.memory_space<hbm>> -> memref<1x2000xi32, #tpu.memory_space<hbm>>
      %dma_start3A_163 = tpu.memref_squeeze %dma_start3A_162 : memref<1x2000xi32, #tpu.memory_space<hbm>> -> memref<2000xi32, #tpu.memory_space<hbm>>
      tpu.enqueue_dma source(%dma_start3A_163 : memref<2000xi32, #tpu.memory_space<hbm>>) target(%arg11 : memref<2000xi32, #tpu.memory_space<vmem>>) target_semaphore(%arg25 : memref<!tpu.dma_semaphore, #tpu.memory_space<semaphore_mem>>)
      %dma_wait3A_164 = arith.constant 0 : i32
      %dma_wait3A_165 = arith.constant 0 : i32
      %dma_wait3A_166 = tpu.memref_slice %arg2[%dma_wait3A_164, %dma_wait3A_165] : memref<2x160000xi32, #tpu.memory_space<hbm>> -> memref<1x2000xi32, #tpu.memory_space<hbm>>
      %dma_wait3A_167 = tpu.memref_squeeze %dma_wait3A_166 : memref<1x2000xi32, #tpu.memory_space<hbm>> -> memref<2000xi32, #tpu.memory_space<hbm>>
      %dma_wait3A_168 = arith.constant 0 : i32
      %dma_wait3A_169 = tpu.memref_slice %arg2[%dma_wait3A_164, %dma_wait3A_168] : memref<2x160000xi32, #tpu.memory_space<hbm>> -> memref<1x2000xi32, #tpu.memory_space<hbm>>
      %dma_wait3A_170 = tpu.memref_squeeze %dma_wait3A_169 : memref<1x2000xi32, #tpu.memory_space<hbm>> -> memref<2000xi32, #tpu.memory_space<hbm>>
      tpu.wait_dma2 semaphore(%arg26 : memref<!tpu.dma_semaphore, #tpu.memory_space<semaphore_mem>>) src(%dma_wait3A_170 : memref<2000xi32, #tpu.memory_space<hbm>>) dst(%arg12 : memref<2000xi32, #tpu.memory_space<vmem>>)
      %dma_wait3A_171 = arith.constant 1 : i32
      %dma_wait3A_172 = arith.constant 0 : i32
      %dma_wait3A_173 = tpu.memref_slice %arg2[%dma_wait3A_171, %dma_wait3A_172] : memref<2x160000xi32, #tpu.memory_space<hbm>> -> memref<1x2000xi32, #tpu.memory_space<hbm>>
      %dma_wait3A_174 = tpu.memref_squeeze %dma_wait3A_173 : memref<1x2000xi32, #tpu.memory_space<hbm>> -> memref<2000xi32, #tpu.memory_space<hbm>>
      %dma_wait3A_175 = arith.constant 0 : i32
      %dma_wait3A_176 = tpu.memref_slice %arg2[%dma_wait3A_171, %dma_wait3A_175] : memref<2x160000xi32, #tpu.memory_space<hbm>> -> memref<1x2000xi32, #tpu.memory_space<hbm>>
      %dma_wait3A_177 = tpu.memref_squeeze %dma_wait3A_176 : memref<1x2000xi32, #tpu.memory_space<hbm>> -> memref<2000xi32, #tpu.memory_space<hbm>>
      tpu.wait_dma2 semaphore(%arg27 : memref<!tpu.dma_semaphore, #tpu.memory_space<semaphore_mem>>) src(%dma_wait3A_177 : memref<2000xi32, #tpu.memory_space<hbm>>) dst(%arg13 : memref<2000xi32, #tpu.memory_space<vmem>>)
      %parallel_loop3A_178 = arith.constant 0 : i32
      %parallel_loop3A_179 = arith.constant 125 : i32
      %parallel_loop3A_180 = arith.constant 1 : i32
      %parallel_loop3A_181 = scf.for %parallel_loop3A_182 = %parallel_loop3A_178 to %parallel_loop3A_179 step %parallel_loop3A_180 iter_args(%parallel_loop3A_183 = %parallel_loop3A_147) -> (vector<16xi32>)  : i32 {
        %parallel_loop3A_184 = arith.constant 16 : i32
        %parallel_loop3A_185 = arith.muli %parallel_loop3A_182, %parallel_loop3A_184 : i32
        %parallel_loop3A_186 = arith.index_cast %parallel_loop3A_185 : i32 to index
        %parallel_loop3A_187 = tpu.vector_load %arg13[%parallel_loop3A_186] {strides = array<i32>} : memref<2000xi32, #tpu.memory_space<vmem>>, vector<16xi32>,
        %parallel_loop3A_188 = arith.constant 16 : i32
        %parallel_loop3A_189 = arith.muli %parallel_loop3A_182, %parallel_loop3A_188 : i32
        %parallel_loop3A_190 = arith.index_cast %parallel_loop3A_189 : i32 to index
        %parallel_loop3A_191 = tpu.vector_load %arg12[%parallel_loop3A_190] {strides = array<i32>} : memref<2000xi32, #tpu.memory_space<vmem>>, vector<16xi32>,
        %parallel_loop3A_192 = vector.broadcast %mul3A_2 : i32 to vector<16xi32>
        %parallel_loop3A_193 = arith.subi %parallel_loop3A_187, %parallel_loop3A_192 : vector<16xi32>
        %parallel_loop3A_194 = arith.constant 0 : i32
        %parallel_loop3A_195 = vector.broadcast %parallel_loop3A_194 : i32 to vector<16xi32>
        %parallel_loop3A_196 = arith.cmpi sge, %parallel_loop3A_193, %parallel_loop3A_195 : vector<16xi32>
        %parallel_loop3A_197 = arith.constant 320 : i32
        %parallel_loop3A_198 = vector.broadcast %parallel_loop3A_197 : i32 to vector<16xi32>
        %parallel_loop3A_199 = arith.cmpi slt, %parallel_loop3A_193, %parallel_loop3A_198 : vector<16xi32>
        %parallel_loop3A_200 = arith.andi %parallel_loop3A_196, %parallel_loop3A_199 : vector<16xi1>
        %parallel_loop3A_201 = tpu.all_reduce %parallel_loop3A_200 {dim = 0 : i64, kind = #tpu.reduction_kind<sum>} : vector<16xi1> -> vector<16xi32>
        %parallel_loop3A_202 = arith.extui %parallel_loop3A_200 : vector<16xi1> to vector<16xi32>
        %parallel_loop3A_203 = arith.constant true
        %parallel_loop3A_204 = vector.broadcast %parallel_loop3A_203 : i1 to vector<16xi1>
        %parallel_loop3A_205 = tpu.scan <sum>, %parallel_loop3A_202 masked %parallel_loop3A_204 : vector<16xi32>, vector<16xi1> -> vector<16xi32>
        %parallel_loop3A_206 = arith.constant 5744 : i32
        %parallel_loop3A_207 = vector.broadcast %parallel_loop3A_206 : i32 to vector<16xi32>
        %parallel_loop3A_208 = arith.minsi %parallel_loop3A_183, %parallel_loop3A_207 : vector<16xi32>
        %parallel_loop3A_209 = arith.addi %parallel_loop3A_208, %parallel_loop3A_205 : vector<16xi32>
        %parallel_loop3A_210 = arith.constant 1 : i32
        %parallel_loop3A_211 = vector.broadcast %parallel_loop3A_210 : i32 to vector<16xi32>
        %parallel_loop3A_212 = arith.subi %parallel_loop3A_209, %parallel_loop3A_211 : vector<16xi32>
        tpu.vector_store_idx %arg8[%parallel_loop3A_212], %parallel_loop3A_191 masked %parallel_loop3A_200 : memref<5760xi32, #tpu.memory_space<vmem>>[vector<16xi32>], vector<16xi32>, vector<16xi1>
        tpu.vector_store_idx %arg9[%parallel_loop3A_212], %parallel_loop3A_187 masked %parallel_loop3A_200 : memref<5760xi32, #tpu.memory_space<vmem>>[vector<16xi32>], vector<16xi32>, vector<16xi1>
        %parallel_loop3A_213 = arith.addi %parallel_loop3A_183, %parallel_loop3A_201 : vector<16xi32>
        scf.yield %parallel_loop3A_213 : vector<16xi32>
      } {sc.loop_unroll_factor = 4 : i64, sc.parallel_access}
      scf.yield %parallel_loop3A_181 : vector<16xi32>
    }
    %scan3A_19 = arith.constant 40 : i32
    %dma_wait3A = arith.constant 0 : i32
    %dma_wait3A_20 = arith.constant 0 : i32
    %dma_wait3A_21 = tpu.memref_slice %arg2[%dma_wait3A, %dma_wait3A_20] : memref<2x160000xi32, #tpu.memory_space<hbm>> -> memref<1x2000xi32, #tpu.memory_space<hbm>>
    %dma_wait3A_22 = tpu.memref_squeeze %dma_wait3A_21 : memref<1x2000xi32, #tpu.memory_space<hbm>> -> memref<2000xi32, #tpu.memory_space<hbm>>
    %dma_wait3A_23 = arith.constant 0 : i32
    %dma_wait3A_24 = tpu.memref_slice %arg2[%dma_wait3A, %dma_wait3A_23] : memref<2x160000xi32, #tpu.memory_space<hbm>> -> memref<1x2000xi32, #tpu.memory_space<hbm>>
    %dma_wait3A_25 = tpu.memref_squeeze %dma_wait3A_24 : memref<1x2000xi32, #tpu.memory_space<hbm>> -> memref<2000xi32, #tpu.memory_space<hbm>>
    tpu.wait_dma2 semaphore(%arg24 : memref<!tpu.dma_semaphore, #tpu.memory_space<semaphore_mem>>) src(%dma_wait3A_25 : memref<2000xi32, #tpu.memory_space<hbm>>) dst(%arg10 : memref<2000xi32, #tpu.memory_space<vmem>>)
    %dma_wait3A_26 = arith.constant 1 : i32
    %dma_wait3A_27 = arith.constant 0 : i32
    %dma_wait3A_28 = tpu.memref_slice %arg2[%dma_wait3A_26, %dma_wait3A_27] : memref<2x160000xi32, #tpu.memory_space<hbm>> -> memref<1x2000xi32, #tpu.memory_space<hbm>>
    %dma_wait3A_29 = tpu.memref_squeeze %dma_wait3A_28 : memref<1x2000xi32, #tpu.memory_space<hbm>> -> memref<2000xi32, #tpu.memory_space<hbm>>
    %dma_wait3A_30 = arith.constant 0 : i32
    %dma_wait3A_31 = tpu.memref_slice %arg2[%dma_wait3A_26, %dma_wait3A_30] : memref<2x160000xi32, #tpu.memory_space<hbm>> -> memref<1x2000xi32, #tpu.memory_space<hbm>>
    %dma_wait3A_32 = tpu.memref_squeeze %dma_wait3A_31 : memref<1x2000xi32, #tpu.memory_space<hbm>> -> memref<2000xi32, #tpu.memory_space<hbm>>
    tpu.wait_dma2 semaphore(%arg25 : memref<!tpu.dma_semaphore, #tpu.memory_space<semaphore_mem>>) src(%dma_wait3A_32 : memref<2000xi32, #tpu.memory_space<hbm>>) dst(%arg11 : memref<2000xi32, #tpu.memory_space<vmem>>)
    %slice3A = vector.extract_strided_slice %scan3A_18 {offsets = [0], sizes = [1], strides = [1]} : vector<16xi32> to vector<1xi32>
    %squeeze3A = vector.extract %slice3A[0] : i32 from vector<1xi32>
    %min3A_33 = arith.constant 5760 : i32
    %min3A_34 = arith.minsi %squeeze3A, %min3A_33 : i32
    %add3A_35 = arith.constant 31 : i32
    %add3A_36 = arith.addi %min3A_34, %add3A_35 : i32
    %jit3A = arith.constant 32 : i32
    %div3A = arith.divsi %add3A_36, %jit3A : i32
    %sign3A = arith.constant 0 : i32
    %sign3A_37 = arith.cmpi sgt, %add3A_36, %sign3A : i32
    %sign3A_38 = arith.extui %sign3A_37 : i1 to i32
    %sign3A_39 = arith.constant 0 : i32
    %sign3A_40 = arith.cmpi slt, %add3A_36, %sign3A_39 : i32
    %sign3A_41 = arith.extui %sign3A_40 : i1 to i32
    %sign3A_42 = arith.subi %sign3A_38, %sign3A_41 : i32
    %sign3A_43 = arith.constant 0 : i32
    %sign3A_44 = arith.cmpi sgt, %jit3A, %sign3A_43 : i32
    %sign3A_45 = arith.extui %sign3A_44 : i1 to i32
    %sign3A_46 = arith.constant 0 : i32
    %sign3A_47 = arith.cmpi slt, %jit3A, %sign3A_46 : i32
    %sign3A_48 = arith.extui %sign3A_47 : i1 to i32
    %sign3A_49 = arith.subi %sign3A_45, %sign3A_48 : i32
    %ne3A = arith.cmpi ne, %sign3A_42, %sign3A_49 : i32
    %rem3A = arith.remsi %add3A_36, %jit3A : i32
    %ne3A_50 = arith.constant 0 : i32
    %ne3A_51 = arith.cmpi ne, %rem3A, %ne3A_50 : i32
    %and3A = arith.andi %ne3A, %ne3A_51 : i1
    %sub3A = arith.constant 1 : i32
    %sub3A_52 = arith.subi %div3A, %sub3A : i32
    %select_n3A = arith.select %and3A, %sub3A_52, %div3A : i32
    %add3A_53 = arith.constant 1 : i32
    %add3A_54 = arith.addi %select_n3A, %add3A_53 : i32
    %jit3A_55 = arith.constant 2 : i32
    %div3A_56 = arith.divsi %add3A_54, %jit3A_55 : i32
    %sign3A_57 = arith.constant 0 : i32
    %sign3A_58 = arith.cmpi sgt, %add3A_54, %sign3A_57 : i32
    %sign3A_59 = arith.extui %sign3A_58 : i1 to i32
    %sign3A_60 = arith.constant 0 : i32
    %sign3A_61 = arith.cmpi slt, %add3A_54, %sign3A_60 : i32
    %sign3A_62 = arith.extui %sign3A_61 : i1 to i32
    %sign3A_63 = arith.subi %sign3A_59, %sign3A_62 : i32
    %sign3A_64 = arith.constant 0 : i32
    %sign3A_65 = arith.cmpi sgt, %jit3A_55, %sign3A_64 : i32
    %sign3A_66 = arith.extui %sign3A_65 : i1 to i32
    %sign3A_67 = arith.constant 0 : i32
    %sign3A_68 = arith.cmpi slt, %jit3A_55, %sign3A_67 : i32
    %sign3A_69 = arith.extui %sign3A_68 : i1 to i32
    %sign3A_70 = arith.subi %sign3A_66, %sign3A_69 : i32
    %ne3A_71 = arith.cmpi ne, %sign3A_63, %sign3A_70 : i32
    %rem3A_72 = arith.remsi %add3A_54, %jit3A_55 : i32
    %ne3A_73 = arith.constant 0 : i32
    %ne3A_74 = arith.cmpi ne, %rem3A_72, %ne3A_73 : i32
    %and3A_75 = arith.andi %ne3A_71, %ne3A_74 : i1
    %sub3A_76 = arith.constant 1 : i32
    %sub3A_77 = arith.subi %div3A_56, %sub3A_76 : i32
    %select_n3A_78 = arith.select %and3A_75, %sub3A_77, %div3A_56 : i32
    %min3A_79 = arith.constant 0 : i32
    %min3A_80 = arith.constant 5728 : i32
    %min3A_81 = arith.minsi %min3A_79, %min3A_80 : i32
    %dma_start3A_82 = tpu.memref_slice %arg8[%min3A_81] : memref<5760xi32, #tpu.memory_space<vmem>> -> memref<32xi32, #tpu.memory_space<vmem>>
    %dma_start3A_83 = arith.constant 0 : i32
    %dma_start3A_84 = arith.constant 0 : i32
    %dma_start3A_85 = tpu.memref_slice %arg3[%dma_start3A_83, %dma_start3A_84] : memref<10000x288xbf16, #tpu.memory_space<hbm>> -> memref<10000x288xbf16, #tpu.memory_space<hbm>>
    tpu.enqueue_indirect_dma source(%dma_start3A_85 : memref<10000x288xbf16, #tpu.memory_space<hbm>>) target(%arg14 : memref<32x288xbf16, #tpu.memory_space<vmem>>) offsets(%dma_start3A_82 : memref<32xi32, #tpu.memory_space<vmem>>) semaphore(%arg20 : memref<!tpu.dma_semaphore, #tpu.memory_space<semaphore_mem>>)
    %dma_start3A_86 = tpu.memref_slice %arg9[%min3A_81] : memref<5760xi32, #tpu.memory_space<vmem>> -> memref<32xi32, #tpu.memory_space<vmem>>
    %dma_start3A_87 = arith.constant 0 : i32
    %dma_start3A_88 = arith.constant 0 : i32
    %dma_start3A_89 = tpu.memref_slice %arg4[%dma_start3A_87, %dma_start3A_88] : memref<10000x16xf32, #tpu.memory_space<hbm>> -> memref<10000x16xf32, #tpu.memory_space<hbm>>
    tpu.enqueue_indirect_dma source(%dma_start3A_89 : memref<10000x16xf32, #tpu.memory_space<hbm>>) target(%arg16 : memref<32x16xf32, #tpu.memory_space<vmem>>) offsets(%dma_start3A_86 : memref<32xi32, #tpu.memory_space<vmem>>) semaphore(%arg22 : memref<!tpu.dma_semaphore, #tpu.memory_space<semaphore_mem>>)
    %while3A = arith.constant 0 : i32
    %while3A_90 = arith.constant 0 : i32
    %while3A_91 = arith.subi %select_n3A_78, %while3A : i32
    %while3A_92 = arith.addi %while3A, %while3A_91 : i32
    %while3A_93 = arith.constant 1 : i32
    %while3A_94 = arith.divsi %while3A_91, %while3A_93 : i32
    %while3A_95 = arith.muli %while3A_94, %while3A_93 : i32
    %while3A_96 = arith.addi %while3A, %while3A_95 : i32
    %while3A_97 = arith.constant 1 : i32
    %while3A_98 = scf.for %while3A_111 = %while3A to %while3A_96 step %while3A_97 iter_args(%while3A_112 = %while3A_90) -> (i32)  : i32 {
      %mul3A_113 = arith.constant 2 : i32
      %mul3A_114 = arith.muli %mul3A_113, %while3A_111 : i32
      %add3A_115 = arith.constant 1 : i32
      %add3A_116 = arith.addi %mul3A_114, %add3A_115 : i32
      %mul3A_117 = arith.constant 32 : i32
      %mul3A_118 = arith.muli %add3A_116, %mul3A_117 : i32
      %min3A_119 = arith.constant 5728 : i32
      %min3A_120 = arith.minsi %mul3A_118, %min3A_119 : i32
      %dma_start3A_121 = tpu.memref_slice %arg8[%min3A_120] : memref<5760xi32, #tpu.memory_space<vmem>> -> memref<32xi32, #tpu.memory_space<vmem>>
      %dma_start3A_122 = arith.constant 0 : i32
      %dma_start3A_123 = arith.constant 0 : i32
      %dma_start3A_124 = tpu.memref_slice %arg3[%dma_start3A_122, %dma_start3A_123] : memref<10000x288xbf16, #tpu.memory_space<hbm>> -> memref<10000x288xbf16, #tpu.memory_space<hbm>>
      tpu.enqueue_indirect_dma source(%dma_start3A_124 : memref<10000x288xbf16, #tpu.memory_space<hbm>>) target(%arg15 : memref<32x288xbf16, #tpu.memory_space<vmem>>) offsets(%dma_start3A_121 : memref<32xi32, #tpu.memory_space<vmem>>) semaphore(%arg21 : memref<!tpu.dma_semaphore, #tpu.memory_space<semaphore_mem>>)
      %dma_start3A_125 = tpu.memref_slice %arg9[%min3A_120] : memref<5760xi32, #tpu.memory_space<vmem>> -> memref<32xi32, #tpu.memory_space<vmem>>
      %dma_start3A_126 = arith.constant 0 : i32
      %dma_start3A_127 = arith.constant 0 : i32
      %dma_start3A_128 = tpu.memref_slice %arg4[%dma_start3A_126, %dma_start3A_127] : memref<10000x16xf32, #tpu.memory_space<hbm>> -> memref<10000x16xf32, #tpu.memory_space<hbm>>
      tpu.enqueue_indirect_dma source(%dma_start3A_128 : memref<10000x16xf32, #tpu.memory_space<hbm>>) target(%arg17 : memref<32x16xf32, #tpu.memory_space<vmem>>) offsets(%dma_start3A_125 : memref<32xi32, #tpu.memory_space<vmem>>) semaphore(%arg23 : memref<!tpu.dma_semaphore, #tpu.memory_space<semaphore_mem>>)
      %dma_wait3A_129 = arith.constant 0 : i32
      %dma_wait3A_130 = tpu.memref_slice %arg8[%dma_wait3A_129] : memref<5760xi32, #tpu.memory_space<vmem>> -> memref<32xi32, #tpu.memory_space<vmem>>
      %dma_wait3A_131 = arith.constant 0 : i32
      %dma_wait3A_132 = arith.constant 0 : i32
      %dma_wait3A_133 = tpu.memref_slice %arg3[%dma_wait3A_131, %dma_wait3A_132] : memref<10000x288xbf16, #tpu.memory_space<hbm>> -> memref<10000x288xbf16, #tpu.memory_space<hbm>>
      tpu.wait_indirect_dma semaphore(%arg20 : memref<!tpu.dma_semaphore, #tpu.memory_space<semaphore_mem>>) src(%dma_wait3A_133 : memref<10000x288xbf16, #tpu.memory_space<hbm>>) dst(%arg14 : memref<32x288xbf16, #tpu.memory_space<vmem>>)
      %dma_wait3A_134 = arith.constant 0 : i32
      %dma_wait3A_135 = tpu.memref_slice %arg9[%dma_wait3A_134] : memref<5760xi32, #tpu.memory_space<vmem>> -> memref<32xi32, #tpu.memory_space<vmem>>
      %dma_wait3A_136 = arith.constant 0 : i32
      %dma_wait3A_137 = arith.constant 0 : i32
      %dma_wait3A_138 = tpu.memref_slice %arg4[%dma_wait3A_136, %dma_wait3A_137] : memref<10000x16xf32, #tpu.memory_space<hbm>> -> memref<10000x16xf32, #tpu.memory_space<hbm>>
      tpu.wait_indirect_dma semaphore(%arg22 : memref<!tpu.dma_semaphore, #tpu.memory_space<semaphore_mem>>) src(%dma_wait3A_138 : memref<10000x16xf32, #tpu.memory_space<hbm>>) dst(%arg16 : memref<32x16xf32, #tpu.memory_space<vmem>>)
      %mul3A_139 = arith.constant 32 : i32
      %mul3A_140 = arith.muli %mul3A_114, %mul3A_139 : i32
      %min3A_141 = arith.constant 5728 : i32
      %min3A_142 = arith.minsi %mul3A_140, %min3A_141 : i32
      %parallel_loop3A = arith.constant 0 : i32
      %parallel_loop3A_143 = arith.constant 32 : i32
      %parallel_loop3A_144 = arith.constant 1 : i32
      scf.for %parallel_loop3A_179 = %parallel_loop3A to %parallel_loop3A_143 step %parallel_loop3A_144  : i32 {
        %parallel_loop3A_180 = vector.broadcast %parallel_loop3A_179 : i32 to vector<16xi32>
        %parallel_loop3A_181 = vector.broadcast %min3A_142 : i32 to vector<16xi32>
        %parallel_loop3A_182 = arith.addi %parallel_loop3A_180, %parallel_loop3A_181 : vector<16xi32>
        %parallel_loop3A_183 = tpu.vector_load_idx %arg9[%parallel_loop3A_182] : memref<5760xi32, #tpu.memory_space<vmem>>[vector<16xi32>], vector<16xi32>,
        %parallel_loop3A_184 = vector.broadcast %mul3A_2 : i32 to vector<16xi32>
        %parallel_loop3A_185 = arith.subi %parallel_loop3A_183, %parallel_loop3A_184 : vector<16xi32>
        %parallel_loop3A_186 = arith.constant 0 : i32
        %parallel_loop3A_187 = arith.constant 319 : i32
        %parallel_loop3A_188 = vector.broadcast %parallel_loop3A_186 : i32 to vector<16xi32>
        %parallel_loop3A_189 = arith.maxsi %parallel_loop3A_188, %parallel_loop3A_185 : vector<16xi32>
        %parallel_loop3A_190 = vector.broadcast %parallel_loop3A_187 : i32 to vector<16xi32>
        %parallel_loop3A_191 = arith.minsi %parallel_loop3A_190, %parallel_loop3A_189 : vector<16xi32>
        %parallel_loop3A_192 = arith.index_cast %parallel_loop3A_179 : i32 to index
        %parallel_loop3A_193 = arith.constant 256 : index
        %parallel_loop3A_194 = tpu.vector_load %arg14[%parallel_loop3A_192, %parallel_loop3A_193] {strides = array<i32>} : memref<32x288xbf16, #tpu.memory_space<vmem>>, vector<32xbf16>,
        %parallel_loop3A_195 = tpu.unpack_subelements %parallel_loop3A_194, 0 {pack_format = #tpu.pack_format<interleaved>} : vector<32xbf16> -> vector<16xf32>
        %parallel_loop3A_196 = tpu.unpack_subelements %parallel_loop3A_194, 1 {pack_format = #tpu.pack_format<interleaved>} : vector<32xbf16> -> vector<16xf32>
        %parallel_loop3A_197 = arith.index_cast %parallel_loop3A_179 : i32 to index
        %parallel_loop3A_198 = arith.constant 0 : index
        %parallel_loop3A_199 = tpu.vector_load %arg16[%parallel_loop3A_197, %parallel_loop3A_198] {strides = array<i32>} : memref<32x16xf32, #tpu.memory_space<vmem>>, vector<16xf32>,
        %parallel_loop3A_200 = arith.addf %parallel_loop3A_195, %parallel_loop3A_199 : vector<16xf32>
        %parallel_loop3A_201 = arith.constant 0.000000e+00 : f32
        %parallel_loop3A_202 = vector.broadcast %parallel_loop3A_201 : f32 to vector<16xf32>
        %parallel_loop3A_203 = arith.cmpf ogt, %parallel_loop3A_200, %parallel_loop3A_202 : vector<16xf32>
        %parallel_loop3A_204 = arith.constant 2.000000e-01 : f32
        %parallel_loop3A_205 = vector.broadcast %parallel_loop3A_204 : f32 to vector<16xf32>
        %parallel_loop3A_206 = arith.mulf %parallel_loop3A_205, %parallel_loop3A_200 : vector<16xf32>
        %parallel_loop3A_207 = arith.select %parallel_loop3A_203, %parallel_loop3A_200, %parallel_loop3A_206 : vector<16xi1>, vector<16xf32>
        %parallel_loop3A_208 = math.exp %parallel_loop3A_207 : vector<16xf32>
        %parallel_loop3A_209 = arith.constant 4 : i32
        %parallel_loop3A_210 = vector.broadcast %parallel_loop3A_209 : i32 to vector<16xi32>
        %parallel_loop3A_211 = arith.cmpi sge, %iota3A, %parallel_loop3A_210 : vector<16xi32>
        %parallel_loop3A_212 = arith.constant 8 : i32
        %parallel_loop3A_213 = vector.broadcast %parallel_loop3A_212 : i32 to vector<16xi32>
        %parallel_loop3A_214 = arith.cmpi slt, %iota3A, %parallel_loop3A_213 : vector<16xi32>
        %parallel_loop3A_215 = arith.andi %parallel_loop3A_211, %parallel_loop3A_214 : vector<16xi1>
        %parallel_loop3A_216 = arith.addi %min3A_142, %parallel_loop3A_179 : i32
        %parallel_loop3A_217 = vector.broadcast %parallel_loop3A_216 : i32 to vector<16xi32>
        %parallel_loop3A_218 = vector.broadcast %min3A_34 : i32 to vector<16xi32>
        %parallel_loop3A_219 = arith.cmpi slt, %parallel_loop3A_217, %parallel_loop3A_218 : vector<16xi32>
        %parallel_loop3A_220 = arith.andi %parallel_loop3A_215, %parallel_loop3A_219 : vector<16xi1>
        %parallel_loop3A_221 = arith.constant 0.000000e+00 : f32
        %parallel_loop3A_222 = vector.broadcast %parallel_loop3A_221 : f32 to vector<16xf32>
        %parallel_loop3A_223 = arith.select %parallel_loop3A_220, %parallel_loop3A_208, %parallel_loop3A_222 : vector<16xi1>, vector<16xf32>
        %parallel_loop3A_224 = arith.index_cast %parallel_loop3A_179 : i32 to index
        %parallel_loop3A_225 = arith.constant 0 : index
        %parallel_loop3A_226 = tpu.vector_load %arg18[%parallel_loop3A_224, %parallel_loop3A_225] {strides = array<i32>} : memref<32x16xf32, #tpu.memory_space<vmem>>, vector<16xf32>,
        tpu.vector_store %arg18[%parallel_loop3A_224, %parallel_loop3A_225], %parallel_loop3A_223 {strides = array<i32>} : memref<32x16xf32, #tpu.memory_space<vmem>>, vector<16xf32>,
        %parallel_loop3A_227 = arith.constant 4 : i32
        %parallel_loop3A_228 = vector.broadcast %parallel_loop3A_227 : i32 to vector<16xi32>
        %parallel_loop3A_229 = tpu.vector_load_idx %arg18[%parallel_loop3A_180, %parallel_loop3A_228] : memref<32x16xf32, #tpu.memory_space<vmem>>[vector<16xi32>, vector<16xi32>], vector<16xf32>,
        %parallel_loop3A_230 = arith.constant 5 : i32
        %parallel_loop3A_231 = vector.broadcast %parallel_loop3A_230 : i32 to vector<16xi32>
        %parallel_loop3A_232 = tpu.vector_load_idx %arg18[%parallel_loop3A_180, %parallel_loop3A_231] : memref<32x16xf32, #tpu.memory_space<vmem>>[vector<16xi32>, vector<16xi32>], vector<16xf32>,
        %parallel_loop3A_233 = arith.constant 6 : i32
        %parallel_loop3A_234 = vector.broadcast %parallel_loop3A_233 : i32 to vector<16xi32>
        %parallel_loop3A_235 = tpu.vector_load_idx %arg18[%parallel_loop3A_180, %parallel_loop3A_234] : memref<32x16xf32, #tpu.memory_space<vmem>>[vector<16xi32>, vector<16xi32>], vector<16xf32>,
        %parallel_loop3A_236 = arith.constant 7 : i32
        %parallel_loop3A_237 = vector.broadcast %parallel_loop3A_236 : i32 to vector<16xi32>
        %parallel_loop3A_238 = tpu.vector_load_idx %arg18[%parallel_loop3A_180, %parallel_loop3A_237] : memref<32x16xf32, #tpu.memory_space<vmem>>[vector<16xi32>, vector<16xi32>], vector<16xf32>,
        %parallel_loop3A_239 = arith.constant 4 : i32
        %parallel_loop3A_240 = vector.broadcast %parallel_loop3A_239 : i32 to vector<16xi32>
        %parallel_loop3A_241 = arith.addi %iota3A, %parallel_loop3A_240 : vector<16xi32>
        %parallel_loop3A_242 = arith.constant 15 : i32
        %parallel_loop3A_243 = vector.broadcast %parallel_loop3A_242 : i32 to vector<16xi32>
        %parallel_loop3A_244 = arith.minsi %parallel_loop3A_241, %parallel_loop3A_243 : vector<16xi32>
        %parallel_loop3A_245 = tpu.vector_load_idx %arg18[%parallel_loop3A_180, %parallel_loop3A_244] : memref<32x16xf32, #tpu.memory_space<vmem>>[vector<16xi32>, vector<16xi32>], vector<16xf32>,
        %parallel_loop3A_246 = arith.index_cast %parallel_loop3A_179 : i32 to index
        %parallel_loop3A_247 = arith.constant 0 : index
        %parallel_loop3A_248 = tpu.vector_load %arg14[%parallel_loop3A_246, %parallel_loop3A_247] {strides = array<i32>} : memref<32x288xbf16, #tpu.memory_space<vmem>>, vector<32xbf16>,
        %parallel_loop3A_249 = tpu.unpack_subelements %parallel_loop3A_248, 0 {pack_format = #tpu.pack_format<interleaved>} : vector<32xbf16> -> vector<16xf32>
        %parallel_loop3A_250 = tpu.unpack_subelements %parallel_loop3A_248, 1 {pack_format = #tpu.pack_format<interleaved>} : vector<32xbf16> -> vector<16xf32>
        %parallel_loop3A_251 = arith.constant 0 : i32
        %parallel_loop3A_252 = vector.broadcast %parallel_loop3A_251 : i32 to vector<16xi32>
        %parallel_loop3A_253 = arith.addi %parallel_loop3A_252, %iota3A : vector<16xi32>
        %parallel_loop3A_254 = arith.mulf %parallel_loop3A_249, %parallel_loop3A_229 : vector<16xf32>
        tpu.vector_store_idx %arg19[%parallel_loop3A_191, %parallel_loop3A_253], %parallel_loop3A_254 {add = true} : memref<320x288xf32, #tpu.memory_space<vmem>>[vector<16xi32>, vector<16xi32>], vector<16xf32>,
        %parallel_loop3A_255 = arith.constant 16 : i32
        %parallel_loop3A_256 = vector.broadcast %parallel_loop3A_255 : i32 to vector<16xi32>
        %parallel_loop3A_257 = arith.addi %parallel_loop3A_256, %iota3A : vector<16xi32>
        %parallel_loop3A_258 = arith.mulf %parallel_loop3A_250, %parallel_loop3A_229 : vector<16xf32>
        tpu.vector_store_idx %arg19[%parallel_loop3A_191, %parallel_loop3A_257], %parallel_loop3A_258 {add = true} : memref<320x288xf32, #tpu.memory_space<vmem>>[vector<16xi32>, vector<16xi32>], vector<16xf32>,
        %parallel_loop3A_259 = arith.index_cast %parallel_loop3A_179 : i32 to index
        %parallel_loop3A_260 = arith.constant 32 : index
        %parallel_loop3A_261 = tpu.vector_load %arg14[%parallel_loop3A_259, %parallel_loop3A_260] {strides = array<i32>} : memref<32x288xbf16, #tpu.memory_space<vmem>>, vector<32xbf16>,
        %parallel_loop3A_262 = tpu.unpack_subelements %parallel_loop3A_261, 0 {pack_format = #tpu.pack_format<interleaved>} : vector<32xbf16> -> vector<16xf32>
        %parallel_loop3A_263 = tpu.unpack_subelements %parallel_loop3A_261, 1 {pack_format = #tpu.pack_format<interleaved>} : vector<32xbf16> -> vector<16xf32>
        %parallel_loop3A_264 = arith.constant 32 : i32
        %parallel_loop3A_265 = vector.broadcast %parallel_loop3A_264 : i32 to vector<16xi32>
        %parallel_loop3A_266 = arith.addi %parallel_loop3A_265, %iota3A : vector<16xi32>
        %parallel_loop3A_267 = arith.mulf %parallel_loop3A_262, %parallel_loop3A_229 : vector<16xf32>
        tpu.vector_store_idx %arg19[%parallel_loop3A_191, %parallel_loop3A_266], %parallel_loop3A_267 {add = true} : memref<320x288xf32, #tpu.memory_space<vmem>>[vector<16xi32>, vector<16xi32>], vector<16xf32>,
        %parallel_loop3A_268 = arith.constant 48 : i32
        %parallel_loop3A_269 = vector.broadcast %parallel_loop3A_268 : i32 to vector<16xi32>
        %parallel_loop3A_270 = arith.addi %parallel_loop3A_269, %iota3A : vector<16xi32>
        %parallel_loop3A_271 = arith.mulf %parallel_loop3A_263, %parallel_loop3A_229 : vector<16xf32>
        tpu.vector_store_idx %arg19[%parallel_loop3A_191, %parallel_loop3A_270], %parallel_loop3A_271 {add = true} : memref<320x288xf32, #tpu.memory_space<vmem>>[vector<16xi32>, vector<16xi32>], vector<16xf32>,
        %parallel_loop3A_272 = arith.index_cast %parallel_loop3A_179 : i32 to index
        %parallel_loop3A_273 = arith.constant 64 : index
        %parallel_loop3A_274 = tpu.vector_load %arg14[%parallel_loop3A_272, %parallel_loop3A_273] {strides = array<i32>} : memref<32x288xbf16, #tpu.memory_space<vmem>>, vector<32xbf16>,
        %parallel_loop3A_275 = tpu.unpack_subelements %parallel_loop3A_274, 0 {pack_format = #tpu.pack_format<interleaved>} : vector<32xbf16> -> vector<16xf32>
        %parallel_loop3A_276 = tpu.unpack_subelements %parallel_loop3A_274, 1 {pack_format = #tpu.pack_format<interleaved>} : vector<32xbf16> -> vector<16xf32>
        %parallel_loop3A_277 = arith.constant 64 : i32
        %parallel_loop3A_278 = vector.broadcast %parallel_loop3A_277 : i32 to vector<16xi32>
        %parallel_loop3A_279 = arith.addi %parallel_loop3A_278, %iota3A : vector<16xi32>
        %parallel_loop3A_280 = arith.mulf %parallel_loop3A_275, %parallel_loop3A_232 : vector<16xf32>
        tpu.vector_store_idx %arg19[%parallel_loop3A_191, %parallel_loop3A_279], %parallel_loop3A_280 {add = true} : memref<320x288xf32, #tpu.memory_space<vmem>>[vector<16xi32>, vector<16xi32>], vector<16xf32>,
        %parallel_loop3A_281 = arith.constant 80 : i32
        %parallel_loop3A_282 = vector.broadcast %parallel_loop3A_281 : i32 to vector<16xi32>
        %parallel_loop3A_283 = arith.addi %parallel_loop3A_282, %iota3A : vector<16xi32>
        %parallel_loop3A_284 = arith.mulf %parallel_loop3A_276, %parallel_loop3A_232 : vector<16xf32>
        tpu.vector_store_idx %arg19[%parallel_loop3A_191, %parallel_loop3A_283], %parallel_loop3A_284 {add = true} : memref<320x288xf32, #tpu.memory_space<vmem>>[vector<16xi32>, vector<16xi32>], vector<16xf32>,
        %parallel_loop3A_285 = arith.index_cast %parallel_loop3A_179 : i32 to index
        %parallel_loop3A_286 = arith.constant 96 : index
        %parallel_loop3A_287 = tpu.vector_load %arg14[%parallel_loop3A_285, %parallel_loop3A_286] {strides = array<i32>} : memref<32x288xbf16, #tpu.memory_space<vmem>>, vector<32xbf16>,
        %parallel_loop3A_288 = tpu.unpack_subelements %parallel_loop3A_287, 0 {pack_format = #tpu.pack_format<interleaved>} : vector<32xbf16> -> vector<16xf32>
        %parallel_loop3A_289 = tpu.unpack_subelements %parallel_loop3A_287, 1 {pack_format = #tpu.pack_format<interleaved>} : vector<32xbf16> -> vector<16xf32>
        %parallel_loop3A_290 = arith.constant 96 : i32
        %parallel_loop3A_291 = vector.broadcast %parallel_loop3A_290 : i32 to vector<16xi32>
        %parallel_loop3A_292 = arith.addi %parallel_loop3A_291, %iota3A : vector<16xi32>
        %parallel_loop3A_293 = arith.mulf %parallel_loop3A_288, %parallel_loop3A_232 : vector<16xf32>
        tpu.vector_store_idx %arg19[%parallel_loop3A_191, %parallel_loop3A_292], %parallel_loop3A_293 {add = true} : memref<320x288xf32, #tpu.memory_space<vmem>>[vector<16xi32>, vector<16xi32>], vector<16xf32>,
        %parallel_loop3A_294 = arith.constant 112 : i32
        %parallel_loop3A_295 = vector.broadcast %parallel_loop3A_294 : i32 to vector<16xi32>
        %parallel_loop3A_296 = arith.addi %parallel_loop3A_295, %iota3A : vector<16xi32>
        %parallel_loop3A_297 = arith.mulf %parallel_loop3A_289, %parallel_loop3A_232 : vector<16xf32>
        tpu.vector_store_idx %arg19[%parallel_loop3A_191, %parallel_loop3A_296], %parallel_loop3A_297 {add = true} : memref<320x288xf32, #tpu.memory_space<vmem>>[vector<16xi32>, vector<16xi32>], vector<16xf32>,
        %parallel_loop3A_298 = arith.index_cast %parallel_loop3A_179 : i32 to index
        %parallel_loop3A_299 = arith.constant 128 : index
        %parallel_loop3A_300 = tpu.vector_load %arg14[%parallel_loop3A_298, %parallel_loop3A_299] {strides = array<i32>} : memref<32x288xbf16, #tpu.memory_space<vmem>>, vector<32xbf16>,
        %parallel_loop3A_301 = tpu.unpack_subelements %parallel_loop3A_300, 0 {pack_format = #tpu.pack_format<interleaved>} : vector<32xbf16> -> vector<16xf32>
        %parallel_loop3A_302 = tpu.unpack_subelements %parallel_loop3A_300, 1 {pack_format = #tpu.pack_format<interleaved>} : vector<32xbf16> -> vector<16xf32>
        %parallel_loop3A_303 = arith.constant 128 : i32
        %parallel_loop3A_304 = vector.broadcast %parallel_loop3A_303 : i32 to vector<16xi32>
        %parallel_loop3A_305 = arith.addi %parallel_loop3A_304, %iota3A : vector<16xi32>
        %parallel_loop3A_306 = arith.mulf %parallel_loop3A_301, %parallel_loop3A_235 : vector<16xf32>
        tpu.vector_store_idx %arg19[%parallel_loop3A_191, %parallel_loop3A_305], %parallel_loop3A_306 {add = true} : memref<320x288xf32, #tpu.memory_space<vmem>>[vector<16xi32>, vector<16xi32>], vector<16xf32>,
        %parallel_loop3A_307 = arith.constant 144 : i32
        %parallel_loop3A_308 = vector.broadcast %parallel_loop3A_307 : i32 to vector<16xi32>
        %parallel_loop3A_309 = arith.addi %parallel_loop3A_308, %iota3A : vector<16xi32>
        %parallel_loop3A_310 = arith.mulf %parallel_loop3A_302, %parallel_loop3A_235 : vector<16xf32>
        tpu.vector_store_idx %arg19[%parallel_loop3A_191, %parallel_loop3A_309], %parallel_loop3A_310 {add = true} : memref<320x288xf32, #tpu.memory_space<vmem>>[vector<16xi32>, vector<16xi32>], vector<16xf32>,
        %parallel_loop3A_311 = arith.index_cast %parallel_loop3A_179 : i32 to index
        %parallel_loop3A_312 = arith.constant 160 : index
        %parallel_loop3A_313 = tpu.vector_load %arg14[%parallel_loop3A_311, %parallel_loop3A_312] {strides = array<i32>} : memref<32x288xbf16, #tpu.memory_space<vmem>>, vector<32xbf16>,
        %parallel_loop3A_314 = tpu.unpack_subelements %parallel_loop3A_313, 0 {pack_format = #tpu.pack_format<interleaved>} : vector<32xbf16> -> vector<16xf32>
        %parallel_loop3A_315 = tpu.unpack_subelements %parallel_loop3A_313, 1 {pack_format = #tpu.pack_format<interleaved>} : vector<32xbf16> -> vector<16xf32>
        %parallel_loop3A_316 = arith.constant 160 : i32
        %parallel_loop3A_317 = vector.broadcast %parallel_loop3A_316 : i32 to vector<16xi32>
        %parallel_loop3A_318 = arith.addi %parallel_loop3A_317, %iota3A : vector<16xi32>
        %parallel_loop3A_319 = arith.mulf %parallel_loop3A_314, %parallel_loop3A_235 : vector<16xf32>
        tpu.vector_store_idx %arg19[%parallel_loop3A_191, %parallel_loop3A_318], %parallel_loop3A_319 {add = true} : memref<320x288xf32, #tpu.memory_space<vmem>>[vector<16xi32>, vector<16xi32>], vector<16xf32>,
        %parallel_loop3A_320 = arith.constant 176 : i32
        %parallel_loop3A_321 = vector.broadcast %parallel_loop3A_320 : i32 to vector<16xi32>
        %parallel_loop3A_322 = arith.addi %parallel_loop3A_321, %iota3A : vector<16xi32>
        %parallel_loop3A_323 = arith.mulf %parallel_loop3A_315, %parallel_loop3A_235 : vector<16xf32>
        tpu.vector_store_idx %arg19[%parallel_loop3A_191, %parallel_loop3A_322], %parallel_loop3A_323 {add = true} : memref<320x288xf32, #tpu.memory_space<vmem>>[vector<16xi32>, vector<16xi32>], vector<16xf32>,
        %parallel_loop3A_324 = arith.index_cast %parallel_loop3A_179 : i32 to index
        %parallel_loop3A_325 = arith.constant 192 : index
        %parallel_loop3A_326 = tpu.vector_load %arg14[%parallel_loop3A_324, %parallel_loop3A_325] {strides = array<i32>} : memref<32x288xbf16, #tpu.memory_space<vmem>>, vector<32xbf16>,
        %parallel_loop3A_327 = tpu.unpack_subelements %parallel_loop3A_326, 0 {pack_format = #tpu.pack_format<interleaved>} : vector<32xbf16> -> vector<16xf32>
        %parallel_loop3A_328 = tpu.unpack_subelements %parallel_loop3A_326, 1 {pack_format = #tpu.pack_format<interleaved>} : vector<32xbf16> -> vector<16xf32>
        %parallel_loop3A_329 = arith.constant 192 : i32
        %parallel_loop3A_330 = vector.broadcast %parallel_loop3A_329 : i32 to vector<16xi32>
        %parallel_loop3A_331 = arith.addi %parallel_loop3A_330, %iota3A : vector<16xi32>
        %parallel_loop3A_332 = arith.mulf %parallel_loop3A_327, %parallel_loop3A_238 : vector<16xf32>
        tpu.vector_store_idx %arg19[%parallel_loop3A_191, %parallel_loop3A_331], %parallel_loop3A_332 {add = true} : memref<320x288xf32, #tpu.memory_space<vmem>>[vector<16xi32>, vector<16xi32>], vector<16xf32>,
        %parallel_loop3A_333 = arith.constant 208 : i32
        %parallel_loop3A_334 = vector.broadcast %parallel_loop3A_333 : i32 to vector<16xi32>
        %parallel_loop3A_335 = arith.addi %parallel_loop3A_334, %iota3A : vector<16xi32>
        %parallel_loop3A_336 = arith.mulf %parallel_loop3A_328, %parallel_loop3A_238 : vector<16xf32>
        tpu.vector_store_idx %arg19[%parallel_loop3A_191, %parallel_loop3A_335], %parallel_loop3A_336 {add = true} : memref<320x288xf32, #tpu.memory_space<vmem>>[vector<16xi32>, vector<16xi32>], vector<16xf32>,
        %parallel_loop3A_337 = arith.index_cast %parallel_loop3A_179 : i32 to index
        %parallel_loop3A_338 = arith.constant 224 : index
        %parallel_loop3A_339 = tpu.vector_load %arg14[%parallel_loop3A_337, %parallel_loop3A_338] {strides = array<i32>} : memref<32x288xbf16, #tpu.memory_space<vmem>>, vector<32xbf16>,
        %parallel_loop3A_340 = tpu.unpack_subelements %parallel_loop3A_339, 0 {pack_format = #tpu.pack_format<interleaved>} : vector<32xbf16> -> vector<16xf32>
        %parallel_loop3A_341 = tpu.unpack_subelements %parallel_loop3A_339, 1 {pack_format = #tpu.pack_format<interleaved>} : vector<32xbf16> -> vector<16xf32>
        %parallel_loop3A_342 = arith.constant 224 : i32
        %parallel_loop3A_343 = vector.broadcast %parallel_loop3A_342 : i32 to vector<16xi32>
        %parallel_loop3A_344 = arith.addi %parallel_loop3A_343, %iota3A : vector<16xi32>
        %parallel_loop3A_345 = arith.mulf %parallel_loop3A_340, %parallel_loop3A_238 : vector<16xf32>
        tpu.vector_store_idx %arg19[%parallel_loop3A_191, %parallel_loop3A_344], %parallel_loop3A_345 {add = true} : memref<320x288xf32, #tpu.memory_space<vmem>>[vector<16xi32>, vector<16xi32>], vector<16xf32>,
        %parallel_loop3A_346 = arith.constant 240 : i32
        %parallel_loop3A_347 = vector.broadcast %parallel_loop3A_346 : i32 to vector<16xi32>
        %parallel_loop3A_348 = arith.addi %parallel_loop3A_347, %iota3A : vector<16xi32>
        %parallel_loop3A_349 = arith.mulf %parallel_loop3A_341, %parallel_loop3A_238 : vector<16xf32>
        tpu.vector_store_idx %arg19[%parallel_loop3A_191, %parallel_loop3A_348], %parallel_loop3A_349 {add = true} : memref<320x288xf32, #tpu.memory_space<vmem>>[vector<16xi32>, vector<16xi32>], vector<16xf32>,
        %parallel_loop3A_350 = arith.constant 256 : i32
        %parallel_loop3A_351 = vector.broadcast %parallel_loop3A_350 : i32 to vector<16xi32>
        %parallel_loop3A_352 = arith.addi %parallel_loop3A_351, %iota3A : vector<16xi32>
        %parallel_loop3A_353 = arith.mulf %parallel_loop3A_195, %parallel_loop3A_245 : vector<16xf32>
        tpu.vector_store_idx %arg19[%parallel_loop3A_191, %parallel_loop3A_352], %parallel_loop3A_353 {add = true} : memref<320x288xf32, #tpu.memory_space<vmem>>[vector<16xi32>, vector<16xi32>], vector<16xf32>,
      } {sc.loop_unroll_factor = 8 : i64, sc.parallel_access}
      %add3A_145 = arith.constant 2 : i32
      %add3A_146 = arith.addi %mul3A_114, %add3A_145 : i32
      %mul3A_147 = arith.constant 32 : i32
      %mul3A_148 = arith.muli %add3A_146, %mul3A_147 : i32
      %min3A_149 = arith.constant 5728 : i32
      %min3A_150 = arith.minsi %mul3A_148, %min3A_149 : i32
      %dma_start3A_151 = tpu.memref_slice %arg8[%min3A_150] : memref<5760xi32, #tpu.memory_space<vmem>> -> memref<32xi32, #tpu.memory_space<vmem>>
      %dma_start3A_152 = arith.constant 0 : i32
      %dma_start3A_153 = arith.constant 0 : i32
      %dma_start3A_154 = tpu.memref_slice %arg3[%dma_start3A_152, %dma_start3A_153] : memref<10000x288xbf16, #tpu.memory_space<hbm>> -> memref<10000x288xbf16, #tpu.memory_space<hbm>>
      tpu.enqueue_indirect_dma source(%dma_start3A_154 : memref<10000x288xbf16, #tpu.memory_space<hbm>>) target(%arg14 : memref<32x288xbf16, #tpu.memory_space<vmem>>) offsets(%dma_start3A_151 : memref<32xi32, #tpu.memory_space<vmem>>) semaphore(%arg20 : memref<!tpu.dma_semaphore, #tpu.memory_space<semaphore_mem>>)
      %dma_start3A_155 = tpu.memref_slice %arg9[%min3A_150] : memref<5760xi32, #tpu.memory_space<vmem>> -> memref<32xi32, #tpu.memory_space<vmem>>
      %dma_start3A_156 = arith.constant 0 : i32
      %dma_start3A_157 = arith.constant 0 : i32
      %dma_start3A_158 = tpu.memref_slice %arg4[%dma_start3A_156, %dma_start3A_157] : memref<10000x16xf32, #tpu.memory_space<hbm>> -> memref<10000x16xf32, #tpu.memory_space<hbm>>
      tpu.enqueue_indirect_dma source(%dma_start3A_158 : memref<10000x16xf32, #tpu.memory_space<hbm>>) target(%arg16 : memref<32x16xf32, #tpu.memory_space<vmem>>) offsets(%dma_start3A_155 : memref<32xi32, #tpu.memory_space<vmem>>) semaphore(%arg22 : memref<!tpu.dma_semaphore, #tpu.memory_space<semaphore_mem>>)
      %dma_wait3A_159 = arith.constant 0 : i32
      %dma_wait3A_160 = tpu.memref_slice %arg8[%dma_wait3A_159] : memref<5760xi32, #tpu.memory_space<vmem>> -> memref<32xi32, #tpu.memory_space<vmem>>
      %dma_wait3A_161 = arith.constant 0 : i32
      %dma_wait3A_162 = arith.constant 0 : i32
      %dma_wait3A_163 = tpu.memref_slice %arg3[%dma_wait3A_161, %dma_wait3A_162] : memref<10000x288xbf16, #tpu.memory_space<hbm>> -> memref<10000x288xbf16, #tpu.memory_space<hbm>>
      tpu.wait_indirect_dma semaphore(%arg21 : memref<!tpu.dma_semaphore, #tpu.memory_space<semaphore_mem>>) src(%dma_wait3A_163 : memref<10000x288xbf16, #tpu.memory_space<hbm>>) dst(%arg15 : memref<32x288xbf16, #tpu.memory_space<vmem>>)
      %dma_wait3A_164 = arith.constant 0 : i32
      %dma_wait3A_165 = tpu.memref_slice %arg9[%dma_wait3A_164] : memref<5760xi32, #tpu.memory_space<vmem>> -> memref<32xi32, #tpu.memory_space<vmem>>
      %dma_wait3A_166 = arith.constant 0 : i32
      %dma_wait3A_167 = arith.constant 0 : i32
      %dma_wait3A_168 = tpu.memref_slice %arg4[%dma_wait3A_166, %dma_wait3A_167] : memref<10000x16xf32, #tpu.memory_space<hbm>> -> memref<10000x16xf32, #tpu.memory_space<hbm>>
      tpu.wait_indirect_dma semaphore(%arg23 : memref<!tpu.dma_semaphore, #tpu.memory_space<semaphore_mem>>) src(%dma_wait3A_168 : memref<10000x16xf32, #tpu.memory_space<hbm>>) dst(%arg17 : memref<32x16xf32, #tpu.memory_space<vmem>>)
      %add3A_169 = arith.constant 1 : i32
      %add3A_170 = arith.addi %mul3A_114, %add3A_169 : i32
      %mul3A_171 = arith.constant 32 : i32
      %mul3A_172 = arith.muli %add3A_170, %mul3A_171 : i32
      %min3A_173 = arith.constant 5728 : i32
      %min3A_174 = arith.minsi %mul3A_172, %min3A_173 : i32
      %parallel_loop3A_175 = arith.constant 0 : i32
      %parallel_loop3A_176 = arith.constant 32 : i32
      %parallel_loop3A_177 = arith.constant 1 : i32
      scf.for %parallel_loop3A_179 = %parallel_loop3A_175 to %parallel_loop3A_176 step %parallel_loop3A_177  : i32 {
        %parallel_loop3A_180 = vector.broadcast %parallel_loop3A_179 : i32 to vector<16xi32>
        %parallel_loop3A_181 = vector.broadcast %min3A_174 : i32 to vector<16xi32>
        %parallel_loop3A_182 = arith.addi %parallel_loop3A_180, %parallel_loop3A_181 : vector<16xi32>
        %parallel_loop3A_183 = tpu.vector_load_idx %arg9[%parallel_loop3A_182] : memref<5760xi32, #tpu.memory_space<vmem>>[vector<16xi32>], vector<16xi32>,
        %parallel_loop3A_184 = vector.broadcast %mul3A_2 : i32 to vector<16xi32>
        %parallel_loop3A_185 = arith.subi %parallel_loop3A_183, %parallel_loop3A_184 : vector<16xi32>
        %parallel_loop3A_186 = arith.constant 0 : i32
        %parallel_loop3A_187 = arith.constant 319 : i32
        %parallel_loop3A_188 = vector.broadcast %parallel_loop3A_186 : i32 to vector<16xi32>
        %parallel_loop3A_189 = arith.maxsi %parallel_loop3A_188, %parallel_loop3A_185 : vector<16xi32>
        %parallel_loop3A_190 = vector.broadcast %parallel_loop3A_187 : i32 to vector<16xi32>
        %parallel_loop3A_191 = arith.minsi %parallel_loop3A_190, %parallel_loop3A_189 : vector<16xi32>
        %parallel_loop3A_192 = arith.index_cast %parallel_loop3A_179 : i32 to index
        %parallel_loop3A_193 = arith.constant 256 : index
        %parallel_loop3A_194 = tpu.vector_load %arg15[%parallel_loop3A_192, %parallel_loop3A_193] {strides = array<i32>} : memref<32x288xbf16, #tpu.memory_space<vmem>>, vector<32xbf16>,
        %parallel_loop3A_195 = tpu.unpack_subelements %parallel_loop3A_194, 0 {pack_format = #tpu.pack_format<interleaved>} : vector<32xbf16> -> vector<16xf32>
        %parallel_loop3A_196 = tpu.unpack_subelements %parallel_loop3A_194, 1 {pack_format = #tpu.pack_format<interleaved>} : vector<32xbf16> -> vector<16xf32>
        %parallel_loop3A_197 = arith.index_cast %parallel_loop3A_179 : i32 to index
        %parallel_loop3A_198 = arith.constant 0 : index
        %parallel_loop3A_199 = tpu.vector_load %arg17[%parallel_loop3A_197, %parallel_loop3A_198] {strides = array<i32>} : memref<32x16xf32, #tpu.memory_space<vmem>>, vector<16xf32>,
        %parallel_loop3A_200 = arith.addf %parallel_loop3A_195, %parallel_loop3A_199 : vector<16xf32>
        %parallel_loop3A_201 = arith.constant 0.000000e+00 : f32
        %parallel_loop3A_202 = vector.broadcast %parallel_loop3A_201 : f32 to vector<16xf32>
        %parallel_loop3A_203 = arith.cmpf ogt, %parallel_loop3A_200, %parallel_loop3A_202 : vector<16xf32>
        %parallel_loop3A_204 = arith.constant 2.000000e-01 : f32
        %parallel_loop3A_205 = vector.broadcast %parallel_loop3A_204 : f32 to vector<16xf32>
        %parallel_loop3A_206 = arith.mulf %parallel_loop3A_205, %parallel_loop3A_200 : vector<16xf32>
        %parallel_loop3A_207 = arith.select %parallel_loop3A_203, %parallel_loop3A_200, %parallel_loop3A_206 : vector<16xi1>, vector<16xf32>
        %parallel_loop3A_208 = math.exp %parallel_loop3A_207 : vector<16xf32>
        %parallel_loop3A_209 = arith.constant 4 : i32
        %parallel_loop3A_210 = vector.broadcast %parallel_loop3A_209 : i32 to vector<16xi32>
        %parallel_loop3A_211 = arith.cmpi sge, %iota3A, %parallel_loop3A_210 : vector<16xi32>
        %parallel_loop3A_212 = arith.constant 8 : i32
        %parallel_loop3A_213 = vector.broadcast %parallel_loop3A_212 : i32 to vector<16xi32>
        %parallel_loop3A_214 = arith.cmpi slt, %iota3A, %parallel_loop3A_213 : vector<16xi32>
        %parallel_loop3A_215 = arith.andi %parallel_loop3A_211, %parallel_loop3A_214 : vector<16xi1>
        %parallel_loop3A_216 = arith.addi %min3A_174, %parallel_loop3A_179 : i32
        %parallel_loop3A_217 = vector.broadcast %parallel_loop3A_216 : i32 to vector<16xi32>
        %parallel_loop3A_218 = vector.broadcast %min3A_34 : i32 to vector<16xi32>
        %parallel_loop3A_219 = arith.cmpi slt, %parallel_loop3A_217, %parallel_loop3A_218 : vector<16xi32>
        %parallel_loop3A_220 = arith.andi %parallel_loop3A_215, %parallel_loop3A_219 : vector<16xi1>
        %parallel_loop3A_221 = arith.constant 0.000000e+00 : f32
        %parallel_loop3A_222 = vector.broadcast %parallel_loop3A_221 : f32 to vector<16xf32>
        %parallel_loop3A_223 = arith.select %parallel_loop3A_220, %parallel_loop3A_208, %parallel_loop3A_222 : vector<16xi1>, vector<16xf32>
        %parallel_loop3A_224 = arith.index_cast %parallel_loop3A_179 : i32 to index
        %parallel_loop3A_225 = arith.constant 0 : index
        %parallel_loop3A_226 = tpu.vector_load %arg18[%parallel_loop3A_224, %parallel_loop3A_225] {strides = array<i32>} : memref<32x16xf32, #tpu.memory_space<vmem>>, vector<16xf32>,
        tpu.vector_store %arg18[%parallel_loop3A_224, %parallel_loop3A_225], %parallel_loop3A_223 {strides = array<i32>} : memref<32x16xf32, #tpu.memory_space<vmem>>, vector<16xf32>,
        %parallel_loop3A_227 = arith.constant 4 : i32
        %parallel_loop3A_228 = vector.broadcast %parallel_loop3A_227 : i32 to vector<16xi32>
        %parallel_loop3A_229 = tpu.vector_load_idx %arg18[%parallel_loop3A_180, %parallel_loop3A_228] : memref<32x16xf32, #tpu.memory_space<vmem>>[vector<16xi32>, vector<16xi32>], vector<16xf32>,
        %parallel_loop3A_230 = arith.constant 5 : i32
        %parallel_loop3A_231 = vector.broadcast %parallel_loop3A_230 : i32 to vector<16xi32>
        %parallel_loop3A_232 = tpu.vector_load_idx %arg18[%parallel_loop3A_180, %parallel_loop3A_231] : memref<32x16xf32, #tpu.memory_space<vmem>>[vector<16xi32>, vector<16xi32>], vector<16xf32>,
        %parallel_loop3A_233 = arith.constant 6 : i32
        %parallel_loop3A_234 = vector.broadcast %parallel_loop3A_233 : i32 to vector<16xi32>
        %parallel_loop3A_235 = tpu.vector_load_idx %arg18[%parallel_loop3A_180, %parallel_loop3A_234] : memref<32x16xf32, #tpu.memory_space<vmem>>[vector<16xi32>, vector<16xi32>], vector<16xf32>,
        %parallel_loop3A_236 = arith.constant 7 : i32
        %parallel_loop3A_237 = vector.broadcast %parallel_loop3A_236 : i32 to vector<16xi32>
        %parallel_loop3A_238 = tpu.vector_load_idx %arg18[%parallel_loop3A_180, %parallel_loop3A_237] : memref<32x16xf32, #tpu.memory_space<vmem>>[vector<16xi32>, vector<16xi32>], vector<16xf32>,
        %parallel_loop3A_239 = arith.constant 4 : i32
        %parallel_loop3A_240 = vector.broadcast %parallel_loop3A_239 : i32 to vector<16xi32>
        %parallel_loop3A_241 = arith.addi %iota3A, %parallel_loop3A_240 : vector<16xi32>
        %parallel_loop3A_242 = arith.constant 15 : i32
        %parallel_loop3A_243 = vector.broadcast %parallel_loop3A_242 : i32 to vector<16xi32>
        %parallel_loop3A_244 = arith.minsi %parallel_loop3A_241, %parallel_loop3A_243 : vector<16xi32>
        %parallel_loop3A_245 = tpu.vector_load_idx %arg18[%parallel_loop3A_180, %parallel_loop3A_244] : memref<32x16xf32, #tpu.memory_space<vmem>>[vector<16xi32>, vector<16xi32>], vector<16xf32>,
        %parallel_loop3A_246 = arith.index_cast %parallel_loop3A_179 : i32 to index
        %parallel_loop3A_247 = arith.constant 0 : index
        %parallel_loop3A_248 = tpu.vector_load %arg15[%parallel_loop3A_246, %parallel_loop3A_247] {strides = array<i32>} : memref<32x288xbf16, #tpu.memory_space<vmem>>, vector<32xbf16>,
        %parallel_loop3A_249 = tpu.unpack_subelements %parallel_loop3A_248, 0 {pack_format = #tpu.pack_format<interleaved>} : vector<32xbf16> -> vector<16xf32>
        %parallel_loop3A_250 = tpu.unpack_subelements %parallel_loop3A_248, 1 {pack_format = #tpu.pack_format<interleaved>} : vector<32xbf16> -> vector<16xf32>
        %parallel_loop3A_251 = arith.constant 0 : i32
        %parallel_loop3A_252 = vector.broadcast %parallel_loop3A_251 : i32 to vector<16xi32>
        %parallel_loop3A_253 = arith.addi %parallel_loop3A_252, %iota3A : vector<16xi32>
        %parallel_loop3A_254 = arith.mulf %parallel_loop3A_249, %parallel_loop3A_229 : vector<16xf32>
        tpu.vector_store_idx %arg19[%parallel_loop3A_191, %parallel_loop3A_253], %parallel_loop3A_254 {add = true} : memref<320x288xf32, #tpu.memory_space<vmem>>[vector<16xi32>, vector<16xi32>], vector<16xf32>,
        %parallel_loop3A_255 = arith.constant 16 : i32
        %parallel_loop3A_256 = vector.broadcast %parallel_loop3A_255 : i32 to vector<16xi32>
        %parallel_loop3A_257 = arith.addi %parallel_loop3A_256, %iota3A : vector<16xi32>
        %parallel_loop3A_258 = arith.mulf %parallel_loop3A_250, %parallel_loop3A_229 : vector<16xf32>
        tpu.vector_store_idx %arg19[%parallel_loop3A_191, %parallel_loop3A_257], %parallel_loop3A_258 {add = true} : memref<320x288xf32, #tpu.memory_space<vmem>>[vector<16xi32>, vector<16xi32>], vector<16xf32>,
        %parallel_loop3A_259 = arith.index_cast %parallel_loop3A_179 : i32 to index
        %parallel_loop3A_260 = arith.constant 32 : index
        %parallel_loop3A_261 = tpu.vector_load %arg15[%parallel_loop3A_259, %parallel_loop3A_260] {strides = array<i32>} : memref<32x288xbf16, #tpu.memory_space<vmem>>, vector<32xbf16>,
        %parallel_loop3A_262 = tpu.unpack_subelements %parallel_loop3A_261, 0 {pack_format = #tpu.pack_format<interleaved>} : vector<32xbf16> -> vector<16xf32>
        %parallel_loop3A_263 = tpu.unpack_subelements %parallel_loop3A_261, 1 {pack_format = #tpu.pack_format<interleaved>} : vector<32xbf16> -> vector<16xf32>
        %parallel_loop3A_264 = arith.constant 32 : i32
        %parallel_loop3A_265 = vector.broadcast %parallel_loop3A_264 : i32 to vector<16xi32>
        %parallel_loop3A_266 = arith.addi %parallel_loop3A_265, %iota3A : vector<16xi32>
        %parallel_loop3A_267 = arith.mulf %parallel_loop3A_262, %parallel_loop3A_229 : vector<16xf32>
        tpu.vector_store_idx %arg19[%parallel_loop3A_191, %parallel_loop3A_266], %parallel_loop3A_267 {add = true} : memref<320x288xf32, #tpu.memory_space<vmem>>[vector<16xi32>, vector<16xi32>], vector<16xf32>,
        %parallel_loop3A_268 = arith.constant 48 : i32
        %parallel_loop3A_269 = vector.broadcast %parallel_loop3A_268 : i32 to vector<16xi32>
        %parallel_loop3A_270 = arith.addi %parallel_loop3A_269, %iota3A : vector<16xi32>
        %parallel_loop3A_271 = arith.mulf %parallel_loop3A_263, %parallel_loop3A_229 : vector<16xf32>
        tpu.vector_store_idx %arg19[%parallel_loop3A_191, %parallel_loop3A_270], %parallel_loop3A_271 {add = true} : memref<320x288xf32, #tpu.memory_space<vmem>>[vector<16xi32>, vector<16xi32>], vector<16xf32>,
        %parallel_loop3A_272 = arith.index_cast %parallel_loop3A_179 : i32 to index
        %parallel_loop3A_273 = arith.constant 64 : index
        %parallel_loop3A_274 = tpu.vector_load %arg15[%parallel_loop3A_272, %parallel_loop3A_273] {strides = array<i32>} : memref<32x288xbf16, #tpu.memory_space<vmem>>, vector<32xbf16>,
        %parallel_loop3A_275 = tpu.unpack_subelements %parallel_loop3A_274, 0 {pack_format = #tpu.pack_format<interleaved>} : vector<32xbf16> -> vector<16xf32>
        %parallel_loop3A_276 = tpu.unpack_subelements %parallel_loop3A_274, 1 {pack_format = #tpu.pack_format<interleaved>} : vector<32xbf16> -> vector<16xf32>
        %parallel_loop3A_277 = arith.constant 64 : i32
        %parallel_loop3A_278 = vector.broadcast %parallel_loop3A_277 : i32 to vector<16xi32>
        %parallel_loop3A_279 = arith.addi %parallel_loop3A_278, %iota3A : vector<16xi32>
        %parallel_loop3A_280 = arith.mulf %parallel_loop3A_275, %parallel_loop3A_232 : vector<16xf32>
        tpu.vector_store_idx %arg19[%parallel_loop3A_191, %parallel_loop3A_279], %parallel_loop3A_280 {add = true} : memref<320x288xf32, #tpu.memory_space<vmem>>[vector<16xi32>, vector<16xi32>], vector<16xf32>,
        %parallel_loop3A_281 = arith.constant 80 : i32
        %parallel_loop3A_282 = vector.broadcast %parallel_loop3A_281 : i32 to vector<16xi32>
        %parallel_loop3A_283 = arith.addi %parallel_loop3A_282, %iota3A : vector<16xi32>
        %parallel_loop3A_284 = arith.mulf %parallel_loop3A_276, %parallel_loop3A_232 : vector<16xf32>
        tpu.vector_store_idx %arg19[%parallel_loop3A_191, %parallel_loop3A_283], %parallel_loop3A_284 {add = true} : memref<320x288xf32, #tpu.memory_space<vmem>>[vector<16xi32>, vector<16xi32>], vector<16xf32>,
        %parallel_loop3A_285 = arith.index_cast %parallel_loop3A_179 : i32 to index
        %parallel_loop3A_286 = arith.constant 96 : index
        %parallel_loop3A_287 = tpu.vector_load %arg15[%parallel_loop3A_285, %parallel_loop3A_286] {strides = array<i32>} : memref<32x288xbf16, #tpu.memory_space<vmem>>, vector<32xbf16>,
        %parallel_loop3A_288 = tpu.unpack_subelements %parallel_loop3A_287, 0 {pack_format = #tpu.pack_format<interleaved>} : vector<32xbf16> -> vector<16xf32>
        %parallel_loop3A_289 = tpu.unpack_subelements %parallel_loop3A_287, 1 {pack_format = #tpu.pack_format<interleaved>} : vector<32xbf16> -> vector<16xf32>
        %parallel_loop3A_290 = arith.constant 96 : i32
        %parallel_loop3A_291 = vector.broadcast %parallel_loop3A_290 : i32 to vector<16xi32>
        %parallel_loop3A_292 = arith.addi %parallel_loop3A_291, %iota3A : vector<16xi32>
        %parallel_loop3A_293 = arith.mulf %parallel_loop3A_288, %parallel_loop3A_232 : vector<16xf32>
        tpu.vector_store_idx %arg19[%parallel_loop3A_191, %parallel_loop3A_292], %parallel_loop3A_293 {add = true} : memref<320x288xf32, #tpu.memory_space<vmem>>[vector<16xi32>, vector<16xi32>], vector<16xf32>,
        %parallel_loop3A_294 = arith.constant 112 : i32
        %parallel_loop3A_295 = vector.broadcast %parallel_loop3A_294 : i32 to vector<16xi32>
        %parallel_loop3A_296 = arith.addi %parallel_loop3A_295, %iota3A : vector<16xi32>
        %parallel_loop3A_297 = arith.mulf %parallel_loop3A_289, %parallel_loop3A_232 : vector<16xf32>
        tpu.vector_store_idx %arg19[%parallel_loop3A_191, %parallel_loop3A_296], %parallel_loop3A_297 {add = true} : memref<320x288xf32, #tpu.memory_space<vmem>>[vector<16xi32>, vector<16xi32>], vector<16xf32>,
        %parallel_loop3A_298 = arith.index_cast %parallel_loop3A_179 : i32 to index
        %parallel_loop3A_299 = arith.constant 128 : index
        %parallel_loop3A_300 = tpu.vector_load %arg15[%parallel_loop3A_298, %parallel_loop3A_299] {strides = array<i32>} : memref<32x288xbf16, #tpu.memory_space<vmem>>, vector<32xbf16>,
        %parallel_loop3A_301 = tpu.unpack_subelements %parallel_loop3A_300, 0 {pack_format = #tpu.pack_format<interleaved>} : vector<32xbf16> -> vector<16xf32>
        %parallel_loop3A_302 = tpu.unpack_subelements %parallel_loop3A_300, 1 {pack_format = #tpu.pack_format<interleaved>} : vector<32xbf16> -> vector<16xf32>
        %parallel_loop3A_303 = arith.constant 128 : i32
        %parallel_loop3A_304 = vector.broadcast %parallel_loop3A_303 : i32 to vector<16xi32>
        %parallel_loop3A_305 = arith.addi %parallel_loop3A_304, %iota3A : vector<16xi32>
        %parallel_loop3A_306 = arith.mulf %parallel_loop3A_301, %parallel_loop3A_235 : vector<16xf32>
        tpu.vector_store_idx %arg19[%parallel_loop3A_191, %parallel_loop3A_305], %parallel_loop3A_306 {add = true} : memref<320x288xf32, #tpu.memory_space<vmem>>[vector<16xi32>, vector<16xi32>], vector<16xf32>,
        %parallel_loop3A_307 = arith.constant 144 : i32
        %parallel_loop3A_308 = vector.broadcast %parallel_loop3A_307 : i32 to vector<16xi32>
        %parallel_loop3A_309 = arith.addi %parallel_loop3A_308, %iota3A : vector<16xi32>
        %parallel_loop3A_310 = arith.mulf %parallel_loop3A_302, %parallel_loop3A_235 : vector<16xf32>
        tpu.vector_store_idx %arg19[%parallel_loop3A_191, %parallel_loop3A_309], %parallel_loop3A_310 {add = true} : memref<320x288xf32, #tpu.memory_space<vmem>>[vector<16xi32>, vector<16xi32>], vector<16xf32>,
        %parallel_loop3A_311 = arith.index_cast %parallel_loop3A_179 : i32 to index
        %parallel_loop3A_312 = arith.constant 160 : index
        %parallel_loop3A_313 = tpu.vector_load %arg15[%parallel_loop3A_311, %parallel_loop3A_312] {strides = array<i32>} : memref<32x288xbf16, #tpu.memory_space<vmem>>, vector<32xbf16>,
        %parallel_loop3A_314 = tpu.unpack_subelements %parallel_loop3A_313, 0 {pack_format = #tpu.pack_format<interleaved>} : vector<32xbf16> -> vector<16xf32>
        %parallel_loop3A_315 = tpu.unpack_subelements %parallel_loop3A_313, 1 {pack_format = #tpu.pack_format<interleaved>} : vector<32xbf16> -> vector<16xf32>
        %parallel_loop3A_316 = arith.constant 160 : i32
        %parallel_loop3A_317 = vector.broadcast %parallel_loop3A_316 : i32 to vector<16xi32>
        %parallel_loop3A_318 = arith.addi %parallel_loop3A_317, %iota3A : vector<16xi32>
        %parallel_loop3A_319 = arith.mulf %parallel_loop3A_314, %parallel_loop3A_235 : vector<16xf32>
        tpu.vector_store_idx %arg19[%parallel_loop3A_191, %parallel_loop3A_318], %parallel_loop3A_319 {add = true} : memref<320x288xf32, #tpu.memory_space<vmem>>[vector<16xi32>, vector<16xi32>], vector<16xf32>,
        %parallel_loop3A_320 = arith.constant 176 : i32
        %parallel_loop3A_321 = vector.broadcast %parallel_loop3A_320 : i32 to vector<16xi32>
        %parallel_loop3A_322 = arith.addi %parallel_loop3A_321, %iota3A : vector<16xi32>
        %parallel_loop3A_323 = arith.mulf %parallel_loop3A_315, %parallel_loop3A_235 : vector<16xf32>
        tpu.vector_store_idx %arg19[%parallel_loop3A_191, %parallel_loop3A_322], %parallel_loop3A_323 {add = true} : memref<320x288xf32, #tpu.memory_space<vmem>>[vector<16xi32>, vector<16xi32>], vector<16xf32>,
        %parallel_loop3A_324 = arith.index_cast %parallel_loop3A_179 : i32 to index
        %parallel_loop3A_325 = arith.constant 192 : index
        %parallel_loop3A_326 = tpu.vector_load %arg15[%parallel_loop3A_324, %parallel_loop3A_325] {strides = array<i32>} : memref<32x288xbf16, #tpu.memory_space<vmem>>, vector<32xbf16>,
        %parallel_loop3A_327 = tpu.unpack_subelements %parallel_loop3A_326, 0 {pack_format = #tpu.pack_format<interleaved>} : vector<32xbf16> -> vector<16xf32>
        %parallel_loop3A_328 = tpu.unpack_subelements %parallel_loop3A_326, 1 {pack_format = #tpu.pack_format<interleaved>} : vector<32xbf16> -> vector<16xf32>
        %parallel_loop3A_329 = arith.constant 192 : i32
        %parallel_loop3A_330 = vector.broadcast %parallel_loop3A_329 : i32 to vector<16xi32>
        %parallel_loop3A_331 = arith.addi %parallel_loop3A_330, %iota3A : vector<16xi32>
        %parallel_loop3A_332 = arith.mulf %parallel_loop3A_327, %parallel_loop3A_238 : vector<16xf32>
        tpu.vector_store_idx %arg19[%parallel_loop3A_191, %parallel_loop3A_331], %parallel_loop3A_332 {add = true} : memref<320x288xf32, #tpu.memory_space<vmem>>[vector<16xi32>, vector<16xi32>], vector<16xf32>,
        %parallel_loop3A_333 = arith.constant 208 : i32
        %parallel_loop3A_334 = vector.broadcast %parallel_loop3A_333 : i32 to vector<16xi32>
        %parallel_loop3A_335 = arith.addi %parallel_loop3A_334, %iota3A : vector<16xi32>
        %parallel_loop3A_336 = arith.mulf %parallel_loop3A_328, %parallel_loop3A_238 : vector<16xf32>
        tpu.vector_store_idx %arg19[%parallel_loop3A_191, %parallel_loop3A_335], %parallel_loop3A_336 {add = true} : memref<320x288xf32, #tpu.memory_space<vmem>>[vector<16xi32>, vector<16xi32>], vector<16xf32>,
        %parallel_loop3A_337 = arith.index_cast %parallel_loop3A_179 : i32 to index
        %parallel_loop3A_338 = arith.constant 224 : index
        %parallel_loop3A_339 = tpu.vector_load %arg15[%parallel_loop3A_337, %parallel_loop3A_338] {strides = array<i32>} : memref<32x288xbf16, #tpu.memory_space<vmem>>, vector<32xbf16>,
        %parallel_loop3A_340 = tpu.unpack_subelements %parallel_loop3A_339, 0 {pack_format = #tpu.pack_format<interleaved>} : vector<32xbf16> -> vector<16xf32>
        %parallel_loop3A_341 = tpu.unpack_subelements %parallel_loop3A_339, 1 {pack_format = #tpu.pack_format<interleaved>} : vector<32xbf16> -> vector<16xf32>
        %parallel_loop3A_342 = arith.constant 224 : i32
        %parallel_loop3A_343 = vector.broadcast %parallel_loop3A_342 : i32 to vector<16xi32>
        %parallel_loop3A_344 = arith.addi %parallel_loop3A_343, %iota3A : vector<16xi32>
        %parallel_loop3A_345 = arith.mulf %parallel_loop3A_340, %parallel_loop3A_238 : vector<16xf32>
        tpu.vector_store_idx %arg19[%parallel_loop3A_191, %parallel_loop3A_344], %parallel_loop3A_345 {add = true} : memref<320x288xf32, #tpu.memory_space<vmem>>[vector<16xi32>, vector<16xi32>], vector<16xf32>,
        %parallel_loop3A_346 = arith.constant 240 : i32
        %parallel_loop3A_347 = vector.broadcast %parallel_loop3A_346 : i32 to vector<16xi32>
        %parallel_loop3A_348 = arith.addi %parallel_loop3A_347, %iota3A : vector<16xi32>
        %parallel_loop3A_349 = arith.mulf %parallel_loop3A_341, %parallel_loop3A_238 : vector<16xf32>
        tpu.vector_store_idx %arg19[%parallel_loop3A_191, %parallel_loop3A_348], %parallel_loop3A_349 {add = true} : memref<320x288xf32, #tpu.memory_space<vmem>>[vector<16xi32>, vector<16xi32>], vector<16xf32>,
        %parallel_loop3A_350 = arith.constant 256 : i32
        %parallel_loop3A_351 = vector.broadcast %parallel_loop3A_350 : i32 to vector<16xi32>
        %parallel_loop3A_352 = arith.addi %parallel_loop3A_351, %iota3A : vector<16xi32>
        %parallel_loop3A_353 = arith.mulf %parallel_loop3A_195, %parallel_loop3A_245 : vector<16xf32>
        tpu.vector_store_idx %arg19[%parallel_loop3A_191, %parallel_loop3A_352], %parallel_loop3A_353 {add = true} : memref<320x288xf32, #tpu.memory_space<vmem>>[vector<16xi32>, vector<16xi32>], vector<16xf32>,
      } {sc.loop_unroll_factor = 8 : i64, sc.parallel_access}
      %while3A_178 = arith.constant 0 : i32
      scf.yield %while3A_178 : i32
    }
    %while3A_99 = arith.constant 1 : i32
    %while3A_100 = scf.for %while3A_111 = %while3A_96 to %while3A_92 step %while3A_99 iter_args(%while3A_112 = %while3A_98) -> (i32)  : i32 {
      %mul3A_113 = arith.constant 2 : i32
      %mul3A_114 = arith.muli %mul3A_113, %while3A_111 : i32
      %add3A_115 = arith.constant 1 : i32
      %add3A_116 = arith.addi %mul3A_114, %add3A_115 : i32
      %mul3A_117 = arith.constant 32 : i32
      %mul3A_118 = arith.muli %add3A_116, %mul3A_117 : i32
      %min3A_119 = arith.constant 5728 : i32
      %min3A_120 = arith.minsi %mul3A_118, %min3A_119 : i32
      %dma_start3A_121 = tpu.memref_slice %arg8[%min3A_120] : memref<5760xi32, #tpu.memory_space<vmem>> -> memref<32xi32, #tpu.memory_space<vmem>>
      %dma_start3A_122 = arith.constant 0 : i32
      %dma_start3A_123 = arith.constant 0 : i32
      %dma_start3A_124 = tpu.memref_slice %arg3[%dma_start3A_122, %dma_start3A_123] : memref<10000x288xbf16, #tpu.memory_space<hbm>> -> memref<10000x288xbf16, #tpu.memory_space<hbm>>
      tpu.enqueue_indirect_dma source(%dma_start3A_124 : memref<10000x288xbf16, #tpu.memory_space<hbm>>) target(%arg15 : memref<32x288xbf16, #tpu.memory_space<vmem>>) offsets(%dma_start3A_121 : memref<32xi32, #tpu.memory_space<vmem>>) semaphore(%arg21 : memref<!tpu.dma_semaphore, #tpu.memory_space<semaphore_mem>>)
      %dma_start3A_125 = tpu.memref_slice %arg9[%min3A_120] : memref<5760xi32, #tpu.memory_space<vmem>> -> memref<32xi32, #tpu.memory_space<vmem>>
      %dma_start3A_126 = arith.constant 0 : i32
      %dma_start3A_127 = arith.constant 0 : i32
      %dma_start3A_128 = tpu.memref_slice %arg4[%dma_start3A_126, %dma_start3A_127] : memref<10000x16xf32, #tpu.memory_space<hbm>> -> memref<10000x16xf32, #tpu.memory_space<hbm>>
      tpu.enqueue_indirect_dma source(%dma_start3A_128 : memref<10000x16xf32, #tpu.memory_space<hbm>>) target(%arg17 : memref<32x16xf32, #tpu.memory_space<vmem>>) offsets(%dma_start3A_125 : memref<32xi32, #tpu.memory_space<vmem>>) semaphore(%arg23 : memref<!tpu.dma_semaphore, #tpu.memory_space<semaphore_mem>>)
      %dma_wait3A_129 = arith.constant 0 : i32
      %dma_wait3A_130 = tpu.memref_slice %arg8[%dma_wait3A_129] : memref<5760xi32, #tpu.memory_space<vmem>> -> memref<32xi32, #tpu.memory_space<vmem>>
      %dma_wait3A_131 = arith.constant 0 : i32
      %dma_wait3A_132 = arith.constant 0 : i32
      %dma_wait3A_133 = tpu.memref_slice %arg3[%dma_wait3A_131, %dma_wait3A_132] : memref<10000x288xbf16, #tpu.memory_space<hbm>> -> memref<10000x288xbf16, #tpu.memory_space<hbm>>
      tpu.wait_indirect_dma semaphore(%arg20 : memref<!tpu.dma_semaphore, #tpu.memory_space<semaphore_mem>>) src(%dma_wait3A_133 : memref<10000x288xbf16, #tpu.memory_space<hbm>>) dst(%arg14 : memref<32x288xbf16, #tpu.memory_space<vmem>>)
      %dma_wait3A_134 = arith.constant 0 : i32
      %dma_wait3A_135 = tpu.memref_slice %arg9[%dma_wait3A_134] : memref<5760xi32, #tpu.memory_space<vmem>> -> memref<32xi32, #tpu.memory_space<vmem>>
      %dma_wait3A_136 = arith.constant 0 : i32
      %dma_wait3A_137 = arith.constant 0 : i32
      %dma_wait3A_138 = tpu.memref_slice %arg4[%dma_wait3A_136, %dma_wait3A_137] : memref<10000x16xf32, #tpu.memory_space<hbm>> -> memref<10000x16xf32, #tpu.memory_space<hbm>>
      tpu.wait_indirect_dma semaphore(%arg22 : memref<!tpu.dma_semaphore, #tpu.memory_space<semaphore_mem>>) src(%dma_wait3A_138 : memref<10000x16xf32, #tpu.memory_space<hbm>>) dst(%arg16 : memref<32x16xf32, #tpu.memory_space<vmem>>)
      %mul3A_139 = arith.constant 32 : i32
      %mul3A_140 = arith.muli %mul3A_114, %mul3A_139 : i32
      %min3A_141 = arith.constant 5728 : i32
      %min3A_142 = arith.minsi %mul3A_140, %min3A_141 : i32
      %parallel_loop3A = arith.constant 0 : i32
      %parallel_loop3A_143 = arith.constant 32 : i32
      %parallel_loop3A_144 = arith.constant 1 : i32
      scf.for %parallel_loop3A_179 = %parallel_loop3A to %parallel_loop3A_143 step %parallel_loop3A_144  : i32 {
        %parallel_loop3A_180 = vector.broadcast %parallel_loop3A_179 : i32 to vector<16xi32>
        %parallel_loop3A_181 = vector.broadcast %min3A_142 : i32 to vector<16xi32>
        %parallel_loop3A_182 = arith.addi %parallel_loop3A_180, %parallel_loop3A_181 : vector<16xi32>
        %parallel_loop3A_183 = tpu.vector_load_idx %arg9[%parallel_loop3A_182] : memref<5760xi32, #tpu.memory_space<vmem>>[vector<16xi32>], vector<16xi32>,
        %parallel_loop3A_184 = vector.broadcast %mul3A_2 : i32 to vector<16xi32>
        %parallel_loop3A_185 = arith.subi %parallel_loop3A_183, %parallel_loop3A_184 : vector<16xi32>
        %parallel_loop3A_186 = arith.constant 0 : i32
        %parallel_loop3A_187 = arith.constant 319 : i32
        %parallel_loop3A_188 = vector.broadcast %parallel_loop3A_186 : i32 to vector<16xi32>
        %parallel_loop3A_189 = arith.maxsi %parallel_loop3A_188, %parallel_loop3A_185 : vector<16xi32>
        %parallel_loop3A_190 = vector.broadcast %parallel_loop3A_187 : i32 to vector<16xi32>
        %parallel_loop3A_191 = arith.minsi %parallel_loop3A_190, %parallel_loop3A_189 : vector<16xi32>
        %parallel_loop3A_192 = arith.index_cast %parallel_loop3A_179 : i32 to index
        %parallel_loop3A_193 = arith.constant 256 : index
        %parallel_loop3A_194 = tpu.vector_load %arg14[%parallel_loop3A_192, %parallel_loop3A_193] {strides = array<i32>} : memref<32x288xbf16, #tpu.memory_space<vmem>>, vector<32xbf16>,
        %parallel_loop3A_195 = tpu.unpack_subelements %parallel_loop3A_194, 0 {pack_format = #tpu.pack_format<interleaved>} : vector<32xbf16> -> vector<16xf32>
        %parallel_loop3A_196 = tpu.unpack_subelements %parallel_loop3A_194, 1 {pack_format = #tpu.pack_format<interleaved>} : vector<32xbf16> -> vector<16xf32>
        %parallel_loop3A_197 = arith.index_cast %parallel_loop3A_179 : i32 to index
        %parallel_loop3A_198 = arith.constant 0 : index
        %parallel_loop3A_199 = tpu.vector_load %arg16[%parallel_loop3A_197, %parallel_loop3A_198] {strides = array<i32>} : memref<32x16xf32, #tpu.memory_space<vmem>>, vector<16xf32>,
        %parallel_loop3A_200 = arith.addf %parallel_loop3A_195, %parallel_loop3A_199 : vector<16xf32>
        %parallel_loop3A_201 = arith.constant 0.000000e+00 : f32
        %parallel_loop3A_202 = vector.broadcast %parallel_loop3A_201 : f32 to vector<16xf32>
        %parallel_loop3A_203 = arith.cmpf ogt, %parallel_loop3A_200, %parallel_loop3A_202 : vector<16xf32>
        %parallel_loop3A_204 = arith.constant 2.000000e-01 : f32
        %parallel_loop3A_205 = vector.broadcast %parallel_loop3A_204 : f32 to vector<16xf32>
        %parallel_loop3A_206 = arith.mulf %parallel_loop3A_205, %parallel_loop3A_200 : vector<16xf32>
        %parallel_loop3A_207 = arith.select %parallel_loop3A_203, %parallel_loop3A_200, %parallel_loop3A_206 : vector<16xi1>, vector<16xf32>
        %parallel_loop3A_208 = math.exp %parallel_loop3A_207 : vector<16xf32>
        %parallel_loop3A_209 = arith.constant 4 : i32
        %parallel_loop3A_210 = vector.broadcast %parallel_loop3A_209 : i32 to vector<16xi32>
        %parallel_loop3A_211 = arith.cmpi sge, %iota3A, %parallel_loop3A_210 : vector<16xi32>
        %parallel_loop3A_212 = arith.constant 8 : i32
        %parallel_loop3A_213 = vector.broadcast %parallel_loop3A_212 : i32 to vector<16xi32>
        %parallel_loop3A_214 = arith.cmpi slt, %iota3A, %parallel_loop3A_213 : vector<16xi32>
        %parallel_loop3A_215 = arith.andi %parallel_loop3A_211, %parallel_loop3A_214 : vector<16xi1>
        %parallel_loop3A_216 = arith.addi %min3A_142, %parallel_loop3A_179 : i32
        %parallel_loop3A_217 = vector.broadcast %parallel_loop3A_216 : i32 to vector<16xi32>
        %parallel_loop3A_218 = vector.broadcast %min3A_34 : i32 to vector<16xi32>
        %parallel_loop3A_219 = arith.cmpi slt, %parallel_loop3A_217, %parallel_loop3A_218 : vector<16xi32>
        %parallel_loop3A_220 = arith.andi %parallel_loop3A_215, %parallel_loop3A_219 : vector<16xi1>
        %parallel_loop3A_221 = arith.constant 0.000000e+00 : f32
        %parallel_loop3A_222 = vector.broadcast %parallel_loop3A_221 : f32 to vector<16xf32>
        %parallel_loop3A_223 = arith.select %parallel_loop3A_220, %parallel_loop3A_208, %parallel_loop3A_222 : vector<16xi1>, vector<16xf32>
        %parallel_loop3A_224 = arith.index_cast %parallel_loop3A_179 : i32 to index
        %parallel_loop3A_225 = arith.constant 0 : index
        %parallel_loop3A_226 = tpu.vector_load %arg18[%parallel_loop3A_224, %parallel_loop3A_225] {strides = array<i32>} : memref<32x16xf32, #tpu.memory_space<vmem>>, vector<16xf32>,
        tpu.vector_store %arg18[%parallel_loop3A_224, %parallel_loop3A_225], %parallel_loop3A_223 {strides = array<i32>} : memref<32x16xf32, #tpu.memory_space<vmem>>, vector<16xf32>,
        %parallel_loop3A_227 = arith.constant 4 : i32
        %parallel_loop3A_228 = vector.broadcast %parallel_loop3A_227 : i32 to vector<16xi32>
        %parallel_loop3A_229 = tpu.vector_load_idx %arg18[%parallel_loop3A_180, %parallel_loop3A_228] : memref<32x16xf32, #tpu.memory_space<vmem>>[vector<16xi32>, vector<16xi32>], vector<16xf32>,
        %parallel_loop3A_230 = arith.constant 5 : i32
        %parallel_loop3A_231 = vector.broadcast %parallel_loop3A_230 : i32 to vector<16xi32>
        %parallel_loop3A_232 = tpu.vector_load_idx %arg18[%parallel_loop3A_180, %parallel_loop3A_231] : memref<32x16xf32, #tpu.memory_space<vmem>>[vector<16xi32>, vector<16xi32>], vector<16xf32>,
        %parallel_loop3A_233 = arith.constant 6 : i32
        %parallel_loop3A_234 = vector.broadcast %parallel_loop3A_233 : i32 to vector<16xi32>
        %parallel_loop3A_235 = tpu.vector_load_idx %arg18[%parallel_loop3A_180, %parallel_loop3A_234] : memref<32x16xf32, #tpu.memory_space<vmem>>[vector<16xi32>, vector<16xi32>], vector<16xf32>,
        %parallel_loop3A_236 = arith.constant 7 : i32
        %parallel_loop3A_237 = vector.broadcast %parallel_loop3A_236 : i32 to vector<16xi32>
        %parallel_loop3A_238 = tpu.vector_load_idx %arg18[%parallel_loop3A_180, %parallel_loop3A_237] : memref<32x16xf32, #tpu.memory_space<vmem>>[vector<16xi32>, vector<16xi32>], vector<16xf32>,
        %parallel_loop3A_239 = arith.constant 4 : i32
        %parallel_loop3A_240 = vector.broadcast %parallel_loop3A_239 : i32 to vector<16xi32>
        %parallel_loop3A_241 = arith.addi %iota3A, %parallel_loop3A_240 : vector<16xi32>
        %parallel_loop3A_242 = arith.constant 15 : i32
        %parallel_loop3A_243 = vector.broadcast %parallel_loop3A_242 : i32 to vector<16xi32>
        %parallel_loop3A_244 = arith.minsi %parallel_loop3A_241, %parallel_loop3A_243 : vector<16xi32>
        %parallel_loop3A_245 = tpu.vector_load_idx %arg18[%parallel_loop3A_180, %parallel_loop3A_244] : memref<32x16xf32, #tpu.memory_space<vmem>>[vector<16xi32>, vector<16xi32>], vector<16xf32>,
        %parallel_loop3A_246 = arith.index_cast %parallel_loop3A_179 : i32 to index
        %parallel_loop3A_247 = arith.constant 0 : index
        %parallel_loop3A_248 = tpu.vector_load %arg14[%parallel_loop3A_246, %parallel_loop3A_247] {strides = array<i32>} : memref<32x288xbf16, #tpu.memory_space<vmem>>, vector<32xbf16>,
        %parallel_loop3A_249 = tpu.unpack_subelements %parallel_loop3A_248, 0 {pack_format = #tpu.pack_format<interleaved>} : vector<32xbf16> -> vector<16xf32>
        %parallel_loop3A_250 = tpu.unpack_subelements %parallel_loop3A_248, 1 {pack_format = #tpu.pack_format<interleaved>} : vector<32xbf16> -> vector<16xf32>
        %parallel_loop3A_251 = arith.constant 0 : i32
        %parallel_loop3A_252 = vector.broadcast %parallel_loop3A_251 : i32 to vector<16xi32>
        %parallel_loop3A_253 = arith.addi %parallel_loop3A_252, %iota3A : vector<16xi32>
        %parallel_loop3A_254 = arith.mulf %parallel_loop3A_249, %parallel_loop3A_229 : vector<16xf32>
        tpu.vector_store_idx %arg19[%parallel_loop3A_191, %parallel_loop3A_253], %parallel_loop3A_254 {add = true} : memref<320x288xf32, #tpu.memory_space<vmem>>[vector<16xi32>, vector<16xi32>], vector<16xf32>,
        %parallel_loop3A_255 = arith.constant 16 : i32
        %parallel_loop3A_256 = vector.broadcast %parallel_loop3A_255 : i32 to vector<16xi32>
        %parallel_loop3A_257 = arith.addi %parallel_loop3A_256, %iota3A : vector<16xi32>
        %parallel_loop3A_258 = arith.mulf %parallel_loop3A_250, %parallel_loop3A_229 : vector<16xf32>
        tpu.vector_store_idx %arg19[%parallel_loop3A_191, %parallel_loop3A_257], %parallel_loop3A_258 {add = true} : memref<320x288xf32, #tpu.memory_space<vmem>>[vector<16xi32>, vector<16xi32>], vector<16xf32>,
        %parallel_loop3A_259 = arith.index_cast %parallel_loop3A_179 : i32 to index
        %parallel_loop3A_260 = arith.constant 32 : index
        %parallel_loop3A_261 = tpu.vector_load %arg14[%parallel_loop3A_259, %parallel_loop3A_260] {strides = array<i32>} : memref<32x288xbf16, #tpu.memory_space<vmem>>, vector<32xbf16>,
        %parallel_loop3A_262 = tpu.unpack_subelements %parallel_loop3A_261, 0 {pack_format = #tpu.pack_format<interleaved>} : vector<32xbf16> -> vector<16xf32>
        %parallel_loop3A_263 = tpu.unpack_subelements %parallel_loop3A_261, 1 {pack_format = #tpu.pack_format<interleaved>} : vector<32xbf16> -> vector<16xf32>
        %parallel_loop3A_264 = arith.constant 32 : i32
        %parallel_loop3A_265 = vector.broadcast %parallel_loop3A_264 : i32 to vector<16xi32>
        %parallel_loop3A_266 = arith.addi %parallel_loop3A_265, %iota3A : vector<16xi32>
        %parallel_loop3A_267 = arith.mulf %parallel_loop3A_262, %parallel_loop3A_229 : vector<16xf32>
        tpu.vector_store_idx %arg19[%parallel_loop3A_191, %parallel_loop3A_266], %parallel_loop3A_267 {add = true} : memref<320x288xf32, #tpu.memory_space<vmem>>[vector<16xi32>, vector<16xi32>], vector<16xf32>,
        %parallel_loop3A_268 = arith.constant 48 : i32
        %parallel_loop3A_269 = vector.broadcast %parallel_loop3A_268 : i32 to vector<16xi32>
        %parallel_loop3A_270 = arith.addi %parallel_loop3A_269, %iota3A : vector<16xi32>
        %parallel_loop3A_271 = arith.mulf %parallel_loop3A_263, %parallel_loop3A_229 : vector<16xf32>
        tpu.vector_store_idx %arg19[%parallel_loop3A_191, %parallel_loop3A_270], %parallel_loop3A_271 {add = true} : memref<320x288xf32, #tpu.memory_space<vmem>>[vector<16xi32>, vector<16xi32>], vector<16xf32>,
        %parallel_loop3A_272 = arith.index_cast %parallel_loop3A_179 : i32 to index
        %parallel_loop3A_273 = arith.constant 64 : index
        %parallel_loop3A_274 = tpu.vector_load %arg14[%parallel_loop3A_272, %parallel_loop3A_273] {strides = array<i32>} : memref<32x288xbf16, #tpu.memory_space<vmem>>, vector<32xbf16>,
        %parallel_loop3A_275 = tpu.unpack_subelements %parallel_loop3A_274, 0 {pack_format = #tpu.pack_format<interleaved>} : vector<32xbf16> -> vector<16xf32>
        %parallel_loop3A_276 = tpu.unpack_subelements %parallel_loop3A_274, 1 {pack_format = #tpu.pack_format<interleaved>} : vector<32xbf16> -> vector<16xf32>
        %parallel_loop3A_277 = arith.constant 64 : i32
        %parallel_loop3A_278 = vector.broadcast %parallel_loop3A_277 : i32 to vector<16xi32>
        %parallel_loop3A_279 = arith.addi %parallel_loop3A_278, %iota3A : vector<16xi32>
        %parallel_loop3A_280 = arith.mulf %parallel_loop3A_275, %parallel_loop3A_232 : vector<16xf32>
        tpu.vector_store_idx %arg19[%parallel_loop3A_191, %parallel_loop3A_279], %parallel_loop3A_280 {add = true} : memref<320x288xf32, #tpu.memory_space<vmem>>[vector<16xi32>, vector<16xi32>], vector<16xf32>,
        %parallel_loop3A_281 = arith.constant 80 : i32
        %parallel_loop3A_282 = vector.broadcast %parallel_loop3A_281 : i32 to vector<16xi32>
        %parallel_loop3A_283 = arith.addi %parallel_loop3A_282, %iota3A : vector<16xi32>
        %parallel_loop3A_284 = arith.mulf %parallel_loop3A_276, %parallel_loop3A_232 : vector<16xf32>
        tpu.vector_store_idx %arg19[%parallel_loop3A_191, %parallel_loop3A_283], %parallel_loop3A_284 {add = true} : memref<320x288xf32, #tpu.memory_space<vmem>>[vector<16xi32>, vector<16xi32>], vector<16xf32>,
        %parallel_loop3A_285 = arith.index_cast %parallel_loop3A_179 : i32 to index
        %parallel_loop3A_286 = arith.constant 96 : index
        %parallel_loop3A_287 = tpu.vector_load %arg14[%parallel_loop3A_285, %parallel_loop3A_286] {strides = array<i32>} : memref<32x288xbf16, #tpu.memory_space<vmem>>, vector<32xbf16>,
        %parallel_loop3A_288 = tpu.unpack_subelements %parallel_loop3A_287, 0 {pack_format = #tpu.pack_format<interleaved>} : vector<32xbf16> -> vector<16xf32>
        %parallel_loop3A_289 = tpu.unpack_subelements %parallel_loop3A_287, 1 {pack_format = #tpu.pack_format<interleaved>} : vector<32xbf16> -> vector<16xf32>
        %parallel_loop3A_290 = arith.constant 96 : i32
        %parallel_loop3A_291 = vector.broadcast %parallel_loop3A_290 : i32 to vector<16xi32>
        %parallel_loop3A_292 = arith.addi %parallel_loop3A_291, %iota3A : vector<16xi32>
        %parallel_loop3A_293 = arith.mulf %parallel_loop3A_288, %parallel_loop3A_232 : vector<16xf32>
        tpu.vector_store_idx %arg19[%parallel_loop3A_191, %parallel_loop3A_292], %parallel_loop3A_293 {add = true} : memref<320x288xf32, #tpu.memory_space<vmem>>[vector<16xi32>, vector<16xi32>], vector<16xf32>,
        %parallel_loop3A_294 = arith.constant 112 : i32
        %parallel_loop3A_295 = vector.broadcast %parallel_loop3A_294 : i32 to vector<16xi32>
        %parallel_loop3A_296 = arith.addi %parallel_loop3A_295, %iota3A : vector<16xi32>
        %parallel_loop3A_297 = arith.mulf %parallel_loop3A_289, %parallel_loop3A_232 : vector<16xf32>
        tpu.vector_store_idx %arg19[%parallel_loop3A_191, %parallel_loop3A_296], %parallel_loop3A_297 {add = true} : memref<320x288xf32, #tpu.memory_space<vmem>>[vector<16xi32>, vector<16xi32>], vector<16xf32>,
        %parallel_loop3A_298 = arith.index_cast %parallel_loop3A_179 : i32 to index
        %parallel_loop3A_299 = arith.constant 128 : index
        %parallel_loop3A_300 = tpu.vector_load %arg14[%parallel_loop3A_298, %parallel_loop3A_299] {strides = array<i32>} : memref<32x288xbf16, #tpu.memory_space<vmem>>, vector<32xbf16>,
        %parallel_loop3A_301 = tpu.unpack_subelements %parallel_loop3A_300, 0 {pack_format = #tpu.pack_format<interleaved>} : vector<32xbf16> -> vector<16xf32>
        %parallel_loop3A_302 = tpu.unpack_subelements %parallel_loop3A_300, 1 {pack_format = #tpu.pack_format<interleaved>} : vector<32xbf16> -> vector<16xf32>
        %parallel_loop3A_303 = arith.constant 128 : i32
        %parallel_loop3A_304 = vector.broadcast %parallel_loop3A_303 : i32 to vector<16xi32>
        %parallel_loop3A_305 = arith.addi %parallel_loop3A_304, %iota3A : vector<16xi32>
        %parallel_loop3A_306 = arith.mulf %parallel_loop3A_301, %parallel_loop3A_235 : vector<16xf32>
        tpu.vector_store_idx %arg19[%parallel_loop3A_191, %parallel_loop3A_305], %parallel_loop3A_306 {add = true} : memref<320x288xf32, #tpu.memory_space<vmem>>[vector<16xi32>, vector<16xi32>], vector<16xf32>,
        %parallel_loop3A_307 = arith.constant 144 : i32
        %parallel_loop3A_308 = vector.broadcast %parallel_loop3A_307 : i32 to vector<16xi32>
        %parallel_loop3A_309 = arith.addi %parallel_loop3A_308, %iota3A : vector<16xi32>
        %parallel_loop3A_310 = arith.mulf %parallel_loop3A_302, %parallel_loop3A_235 : vector<16xf32>
        tpu.vector_store_idx %arg19[%parallel_loop3A_191, %parallel_loop3A_309], %parallel_loop3A_310 {add = true} : memref<320x288xf32, #tpu.memory_space<vmem>>[vector<16xi32>, vector<16xi32>], vector<16xf32>,
        %parallel_loop3A_311 = arith.index_cast %parallel_loop3A_179 : i32 to index
        %parallel_loop3A_312 = arith.constant 160 : index
        %parallel_loop3A_313 = tpu.vector_load %arg14[%parallel_loop3A_311, %parallel_loop3A_312] {strides = array<i32>} : memref<32x288xbf16, #tpu.memory_space<vmem>>, vector<32xbf16>,
        %parallel_loop3A_314 = tpu.unpack_subelements %parallel_loop3A_313, 0 {pack_format = #tpu.pack_format<interleaved>} : vector<32xbf16> -> vector<16xf32>
        %parallel_loop3A_315 = tpu.unpack_subelements %parallel_loop3A_313, 1 {pack_format = #tpu.pack_format<interleaved>} : vector<32xbf16> -> vector<16xf32>
        %parallel_loop3A_316 = arith.constant 160 : i32
        %parallel_loop3A_317 = vector.broadcast %parallel_loop3A_316 : i32 to vector<16xi32>
        %parallel_loop3A_318 = arith.addi %parallel_loop3A_317, %iota3A : vector<16xi32>
        %parallel_loop3A_319 = arith.mulf %parallel_loop3A_314, %parallel_loop3A_235 : vector<16xf32>
        tpu.vector_store_idx %arg19[%parallel_loop3A_191, %parallel_loop3A_318], %parallel_loop3A_319 {add = true} : memref<320x288xf32, #tpu.memory_space<vmem>>[vector<16xi32>, vector<16xi32>], vector<16xf32>,
        %parallel_loop3A_320 = arith.constant 176 : i32
        %parallel_loop3A_321 = vector.broadcast %parallel_loop3A_320 : i32 to vector<16xi32>
        %parallel_loop3A_322 = arith.addi %parallel_loop3A_321, %iota3A : vector<16xi32>
        %parallel_loop3A_323 = arith.mulf %parallel_loop3A_315, %parallel_loop3A_235 : vector<16xf32>
        tpu.vector_store_idx %arg19[%parallel_loop3A_191, %parallel_loop3A_322], %parallel_loop3A_323 {add = true} : memref<320x288xf32, #tpu.memory_space<vmem>>[vector<16xi32>, vector<16xi32>], vector<16xf32>,
        %parallel_loop3A_324 = arith.index_cast %parallel_loop3A_179 : i32 to index
        %parallel_loop3A_325 = arith.constant 192 : index
        %parallel_loop3A_326 = tpu.vector_load %arg14[%parallel_loop3A_324, %parallel_loop3A_325] {strides = array<i32>} : memref<32x288xbf16, #tpu.memory_space<vmem>>, vector<32xbf16>,
        %parallel_loop3A_327 = tpu.unpack_subelements %parallel_loop3A_326, 0 {pack_format = #tpu.pack_format<interleaved>} : vector<32xbf16> -> vector<16xf32>
        %parallel_loop3A_328 = tpu.unpack_subelements %parallel_loop3A_326, 1 {pack_format = #tpu.pack_format<interleaved>} : vector<32xbf16> -> vector<16xf32>
        %parallel_loop3A_329 = arith.constant 192 : i32
        %parallel_loop3A_330 = vector.broadcast %parallel_loop3A_329 : i32 to vector<16xi32>
        %parallel_loop3A_331 = arith.addi %parallel_loop3A_330, %iota3A : vector<16xi32>
        %parallel_loop3A_332 = arith.mulf %parallel_loop3A_327, %parallel_loop3A_238 : vector<16xf32>
        tpu.vector_store_idx %arg19[%parallel_loop3A_191, %parallel_loop3A_331], %parallel_loop3A_332 {add = true} : memref<320x288xf32, #tpu.memory_space<vmem>>[vector<16xi32>, vector<16xi32>], vector<16xf32>,
        %parallel_loop3A_333 = arith.constant 208 : i32
        %parallel_loop3A_334 = vector.broadcast %parallel_loop3A_333 : i32 to vector<16xi32>
        %parallel_loop3A_335 = arith.addi %parallel_loop3A_334, %iota3A : vector<16xi32>
        %parallel_loop3A_336 = arith.mulf %parallel_loop3A_328, %parallel_loop3A_238 : vector<16xf32>
        tpu.vector_store_idx %arg19[%parallel_loop3A_191, %parallel_loop3A_335], %parallel_loop3A_336 {add = true} : memref<320x288xf32, #tpu.memory_space<vmem>>[vector<16xi32>, vector<16xi32>], vector<16xf32>,
        %parallel_loop3A_337 = arith.index_cast %parallel_loop3A_179 : i32 to index
        %parallel_loop3A_338 = arith.constant 224 : index
        %parallel_loop3A_339 = tpu.vector_load %arg14[%parallel_loop3A_337, %parallel_loop3A_338] {strides = array<i32>} : memref<32x288xbf16, #tpu.memory_space<vmem>>, vector<32xbf16>,
        %parallel_loop3A_340 = tpu.unpack_subelements %parallel_loop3A_339, 0 {pack_format = #tpu.pack_format<interleaved>} : vector<32xbf16> -> vector<16xf32>
        %parallel_loop3A_341 = tpu.unpack_subelements %parallel_loop3A_339, 1 {pack_format = #tpu.pack_format<interleaved>} : vector<32xbf16> -> vector<16xf32>
        %parallel_loop3A_342 = arith.constant 224 : i32
        %parallel_loop3A_343 = vector.broadcast %parallel_loop3A_342 : i32 to vector<16xi32>
        %parallel_loop3A_344 = arith.addi %parallel_loop3A_343, %iota3A : vector<16xi32>
        %parallel_loop3A_345 = arith.mulf %parallel_loop3A_340, %parallel_loop3A_238 : vector<16xf32>
        tpu.vector_store_idx %arg19[%parallel_loop3A_191, %parallel_loop3A_344], %parallel_loop3A_345 {add = true} : memref<320x288xf32, #tpu.memory_space<vmem>>[vector<16xi32>, vector<16xi32>], vector<16xf32>,
        %parallel_loop3A_346 = arith.constant 240 : i32
        %parallel_loop3A_347 = vector.broadcast %parallel_loop3A_346 : i32 to vector<16xi32>
        %parallel_loop3A_348 = arith.addi %parallel_loop3A_347, %iota3A : vector<16xi32>
        %parallel_loop3A_349 = arith.mulf %parallel_loop3A_341, %parallel_loop3A_238 : vector<16xf32>
        tpu.vector_store_idx %arg19[%parallel_loop3A_191, %parallel_loop3A_348], %parallel_loop3A_349 {add = true} : memref<320x288xf32, #tpu.memory_space<vmem>>[vector<16xi32>, vector<16xi32>], vector<16xf32>,
        %parallel_loop3A_350 = arith.constant 256 : i32
        %parallel_loop3A_351 = vector.broadcast %parallel_loop3A_350 : i32 to vector<16xi32>
        %parallel_loop3A_352 = arith.addi %parallel_loop3A_351, %iota3A : vector<16xi32>
        %parallel_loop3A_353 = arith.mulf %parallel_loop3A_195, %parallel_loop3A_245 : vector<16xf32>
        tpu.vector_store_idx %arg19[%parallel_loop3A_191, %parallel_loop3A_352], %parallel_loop3A_353 {add = true} : memref<320x288xf32, #tpu.memory_space<vmem>>[vector<16xi32>, vector<16xi32>], vector<16xf32>,
      } {sc.loop_unroll_factor = 8 : i64, sc.parallel_access}
      %add3A_145 = arith.constant 2 : i32
      %add3A_146 = arith.addi %mul3A_114, %add3A_145 : i32
      %mul3A_147 = arith.constant 32 : i32
      %mul3A_148 = arith.muli %add3A_146, %mul3A_147 : i32
      %min3A_149 = arith.constant 5728 : i32
      %min3A_150 = arith.minsi %mul3A_148, %min3A_149 : i32
      %dma_start3A_151 = tpu.memref_slice %arg8[%min3A_150] : memref<5760xi32, #tpu.memory_space<vmem>> -> memref<32xi32, #tpu.memory_space<vmem>>
      %dma_start3A_152 = arith.constant 0 : i32
      %dma_start3A_153 = arith.constant 0 : i32
      %dma_start3A_154 = tpu.memref_slice %arg3[%dma_start3A_152, %dma_start3A_153] : memref<10000x288xbf16, #tpu.memory_space<hbm>> -> memref<10000x288xbf16, #tpu.memory_space<hbm>>
      tpu.enqueue_indirect_dma source(%dma_start3A_154 : memref<10000x288xbf16, #tpu.memory_space<hbm>>) target(%arg14 : memref<32x288xbf16, #tpu.memory_space<vmem>>) offsets(%dma_start3A_151 : memref<32xi32, #tpu.memory_space<vmem>>) semaphore(%arg20 : memref<!tpu.dma_semaphore, #tpu.memory_space<semaphore_mem>>)
      %dma_start3A_155 = tpu.memref_slice %arg9[%min3A_150] : memref<5760xi32, #tpu.memory_space<vmem>> -> memref<32xi32, #tpu.memory_space<vmem>>
      %dma_start3A_156 = arith.constant 0 : i32
      %dma_start3A_157 = arith.constant 0 : i32
      %dma_start3A_158 = tpu.memref_slice %arg4[%dma_start3A_156, %dma_start3A_157] : memref<10000x16xf32, #tpu.memory_space<hbm>> -> memref<10000x16xf32, #tpu.memory_space<hbm>>
      tpu.enqueue_indirect_dma source(%dma_start3A_158 : memref<10000x16xf32, #tpu.memory_space<hbm>>) target(%arg16 : memref<32x16xf32, #tpu.memory_space<vmem>>) offsets(%dma_start3A_155 : memref<32xi32, #tpu.memory_space<vmem>>) semaphore(%arg22 : memref<!tpu.dma_semaphore, #tpu.memory_space<semaphore_mem>>)
      %dma_wait3A_159 = arith.constant 0 : i32
      %dma_wait3A_160 = tpu.memref_slice %arg8[%dma_wait3A_159] : memref<5760xi32, #tpu.memory_space<vmem>> -> memref<32xi32, #tpu.memory_space<vmem>>
      %dma_wait3A_161 = arith.constant 0 : i32
      %dma_wait3A_162 = arith.constant 0 : i32
      %dma_wait3A_163 = tpu.memref_slice %arg3[%dma_wait3A_161, %dma_wait3A_162] : memref<10000x288xbf16, #tpu.memory_space<hbm>> -> memref<10000x288xbf16, #tpu.memory_space<hbm>>
      tpu.wait_indirect_dma semaphore(%arg21 : memref<!tpu.dma_semaphore, #tpu.memory_space<semaphore_mem>>) src(%dma_wait3A_163 : memref<10000x288xbf16, #tpu.memory_space<hbm>>) dst(%arg15 : memref<32x288xbf16, #tpu.memory_space<vmem>>)
      %dma_wait3A_164 = arith.constant 0 : i32
      %dma_wait3A_165 = tpu.memref_slice %arg9[%dma_wait3A_164] : memref<5760xi32, #tpu.memory_space<vmem>> -> memref<32xi32, #tpu.memory_space<vmem>>
      %dma_wait3A_166 = arith.constant 0 : i32
      %dma_wait3A_167 = arith.constant 0 : i32
      %dma_wait3A_168 = tpu.memref_slice %arg4[%dma_wait3A_166, %dma_wait3A_167] : memref<10000x16xf32, #tpu.memory_space<hbm>> -> memref<10000x16xf32, #tpu.memory_space<hbm>>
      tpu.wait_indirect_dma semaphore(%arg23 : memref<!tpu.dma_semaphore, #tpu.memory_space<semaphore_mem>>) src(%dma_wait3A_168 : memref<10000x16xf32, #tpu.memory_space<hbm>>) dst(%arg17 : memref<32x16xf32, #tpu.memory_space<vmem>>)
      %add3A_169 = arith.constant 1 : i32
      %add3A_170 = arith.addi %mul3A_114, %add3A_169 : i32
      %mul3A_171 = arith.constant 32 : i32
      %mul3A_172 = arith.muli %add3A_170, %mul3A_171 : i32
      %min3A_173 = arith.constant 5728 : i32
      %min3A_174 = arith.minsi %mul3A_172, %min3A_173 : i32
      %parallel_loop3A_175 = arith.constant 0 : i32
      %parallel_loop3A_176 = arith.constant 32 : i32
      %parallel_loop3A_177 = arith.constant 1 : i32
      scf.for %parallel_loop3A_179 = %parallel_loop3A_175 to %parallel_loop3A_176 step %parallel_loop3A_177  : i32 {
        %parallel_loop3A_180 = vector.broadcast %parallel_loop3A_179 : i32 to vector<16xi32>
        %parallel_loop3A_181 = vector.broadcast %min3A_174 : i32 to vector<16xi32>
        %parallel_loop3A_182 = arith.addi %parallel_loop3A_180, %parallel_loop3A_181 : vector<16xi32>
        %parallel_loop3A_183 = tpu.vector_load_idx %arg9[%parallel_loop3A_182] : memref<5760xi32, #tpu.memory_space<vmem>>[vector<16xi32>], vector<16xi32>,
        %parallel_loop3A_184 = vector.broadcast %mul3A_2 : i32 to vector<16xi32>
        %parallel_loop3A_185 = arith.subi %parallel_loop3A_183, %parallel_loop3A_184 : vector<16xi32>
        %parallel_loop3A_186 = arith.constant 0 : i32
        %parallel_loop3A_187 = arith.constant 319 : i32
        %parallel_loop3A_188 = vector.broadcast %parallel_loop3A_186 : i32 to vector<16xi32>
        %parallel_loop3A_189 = arith.maxsi %parallel_loop3A_188, %parallel_loop3A_185 : vector<16xi32>
        %parallel_loop3A_190 = vector.broadcast %parallel_loop3A_187 : i32 to vector<16xi32>
        %parallel_loop3A_191 = arith.minsi %parallel_loop3A_190, %parallel_loop3A_189 : vector<16xi32>
        %parallel_loop3A_192 = arith.index_cast %parallel_loop3A_179 : i32 to index
        %parallel_loop3A_193 = arith.constant 256 : index
        %parallel_loop3A_194 = tpu.vector_load %arg15[%parallel_loop3A_192, %parallel_loop3A_193] {strides = array<i32>} : memref<32x288xbf16, #tpu.memory_space<vmem>>, vector<32xbf16>,
        %parallel_loop3A_195 = tpu.unpack_subelements %parallel_loop3A_194, 0 {pack_format = #tpu.pack_format<interleaved>} : vector<32xbf16> -> vector<16xf32>
        %parallel_loop3A_196 = tpu.unpack_subelements %parallel_loop3A_194, 1 {pack_format = #tpu.pack_format<interleaved>} : vector<32xbf16> -> vector<16xf32>
        %parallel_loop3A_197 = arith.index_cast %parallel_loop3A_179 : i32 to index
        %parallel_loop3A_198 = arith.constant 0 : index
        %parallel_loop3A_199 = tpu.vector_load %arg17[%parallel_loop3A_197, %parallel_loop3A_198] {strides = array<i32>} : memref<32x16xf32, #tpu.memory_space<vmem>>, vector<16xf32>,
        %parallel_loop3A_200 = arith.addf %parallel_loop3A_195, %parallel_loop3A_199 : vector<16xf32>
        %parallel_loop3A_201 = arith.constant 0.000000e+00 : f32
        %parallel_loop3A_202 = vector.broadcast %parallel_loop3A_201 : f32 to vector<16xf32>
        %parallel_loop3A_203 = arith.cmpf ogt, %parallel_loop3A_200, %parallel_loop3A_202 : vector<16xf32>
        %parallel_loop3A_204 = arith.constant 2.000000e-01 : f32
        %parallel_loop3A_205 = vector.broadcast %parallel_loop3A_204 : f32 to vector<16xf32>
        %parallel_loop3A_206 = arith.mulf %parallel_loop3A_205, %parallel_loop3A_200 : vector<16xf32>
        %parallel_loop3A_207 = arith.select %parallel_loop3A_203, %parallel_loop3A_200, %parallel_loop3A_206 : vector<16xi1>, vector<16xf32>
        %parallel_loop3A_208 = math.exp %parallel_loop3A_207 : vector<16xf32>
        %parallel_loop3A_209 = arith.constant 4 : i32
        %parallel_loop3A_210 = vector.broadcast %parallel_loop3A_209 : i32 to vector<16xi32>
        %parallel_loop3A_211 = arith.cmpi sge, %iota3A, %parallel_loop3A_210 : vector<16xi32>
        %parallel_loop3A_212 = arith.constant 8 : i32
        %parallel_loop3A_213 = vector.broadcast %parallel_loop3A_212 : i32 to vector<16xi32>
        %parallel_loop3A_214 = arith.cmpi slt, %iota3A, %parallel_loop3A_213 : vector<16xi32>
        %parallel_loop3A_215 = arith.andi %parallel_loop3A_211, %parallel_loop3A_214 : vector<16xi1>
        %parallel_loop3A_216 = arith.addi %min3A_174, %parallel_loop3A_179 : i32
        %parallel_loop3A_217 = vector.broadcast %parallel_loop3A_216 : i32 to vector<16xi32>
        %parallel_loop3A_218 = vector.broadcast %min3A_34 : i32 to vector<16xi32>
        %parallel_loop3A_219 = arith.cmpi slt, %parallel_loop3A_217, %parallel_loop3A_218 : vector<16xi32>
        %parallel_loop3A_220 = arith.andi %parallel_loop3A_215, %parallel_loop3A_219 : vector<16xi1>
        %parallel_loop3A_221 = arith.constant 0.000000e+00 : f32
        %parallel_loop3A_222 = vector.broadcast %parallel_loop3A_221 : f32 to vector<16xf32>
        %parallel_loop3A_223 = arith.select %parallel_loop3A_220, %parallel_loop3A_208, %parallel_loop3A_222 : vector<16xi1>, vector<16xf32>
        %parallel_loop3A_224 = arith.index_cast %parallel_loop3A_179 : i32 to index
        %parallel_loop3A_225 = arith.constant 0 : index
        %parallel_loop3A_226 = tpu.vector_load %arg18[%parallel_loop3A_224, %parallel_loop3A_225] {strides = array<i32>} : memref<32x16xf32, #tpu.memory_space<vmem>>, vector<16xf32>,
        tpu.vector_store %arg18[%parallel_loop3A_224, %parallel_loop3A_225], %parallel_loop3A_223 {strides = array<i32>} : memref<32x16xf32, #tpu.memory_space<vmem>>, vector<16xf32>,
        %parallel_loop3A_227 = arith.constant 4 : i32
        %parallel_loop3A_228 = vector.broadcast %parallel_loop3A_227 : i32 to vector<16xi32>
        %parallel_loop3A_229 = tpu.vector_load_idx %arg18[%parallel_loop3A_180, %parallel_loop3A_228] : memref<32x16xf32, #tpu.memory_space<vmem>>[vector<16xi32>, vector<16xi32>], vector<16xf32>,
        %parallel_loop3A_230 = arith.constant 5 : i32
        %parallel_loop3A_231 = vector.broadcast %parallel_loop3A_230 : i32 to vector<16xi32>
        %parallel_loop3A_232 = tpu.vector_load_idx %arg18[%parallel_loop3A_180, %parallel_loop3A_231] : memref<32x16xf32, #tpu.memory_space<vmem>>[vector<16xi32>, vector<16xi32>], vector<16xf32>,
        %parallel_loop3A_233 = arith.constant 6 : i32
        %parallel_loop3A_234 = vector.broadcast %parallel_loop3A_233 : i32 to vector<16xi32>
        %parallel_loop3A_235 = tpu.vector_load_idx %arg18[%parallel_loop3A_180, %parallel_loop3A_234] : memref<32x16xf32, #tpu.memory_space<vmem>>[vector<16xi32>, vector<16xi32>], vector<16xf32>,
        %parallel_loop3A_236 = arith.constant 7 : i32
        %parallel_loop3A_237 = vector.broadcast %parallel_loop3A_236 : i32 to vector<16xi32>
        %parallel_loop3A_238 = tpu.vector_load_idx %arg18[%parallel_loop3A_180, %parallel_loop3A_237] : memref<32x16xf32, #tpu.memory_space<vmem>>[vector<16xi32>, vector<16xi32>], vector<16xf32>,
        %parallel_loop3A_239 = arith.constant 4 : i32
        %parallel_loop3A_240 = vector.broadcast %parallel_loop3A_239 : i32 to vector<16xi32>
        %parallel_loop3A_241 = arith.addi %iota3A, %parallel_loop3A_240 : vector<16xi32>
        %parallel_loop3A_242 = arith.constant 15 : i32
        %parallel_loop3A_243 = vector.broadcast %parallel_loop3A_242 : i32 to vector<16xi32>
        %parallel_loop3A_244 = arith.minsi %parallel_loop3A_241, %parallel_loop3A_243 : vector<16xi32>
        %parallel_loop3A_245 = tpu.vector_load_idx %arg18[%parallel_loop3A_180, %parallel_loop3A_244] : memref<32x16xf32, #tpu.memory_space<vmem>>[vector<16xi32>, vector<16xi32>], vector<16xf32>,
        %parallel_loop3A_246 = arith.index_cast %parallel_loop3A_179 : i32 to index
        %parallel_loop3A_247 = arith.constant 0 : index
        %parallel_loop3A_248 = tpu.vector_load %arg15[%parallel_loop3A_246, %parallel_loop3A_247] {strides = array<i32>} : memref<32x288xbf16, #tpu.memory_space<vmem>>, vector<32xbf16>,
        %parallel_loop3A_249 = tpu.unpack_subelements %parallel_loop3A_248, 0 {pack_format = #tpu.pack_format<interleaved>} : vector<32xbf16> -> vector<16xf32>
        %parallel_loop3A_250 = tpu.unpack_subelements %parallel_loop3A_248, 1 {pack_format = #tpu.pack_format<interleaved>} : vector<32xbf16> -> vector<16xf32>
        %parallel_loop3A_251 = arith.constant 0 : i32
        %parallel_loop3A_252 = vector.broadcast %parallel_loop3A_251 : i32 to vector<16xi32>
        %parallel_loop3A_253 = arith.addi %parallel_loop3A_252, %iota3A : vector<16xi32>
        %parallel_loop3A_254 = arith.mulf %parallel_loop3A_249, %parallel_loop3A_229 : vector<16xf32>
        tpu.vector_store_idx %arg19[%parallel_loop3A_191, %parallel_loop3A_253], %parallel_loop3A_254 {add = true} : memref<320x288xf32, #tpu.memory_space<vmem>>[vector<16xi32>, vector<16xi32>], vector<16xf32>,
        %parallel_loop3A_255 = arith.constant 16 : i32
        %parallel_loop3A_256 = vector.broadcast %parallel_loop3A_255 : i32 to vector<16xi32>
        %parallel_loop3A_257 = arith.addi %parallel_loop3A_256, %iota3A : vector<16xi32>
        %parallel_loop3A_258 = arith.mulf %parallel_loop3A_250, %parallel_loop3A_229 : vector<16xf32>
        tpu.vector_store_idx %arg19[%parallel_loop3A_191, %parallel_loop3A_257], %parallel_loop3A_258 {add = true} : memref<320x288xf32, #tpu.memory_space<vmem>>[vector<16xi32>, vector<16xi32>], vector<16xf32>,
        %parallel_loop3A_259 = arith.index_cast %parallel_loop3A_179 : i32 to index
        %parallel_loop3A_260 = arith.constant 32 : index
        %parallel_loop3A_261 = tpu.vector_load %arg15[%parallel_loop3A_259, %parallel_loop3A_260] {strides = array<i32>} : memref<32x288xbf16, #tpu.memory_space<vmem>>, vector<32xbf16>,
        %parallel_loop3A_262 = tpu.unpack_subelements %parallel_loop3A_261, 0 {pack_format = #tpu.pack_format<interleaved>} : vector<32xbf16> -> vector<16xf32>
        %parallel_loop3A_263 = tpu.unpack_subelements %parallel_loop3A_261, 1 {pack_format = #tpu.pack_format<interleaved>} : vector<32xbf16> -> vector<16xf32>
        %parallel_loop3A_264 = arith.constant 32 : i32
        %parallel_loop3A_265 = vector.broadcast %parallel_loop3A_264 : i32 to vector<16xi32>
        %parallel_loop3A_266 = arith.addi %parallel_loop3A_265, %iota3A : vector<16xi32>
        %parallel_loop3A_267 = arith.mulf %parallel_loop3A_262, %parallel_loop3A_229 : vector<16xf32>
        tpu.vector_store_idx %arg19[%parallel_loop3A_191, %parallel_loop3A_266], %parallel_loop3A_267 {add = true} : memref<320x288xf32, #tpu.memory_space<vmem>>[vector<16xi32>, vector<16xi32>], vector<16xf32>,
        %parallel_loop3A_268 = arith.constant 48 : i32
        %parallel_loop3A_269 = vector.broadcast %parallel_loop3A_268 : i32 to vector<16xi32>
        %parallel_loop3A_270 = arith.addi %parallel_loop3A_269, %iota3A : vector<16xi32>
        %parallel_loop3A_271 = arith.mulf %parallel_loop3A_263, %parallel_loop3A_229 : vector<16xf32>
        tpu.vector_store_idx %arg19[%parallel_loop3A_191, %parallel_loop3A_270], %parallel_loop3A_271 {add = true} : memref<320x288xf32, #tpu.memory_space<vmem>>[vector<16xi32>, vector<16xi32>], vector<16xf32>,
        %parallel_loop3A_272 = arith.index_cast %parallel_loop3A_179 : i32 to index
        %parallel_loop3A_273 = arith.constant 64 : index
        %parallel_loop3A_274 = tpu.vector_load %arg15[%parallel_loop3A_272, %parallel_loop3A_273] {strides = array<i32>} : memref<32x288xbf16, #tpu.memory_space<vmem>>, vector<32xbf16>,
        %parallel_loop3A_275 = tpu.unpack_subelements %parallel_loop3A_274, 0 {pack_format = #tpu.pack_format<interleaved>} : vector<32xbf16> -> vector<16xf32>
        %parallel_loop3A_276 = tpu.unpack_subelements %parallel_loop3A_274, 1 {pack_format = #tpu.pack_format<interleaved>} : vector<32xbf16> -> vector<16xf32>
        %parallel_loop3A_277 = arith.constant 64 : i32
        %parallel_loop3A_278 = vector.broadcast %parallel_loop3A_277 : i32 to vector<16xi32>
        %parallel_loop3A_279 = arith.addi %parallel_loop3A_278, %iota3A : vector<16xi32>
        %parallel_loop3A_280 = arith.mulf %parallel_loop3A_275, %parallel_loop3A_232 : vector<16xf32>
        tpu.vector_store_idx %arg19[%parallel_loop3A_191, %parallel_loop3A_279], %parallel_loop3A_280 {add = true} : memref<320x288xf32, #tpu.memory_space<vmem>>[vector<16xi32>, vector<16xi32>], vector<16xf32>,
        %parallel_loop3A_281 = arith.constant 80 : i32
        %parallel_loop3A_282 = vector.broadcast %parallel_loop3A_281 : i32 to vector<16xi32>
        %parallel_loop3A_283 = arith.addi %parallel_loop3A_282, %iota3A : vector<16xi32>
        %parallel_loop3A_284 = arith.mulf %parallel_loop3A_276, %parallel_loop3A_232 : vector<16xf32>
        tpu.vector_store_idx %arg19[%parallel_loop3A_191, %parallel_loop3A_283], %parallel_loop3A_284 {add = true} : memref<320x288xf32, #tpu.memory_space<vmem>>[vector<16xi32>, vector<16xi32>], vector<16xf32>,
        %parallel_loop3A_285 = arith.index_cast %parallel_loop3A_179 : i32 to index
        %parallel_loop3A_286 = arith.constant 96 : index
        %parallel_loop3A_287 = tpu.vector_load %arg15[%parallel_loop3A_285, %parallel_loop3A_286] {strides = array<i32>} : memref<32x288xbf16, #tpu.memory_space<vmem>>, vector<32xbf16>,
        %parallel_loop3A_288 = tpu.unpack_subelements %parallel_loop3A_287, 0 {pack_format = #tpu.pack_format<interleaved>} : vector<32xbf16> -> vector<16xf32>
        %parallel_loop3A_289 = tpu.unpack_subelements %parallel_loop3A_287, 1 {pack_format = #tpu.pack_format<interleaved>} : vector<32xbf16> -> vector<16xf32>
        %parallel_loop3A_290 = arith.constant 96 : i32
        %parallel_loop3A_291 = vector.broadcast %parallel_loop3A_290 : i32 to vector<16xi32>
        %parallel_loop3A_292 = arith.addi %parallel_loop3A_291, %iota3A : vector<16xi32>
        %parallel_loop3A_293 = arith.mulf %parallel_loop3A_288, %parallel_loop3A_232 : vector<16xf32>
        tpu.vector_store_idx %arg19[%parallel_loop3A_191, %parallel_loop3A_292], %parallel_loop3A_293 {add = true} : memref<320x288xf32, #tpu.memory_space<vmem>>[vector<16xi32>, vector<16xi32>], vector<16xf32>,
        %parallel_loop3A_294 = arith.constant 112 : i32
        %parallel_loop3A_295 = vector.broadcast %parallel_loop3A_294 : i32 to vector<16xi32>
        %parallel_loop3A_296 = arith.addi %parallel_loop3A_295, %iota3A : vector<16xi32>
        %parallel_loop3A_297 = arith.mulf %parallel_loop3A_289, %parallel_loop3A_232 : vector<16xf32>
        tpu.vector_store_idx %arg19[%parallel_loop3A_191, %parallel_loop3A_296], %parallel_loop3A_297 {add = true} : memref<320x288xf32, #tpu.memory_space<vmem>>[vector<16xi32>, vector<16xi32>], vector<16xf32>,
        %parallel_loop3A_298 = arith.index_cast %parallel_loop3A_179 : i32 to index
        %parallel_loop3A_299 = arith.constant 128 : index
        %parallel_loop3A_300 = tpu.vector_load %arg15[%parallel_loop3A_298, %parallel_loop3A_299] {strides = array<i32>} : memref<32x288xbf16, #tpu.memory_space<vmem>>, vector<32xbf16>,
        %parallel_loop3A_301 = tpu.unpack_subelements %parallel_loop3A_300, 0 {pack_format = #tpu.pack_format<interleaved>} : vector<32xbf16> -> vector<16xf32>
        %parallel_loop3A_302 = tpu.unpack_subelements %parallel_loop3A_300, 1 {pack_format = #tpu.pack_format<interleaved>} : vector<32xbf16> -> vector<16xf32>
        %parallel_loop3A_303 = arith.constant 128 : i32
        %parallel_loop3A_304 = vector.broadcast %parallel_loop3A_303 : i32 to vector<16xi32>
        %parallel_loop3A_305 = arith.addi %parallel_loop3A_304, %iota3A : vector<16xi32>
        %parallel_loop3A_306 = arith.mulf %parallel_loop3A_301, %parallel_loop3A_235 : vector<16xf32>
        tpu.vector_store_idx %arg19[%parallel_loop3A_191, %parallel_loop3A_305], %parallel_loop3A_306 {add = true} : memref<320x288xf32, #tpu.memory_space<vmem>>[vector<16xi32>, vector<16xi32>], vector<16xf32>,
        %parallel_loop3A_307 = arith.constant 144 : i32
        %parallel_loop3A_308 = vector.broadcast %parallel_loop3A_307 : i32 to vector<16xi32>
        %parallel_loop3A_309 = arith.addi %parallel_loop3A_308, %iota3A : vector<16xi32>
        %parallel_loop3A_310 = arith.mulf %parallel_loop3A_302, %parallel_loop3A_235 : vector<16xf32>
        tpu.vector_store_idx %arg19[%parallel_loop3A_191, %parallel_loop3A_309], %parallel_loop3A_310 {add = true} : memref<320x288xf32, #tpu.memory_space<vmem>>[vector<16xi32>, vector<16xi32>], vector<16xf32>,
        %parallel_loop3A_311 = arith.index_cast %parallel_loop3A_179 : i32 to index
        %parallel_loop3A_312 = arith.constant 160 : index
        %parallel_loop3A_313 = tpu.vector_load %arg15[%parallel_loop3A_311, %parallel_loop3A_312] {strides = array<i32>} : memref<32x288xbf16, #tpu.memory_space<vmem>>, vector<32xbf16>,
        %parallel_loop3A_314 = tpu.unpack_subelements %parallel_loop3A_313, 0 {pack_format = #tpu.pack_format<interleaved>} : vector<32xbf16> -> vector<16xf32>
        %parallel_loop3A_315 = tpu.unpack_subelements %parallel_loop3A_313, 1 {pack_format = #tpu.pack_format<interleaved>} : vector<32xbf16> -> vector<16xf32>
        %parallel_loop3A_316 = arith.constant 160 : i32
        %parallel_loop3A_317 = vector.broadcast %parallel_loop3A_316 : i32 to vector<16xi32>
        %parallel_loop3A_318 = arith.addi %parallel_loop3A_317, %iota3A : vector<16xi32>
        %parallel_loop3A_319 = arith.mulf %parallel_loop3A_314, %parallel_loop3A_235 : vector<16xf32>
        tpu.vector_store_idx %arg19[%parallel_loop3A_191, %parallel_loop3A_318], %parallel_loop3A_319 {add = true} : memref<320x288xf32, #tpu.memory_space<vmem>>[vector<16xi32>, vector<16xi32>], vector<16xf32>,
        %parallel_loop3A_320 = arith.constant 176 : i32
        %parallel_loop3A_321 = vector.broadcast %parallel_loop3A_320 : i32 to vector<16xi32>
        %parallel_loop3A_322 = arith.addi %parallel_loop3A_321, %iota3A : vector<16xi32>
        %parallel_loop3A_323 = arith.mulf %parallel_loop3A_315, %parallel_loop3A_235 : vector<16xf32>
        tpu.vector_store_idx %arg19[%parallel_loop3A_191, %parallel_loop3A_322], %parallel_loop3A_323 {add = true} : memref<320x288xf32, #tpu.memory_space<vmem>>[vector<16xi32>, vector<16xi32>], vector<16xf32>,
        %parallel_loop3A_324 = arith.index_cast %parallel_loop3A_179 : i32 to index
        %parallel_loop3A_325 = arith.constant 192 : index
        %parallel_loop3A_326 = tpu.vector_load %arg15[%parallel_loop3A_324, %parallel_loop3A_325] {strides = array<i32>} : memref<32x288xbf16, #tpu.memory_space<vmem>>, vector<32xbf16>,
        %parallel_loop3A_327 = tpu.unpack_subelements %parallel_loop3A_326, 0 {pack_format = #tpu.pack_format<interleaved>} : vector<32xbf16> -> vector<16xf32>
        %parallel_loop3A_328 = tpu.unpack_subelements %parallel_loop3A_326, 1 {pack_format = #tpu.pack_format<interleaved>} : vector<32xbf16> -> vector<16xf32>
        %parallel_loop3A_329 = arith.constant 192 : i32
        %parallel_loop3A_330 = vector.broadcast %parallel_loop3A_329 : i32 to vector<16xi32>
        %parallel_loop3A_331 = arith.addi %parallel_loop3A_330, %iota3A : vector<16xi32>
        %parallel_loop3A_332 = arith.mulf %parallel_loop3A_327, %parallel_loop3A_238 : vector<16xf32>
        tpu.vector_store_idx %arg19[%parallel_loop3A_191, %parallel_loop3A_331], %parallel_loop3A_332 {add = true} : memref<320x288xf32, #tpu.memory_space<vmem>>[vector<16xi32>, vector<16xi32>], vector<16xf32>,
        %parallel_loop3A_333 = arith.constant 208 : i32
        %parallel_loop3A_334 = vector.broadcast %parallel_loop3A_333 : i32 to vector<16xi32>
        %parallel_loop3A_335 = arith.addi %parallel_loop3A_334, %iota3A : vector<16xi32>
        %parallel_loop3A_336 = arith.mulf %parallel_loop3A_328, %parallel_loop3A_238 : vector<16xf32>
        tpu.vector_store_idx %arg19[%parallel_loop3A_191, %parallel_loop3A_335], %parallel_loop3A_336 {add = true} : memref<320x288xf32, #tpu.memory_space<vmem>>[vector<16xi32>, vector<16xi32>], vector<16xf32>,
        %parallel_loop3A_337 = arith.index_cast %parallel_loop3A_179 : i32 to index
        %parallel_loop3A_338 = arith.constant 224 : index
        %parallel_loop3A_339 = tpu.vector_load %arg15[%parallel_loop3A_337, %parallel_loop3A_338] {strides = array<i32>} : memref<32x288xbf16, #tpu.memory_space<vmem>>, vector<32xbf16>,
        %parallel_loop3A_340 = tpu.unpack_subelements %parallel_loop3A_339, 0 {pack_format = #tpu.pack_format<interleaved>} : vector<32xbf16> -> vector<16xf32>
        %parallel_loop3A_341 = tpu.unpack_subelements %parallel_loop3A_339, 1 {pack_format = #tpu.pack_format<interleaved>} : vector<32xbf16> -> vector<16xf32>
        %parallel_loop3A_342 = arith.constant 224 : i32
        %parallel_loop3A_343 = vector.broadcast %parallel_loop3A_342 : i32 to vector<16xi32>
        %parallel_loop3A_344 = arith.addi %parallel_loop3A_343, %iota3A : vector<16xi32>
        %parallel_loop3A_345 = arith.mulf %parallel_loop3A_340, %parallel_loop3A_238 : vector<16xf32>
        tpu.vector_store_idx %arg19[%parallel_loop3A_191, %parallel_loop3A_344], %parallel_loop3A_345 {add = true} : memref<320x288xf32, #tpu.memory_space<vmem>>[vector<16xi32>, vector<16xi32>], vector<16xf32>,
        %parallel_loop3A_346 = arith.constant 240 : i32
        %parallel_loop3A_347 = vector.broadcast %parallel_loop3A_346 : i32 to vector<16xi32>
        %parallel_loop3A_348 = arith.addi %parallel_loop3A_347, %iota3A : vector<16xi32>
        %parallel_loop3A_349 = arith.mulf %parallel_loop3A_341, %parallel_loop3A_238 : vector<16xf32>
        tpu.vector_store_idx %arg19[%parallel_loop3A_191, %parallel_loop3A_348], %parallel_loop3A_349 {add = true} : memref<320x288xf32, #tpu.memory_space<vmem>>[vector<16xi32>, vector<16xi32>], vector<16xf32>,
        %parallel_loop3A_350 = arith.constant 256 : i32
        %parallel_loop3A_351 = vector.broadcast %parallel_loop3A_350 : i32 to vector<16xi32>
        %parallel_loop3A_352 = arith.addi %parallel_loop3A_351, %iota3A : vector<16xi32>
        %parallel_loop3A_353 = arith.mulf %parallel_loop3A_195, %parallel_loop3A_245 : vector<16xf32>
        tpu.vector_store_idx %arg19[%parallel_loop3A_191, %parallel_loop3A_352], %parallel_loop3A_353 {add = true} : memref<320x288xf32, #tpu.memory_space<vmem>>[vector<16xi32>, vector<16xi32>], vector<16xf32>,
      } {sc.loop_unroll_factor = 8 : i64, sc.parallel_access}
      %while3A_178 = arith.constant 0 : i32
      scf.yield %while3A_178 : i32
    }
    %dma_wait3A_101 = arith.constant 0 : i32
    %dma_wait3A_102 = tpu.memref_slice %arg8[%dma_wait3A_101] : memref<5760xi32, #tpu.memory_space<vmem>> -> memref<32xi32, #tpu.memory_space<vmem>>
    %dma_wait3A_103 = arith.constant 0 : i32
    %dma_wait3A_104 = arith.constant 0 : i32
    %dma_wait3A_105 = tpu.memref_slice %arg3[%dma_wait3A_103, %dma_wait3A_104] : memref<10000x288xbf16, #tpu.memory_space<hbm>> -> memref<10000x288xbf16, #tpu.memory_space<hbm>>
    tpu.wait_indirect_dma semaphore(%arg20 : memref<!tpu.dma_semaphore, #tpu.memory_space<semaphore_mem>>) src(%dma_wait3A_105 : memref<10000x288xbf16, #tpu.memory_space<hbm>>) dst(%arg14 : memref<32x288xbf16, #tpu.memory_space<vmem>>)
    %dma_wait3A_106 = arith.constant 0 : i32
    %dma_wait3A_107 = tpu.memref_slice %arg9[%dma_wait3A_106] : memref<5760xi32, #tpu.memory_space<vmem>> -> memref<32xi32, #tpu.memory_space<vmem>>
    %dma_wait3A_108 = arith.constant 0 : i32
    %dma_wait3A_109 = arith.constant 0 : i32
    %dma_wait3A_110 = tpu.memref_slice %arg4[%dma_wait3A_108, %dma_wait3A_109] : memref<10000x16xf32, #tpu.memory_space<hbm>> -> memref<10000x16xf32, #tpu.memory_space<hbm>>
    tpu.wait_indirect_dma semaphore(%arg22 : memref<!tpu.dma_semaphore, #tpu.memory_space<semaphore_mem>>) src(%dma_wait3A_110 : memref<10000x16xf32, #tpu.memory_space<hbm>>) dst(%arg16 : memref<32x16xf32, #tpu.memory_space<vmem>>)
    "tpu.region"() ({
      %run_scoped3A = tpu.sem_alloc : memref<!tpu.dma_semaphore, #tpu.memory_space<semaphore_mem>>
      %dma_start3A_111 = arith.constant 0 : i32
      %dma_start3A_112 = tpu.memref_slice %arg7[%mul3A_2, %dma_start3A_111] : memref<10240x288xf32, #tpu.memory_space<hbm>> -> memref<320x288xf32, #tpu.memory_space<hbm>>
      %dma_start3A_113 = arith.constant 0 : i32
      %dma_start3A_114 = tpu.memref_slice %arg7[%mul3A_2, %dma_start3A_113] : memref<10240x288xf32, #tpu.memory_space<hbm>> -> memref<320x288xf32, #tpu.memory_space<hbm>>
      tpu.enqueue_dma source(%arg19 : memref<320x288xf32, #tpu.memory_space<vmem>>) target(%dma_start3A_114 : memref<320x288xf32, #tpu.memory_space<hbm>>) target_semaphore(%run_scoped3A : memref<!tpu.dma_semaphore, #tpu.memory_space<semaphore_mem>>)
      %dma_wait3A_115 = arith.constant 0 : i32
      %dma_wait3A_116 = tpu.memref_slice %arg7[%mul3A_2, %dma_wait3A_115] : memref<10240x288xf32, #tpu.memory_space<hbm>> -> memref<320x288xf32, #tpu.memory_space<hbm>>
      %dma_wait3A_117 = arith.constant 0 : i32
      %dma_wait3A_118 = tpu.memref_slice %arg7[%mul3A_2, %dma_wait3A_117] : memref<10240x288xf32, #tpu.memory_space<hbm>> -> memref<320x288xf32, #tpu.memory_space<hbm>>
      tpu.wait_dma2 semaphore(%run_scoped3A : memref<!tpu.dma_semaphore, #tpu.memory_space<semaphore_mem>>) src(%arg19 : memref<320x288xf32, #tpu.memory_space<vmem>>) dst(%dma_wait3A_118 : memref<320x288xf32, #tpu.memory_space<hbm>>)
      tpu.yield
    }) : () -> ()
    return
  }
}

module attributes {stable_mosaic.version = 14 : i64} {
  func.func @_p1_body(%arg0: i32, %arg1: memref<400x256xf32, #tpu.memory_space<vmem>>, %arg2: memref<256x256xf32, #tpu.memory_space<vmem>>, %arg3: memref<1x256xf32, #tpu.memory_space<vmem>>, %arg4: memref<256x32xf32, #tpu.memory_space<vmem>>, %arg5: memref<8x32xf32, #tpu.memory_space<vmem>>, %arg6: memref<400x288xbf16, #tpu.memory_space<vmem>>, %arg7: memref<400x256xf32, #tpu.memory_space<vmem>>, %arg8: memref<400x16xf32, #tpu.memory_space<vmem>>, %arg9: memref<400x16xf32, #tpu.memory_space<vmem>>) attributes {dimension_semantics = [#tpu.dimension_semantics<arbitrary>], iteration_bounds = array<i64: 25>, scalar_prefetch = 0 : i64, scratch_operands = 0 : i64, tpu.core_type = #tpu.core_type<tc>, window_params = [{transform_indices = @transform_0, window_bounds = array<i64: 400, 256>}, {pipeline_mode = #tpu.pipeline_mode<synchronous>, transform_indices = @transform_1, window_bounds = array<i64: 256, 256>}, {pipeline_mode = #tpu.pipeline_mode<synchronous>, transform_indices = @transform_2, window_bounds = array<i64: 1, 256>}, {pipeline_mode = #tpu.pipeline_mode<synchronous>, transform_indices = @transform_3, window_bounds = array<i64: 256, 32>}, {pipeline_mode = #tpu.pipeline_mode<synchronous>, transform_indices = @transform_4, window_bounds = array<i64: 8, 32>}, {transform_indices = @transform_5, window_bounds = array<i64: 400, 288>}, {transform_indices = @transform_6, window_bounds = array<i64: 400, 256>}, {transform_indices = @transform_7, window_bounds = array<i64: 400, 16>}, {transform_indices = @transform_8, window_bounds = array<i64: 400, 16>}]} {
    %get3A = arith.constant 0 : index
    %get3A_0 = arith.constant 0 : index
    %get3A_1 = vector.load %arg1[%get3A, %get3A_0] : memref<400x256xf32, #tpu.memory_space<vmem>>, vector<400x256xf32>
    %get3A_2 = arith.constant 0 : index
    %get3A_3 = arith.constant 0 : index
    %get3A_4 = vector.load %arg2[%get3A_2, %get3A_3] : memref<256x256xf32, #tpu.memory_space<vmem>>, vector<256x256xf32>
    %dot_general3A = arith.constant dense<0.000000e+00> : vector<400x256xf32>
    %dot_general3A_5 = tpu.matmul %get3A_1, %get3A_4, %dot_general3A {dimension_numbers = #tpu.dot_dimension_numbers<[1], [0], [0], [1], [0, 0, 1, 1], [], []>, transpose_lhs_hint = false} : vector<400x256xf32>, vector<256x256xf32>, vector<400x256xf32> -> vector<400x256xf32>
    %get3A_6 = arith.constant 0 : index
    %get3A_7 = arith.constant 0 : index
    %get3A_8 = vector.load %arg3[%get3A_6, %get3A_7] : memref<1x256xf32, #tpu.memory_space<vmem>>, vector<1x256xf32>
    %add3A = vector.broadcast %get3A_8 : vector<1x256xf32> to vector<400x256xf32>
    %add3A_9 = arith.addf %dot_general3A_5, %add3A : vector<400x256xf32>
    %get3A_10 = arith.constant 0 : index
    %get3A_11 = arith.constant 0 : index
    %get3A_12 = vector.load %arg4[%get3A_10, %get3A_11] : memref<256x32xf32, #tpu.memory_space<vmem>>, vector<256x32xf32>
    %dot_general3A_13 = arith.constant dense<0.000000e+00> : vector<400x32xf32>
    %dot_general3A_14 = tpu.matmul %add3A_9, %get3A_12, %dot_general3A_13 {dimension_numbers = #tpu.dot_dimension_numbers<[1], [0], [0], [1], [0, 0, 1, 1], [], []>, transpose_lhs_hint = false} : vector<400x256xf32>, vector<256x32xf32>, vector<400x32xf32> -> vector<400x32xf32>
    %broadcast_in_dim3A = arith.constant 1.000000e+00 : f32
    %broadcast_in_dim3A_15 = vector.broadcast %broadcast_in_dim3A : f32 to vector<400x4xf32>
    %broadcast_in_dim3A_16 = arith.constant 0.000000e+00 : f32
    %broadcast_in_dim3A_17 = vector.broadcast %broadcast_in_dim3A_16 : f32 to vector<400x4xf32>
    %broadcast_in_dim3A_18 = arith.constant 0.000000e+00 : f32
    %broadcast_in_dim3A_19 = vector.broadcast %broadcast_in_dim3A_18 : f32 to vector<400x8xf32>
    %slice3A = vector.extract_strided_slice %dot_general3A_14 {offsets = [0, 0], sizes = [400, 4], strides = [1, 1]} : vector<400x32xf32> to vector<400x4xf32>
    %concatenate3A = tpu.concatenate %broadcast_in_dim3A_15, %slice3A in 1 : vector<400x4xf32>, vector<400x4xf32> -> vector<400x8xf32>
    %get3A_20 = arith.constant 0 : index
    %get3A_21 = arith.constant 0 : index
    %get3A_22 = vector.load %arg5[%get3A_20, %get3A_21] : memref<8x32xf32, #tpu.memory_space<vmem>>, vector<8x32xf32>
    %dot_general3A_23 = arith.constant dense<0.000000e+00> : vector<400x32xf32>
    %dot_general3A_24 = tpu.matmul %concatenate3A, %get3A_22, %dot_general3A_23 {dimension_numbers = #tpu.dot_dimension_numbers<[1], [0], [0], [1], [0, 0, 1, 1], [], []>, transpose_lhs_hint = false} : vector<400x8xf32>, vector<8x32xf32>, vector<400x32xf32> -> vector<400x32xf32>
    %concatenate3A_25 = tpu.concatenate %add3A_9, %dot_general3A_24 in 1 : vector<400x256xf32>, vector<400x32xf32> -> vector<400x288xf32>
    %convert_element_type3A = arith.truncf %concatenate3A_25 : vector<400x288xf32> to vector<400x288xbf16>
    %swap3A = arith.constant 0 : index
    %swap3A_26 = arith.constant 0 : index
    %swap3A_27 = vector.load %arg6[%swap3A, %swap3A_26] : memref<400x288xbf16, #tpu.memory_space<vmem>>, vector<400x288xbf16>
    tpu.vector_store %arg6[%swap3A, %swap3A_26], %convert_element_type3A {strides = array<i32>} : memref<400x288xbf16, #tpu.memory_space<vmem>>, vector<400x288xbf16>,
    %swap3A_28 = arith.constant 0 : index
    %swap3A_29 = arith.constant 0 : index
    %swap3A_30 = vector.load %arg7[%swap3A_28, %swap3A_29] : memref<400x256xf32, #tpu.memory_space<vmem>>, vector<400x256xf32>
    tpu.vector_store %arg7[%swap3A_28, %swap3A_29], %add3A_9 {strides = array<i32>} : memref<400x256xf32, #tpu.memory_space<vmem>>, vector<400x256xf32>,
    %slice3A_31 = vector.extract_strided_slice %dot_general3A_14 {offsets = [0, 4], sizes = [400, 4], strides = [1, 1]} : vector<400x32xf32> to vector<400x4xf32>
    %concatenate3A_32 = tpu.concatenate %broadcast_in_dim3A_17, %slice3A_31, %broadcast_in_dim3A_19 in 1 : vector<400x4xf32>, vector<400x4xf32>, vector<400x8xf32> -> vector<400x16xf32>
    %swap3A_33 = arith.constant 0 : index
    %swap3A_34 = arith.constant 0 : index
    %swap3A_35 = vector.load %arg8[%swap3A_33, %swap3A_34] : memref<400x16xf32, #tpu.memory_space<vmem>>, vector<400x16xf32>
    tpu.vector_store %arg8[%swap3A_33, %swap3A_34], %concatenate3A_32 {strides = array<i32>} : memref<400x16xf32, #tpu.memory_space<vmem>>, vector<400x16xf32>,
    %slice3A_36 = vector.extract_strided_slice %dot_general3A_14 {offsets = [0, 8], sizes = [400, 16], strides = [1, 1]} : vector<400x32xf32> to vector<400x16xf32>
    %swap3A_37 = arith.constant 0 : index
    %swap3A_38 = arith.constant 0 : index
    %swap3A_39 = vector.load %arg9[%swap3A_37, %swap3A_38] : memref<400x16xf32, #tpu.memory_space<vmem>>, vector<400x16xf32>
    tpu.vector_store %arg9[%swap3A_37, %swap3A_38], %slice3A_36 {strides = array<i32>} : memref<400x16xf32, #tpu.memory_space<vmem>>, vector<400x16xf32>,
    return
  }
  func.func @transform_0(%arg0: i32) -> (i32, i32) {
    %c0_i32 = arith.constant 0 : i32
    %c0_i32_0 = arith.constant 0 : i32
    return %arg0, %c0_i32 : i32, i32
  }
  func.func @transform_1(%arg0: i32) -> (i32, i32) {
    %c0_i32 = arith.constant 0 : i32
    %c0_i32_0 = arith.constant 0 : i32
    %c0_i32_1 = arith.constant 0 : i32
    return %c0_i32, %c0_i32_0 : i32, i32
  }
  func.func @transform_2(%arg0: i32) -> (i32, i32) {
    %c0_i32 = arith.constant 0 : i32
    %c0_i32_0 = arith.constant 0 : i32
    %c0_i32_1 = arith.constant 0 : i32
    return %c0_i32, %c0_i32_0 : i32, i32
  }
  func.func @transform_3(%arg0: i32) -> (i32, i32) {
    %c0_i32 = arith.constant 0 : i32
    %c0_i32_0 = arith.constant 0 : i32
    %c0_i32_1 = arith.constant 0 : i32
    return %c0_i32, %c0_i32_0 : i32, i32
  }
  func.func @transform_4(%arg0: i32) -> (i32, i32) {
    %c0_i32 = arith.constant 0 : i32
    %c0_i32_0 = arith.constant 0 : i32
    %c0_i32_1 = arith.constant 0 : i32
    return %c0_i32, %c0_i32_0 : i32, i32
  }
  func.func @transform_5(%arg0: i32) -> (i32, i32) {
    %c0_i32 = arith.constant 0 : i32
    %c0_i32_0 = arith.constant 0 : i32
    return %arg0, %c0_i32 : i32, i32
  }
  func.func @transform_6(%arg0: i32) -> (i32, i32) {
    %c0_i32 = arith.constant 0 : i32
    %c0_i32_0 = arith.constant 0 : i32
    return %arg0, %c0_i32 : i32, i32
  }
  func.func @transform_7(%arg0: i32) -> (i32, i32) {
    %c0_i32 = arith.constant 0 : i32
    %c0_i32_0 = arith.constant 0 : i32
    return %arg0, %c0_i32 : i32, i32
  }
  func.func @transform_8(%arg0: i32) -> (i32, i32) {
    %c0_i32 = arith.constant 0 : i32
    %c0_i32_0 = arith.constant 0 : i32
    return %arg0, %c0_i32 : i32, i32
  }
}

module attributes {stable_mosaic.version = 14 : i64} {
  func.func @_p3_body(%arg0: i32, %arg1: memref<400x288xf32, #tpu.memory_space<vmem>>, %arg2: memref<400x16xf32, #tpu.memory_space<vmem>>, %arg3: memref<400x256xf32, #tpu.memory_space<vmem>>, %arg4: memref<256x8xf32, #tpu.memory_space<vmem>>, %arg5: memref<4x256xf32, #tpu.memory_space<vmem>>, %arg6: memref<1x8xf32, #tpu.memory_space<vmem>>, %arg7: memref<256x256xf32, #tpu.memory_space<vmem>>, %arg8: memref<400x256xf32, #tpu.memory_space<vmem>>) attributes {dimension_semantics = [#tpu.dimension_semantics<arbitrary>], iteration_bounds = array<i64: 25>, scalar_prefetch = 0 : i64, scratch_operands = 0 : i64, tpu.core_type = #tpu.core_type<tc>, window_params = [{transform_indices = @transform_0, window_bounds = array<i64: 400, 288>}, {transform_indices = @transform_1, window_bounds = array<i64: 400, 16>}, {transform_indices = @transform_2, window_bounds = array<i64: 400, 256>}, {pipeline_mode = #tpu.pipeline_mode<synchronous>, transform_indices = @transform_3, window_bounds = array<i64: 256, 8>}, {pipeline_mode = #tpu.pipeline_mode<synchronous>, transform_indices = @transform_4, window_bounds = array<i64: 4, 256>}, {pipeline_mode = #tpu.pipeline_mode<synchronous>, transform_indices = @transform_5, window_bounds = array<i64: 1, 8>}, {pipeline_mode = #tpu.pipeline_mode<synchronous>, transform_indices = @transform_6, window_bounds = array<i64: 256, 256>}, {transform_indices = @transform_7, window_bounds = array<i64: 400, 256>}]} {
    %get3A = arith.constant 0 : index
    %get3A_0 = arith.constant 0 : index
    %get3A_1 = vector.load %arg1[%get3A, %get3A_0] : memref<400x288xf32, #tpu.memory_space<vmem>>, vector<400x288xf32>
    %slice3A = vector.extract_strided_slice %get3A_1 {offsets = [0, 0], sizes = [400, 256], strides = [1, 1]} : vector<400x288xf32> to vector<400x256xf32>
    %get3A_2 = arith.constant 0 : index
    %get3A_3 = arith.constant 0 : index
    %get3A_4 = vector.load %arg7[%get3A_2, %get3A_3] : memref<256x256xf32, #tpu.memory_space<vmem>>, vector<256x256xf32>
    %dot_general3A = arith.constant dense<0.000000e+00> : vector<400x256xf32>
    %dot_general3A_5 = tpu.matmul %slice3A, %get3A_4, %dot_general3A {dimension_numbers = #tpu.dot_dimension_numbers<[1], [0], [0], [1], [0, 0, 1, 1], [], []>, transpose_lhs_hint = false} : vector<400x256xf32>, vector<256x256xf32>, vector<400x256xf32> -> vector<400x256xf32>
    %slice3A_6 = vector.extract_strided_slice %get3A_1 {offsets = [0, 256], sizes = [400, 4], strides = [1, 1]} : vector<400x288xf32> to vector<400x4xf32>
    %get3A_7 = arith.constant 0 : index
    %get3A_8 = arith.constant 0 : index
    %get3A_9 = vector.load %arg5[%get3A_7, %get3A_8] : memref<4x256xf32, #tpu.memory_space<vmem>>, vector<4x256xf32>
    %add3A = arith.constant 1.000000e-16 : f32
    %add3A_10 = vector.broadcast %add3A : f32 to vector<400x4xf32>
    %add3A_11 = arith.addf %slice3A_6, %add3A_10 : vector<400x4xf32>
    %div3A = arith.constant 1.000000e+00 : f32
    %div3A_12 = vector.broadcast %div3A : f32 to vector<400x4xf32>
    %div3A_13 = arith.divf %div3A_12, %add3A_11 : vector<400x4xf32>
    %dot_general3A_14 = arith.constant dense<0.000000e+00> : vector<400x256xf32>
    %dot_general3A_15 = tpu.matmul %div3A_13, %get3A_9, %dot_general3A_14 {dimension_numbers = #tpu.dot_dimension_numbers<[1], [0], [0], [1], [0, 0, 1, 1], [], []>, transpose_lhs_hint = false} : vector<400x4xf32>, vector<4x256xf32>, vector<400x256xf32> -> vector<400x256xf32>
    %mul3A = arith.mulf %dot_general3A_5, %dot_general3A_15 : vector<400x256xf32>
    %get3A_16 = arith.constant 0 : index
    %get3A_17 = arith.constant 0 : index
    %get3A_18 = vector.load %arg4[%get3A_16, %get3A_17] : memref<256x8xf32, #tpu.memory_space<vmem>>, vector<256x8xf32>
    %dot_general3A_19 = arith.constant dense<0.000000e+00> : vector<400x8xf32>
    %dot_general3A_20 = tpu.matmul %mul3A, %get3A_18, %dot_general3A_19 {dimension_numbers = #tpu.dot_dimension_numbers<[1], [0], [0], [1], [0, 0, 1, 1], [], []>, transpose_lhs_hint = false} : vector<400x256xf32>, vector<256x8xf32>, vector<400x8xf32> -> vector<400x8xf32>
    %slice3A_21 = vector.extract_strided_slice %dot_general3A_20 {offsets = [0, 0], sizes = [400, 4], strides = [1, 1]} : vector<400x8xf32> to vector<400x4xf32>
    %get3A_22 = arith.constant 0 : index
    %get3A_23 = arith.constant 0 : index
    %get3A_24 = vector.load %arg2[%get3A_22, %get3A_23] : memref<400x16xf32, #tpu.memory_space<vmem>>, vector<400x16xf32>
    %get3A_25 = arith.constant 0 : index
    %get3A_26 = arith.constant 0 : index
    %get3A_27 = vector.load %arg6[%get3A_25, %get3A_26] : memref<1x8xf32, #tpu.memory_space<vmem>>, vector<1x8xf32>
    %slice3A_28 = vector.extract_strided_slice %get3A_24 {offsets = [0, 0], sizes = [400, 4], strides = [1, 1]} : vector<400x16xf32> to vector<400x4xf32>
    %add3A_29 = arith.addf %slice3A_28, %slice3A_21 : vector<400x4xf32>
    %slice3A_30 = vector.extract_strided_slice %get3A_24 {offsets = [0, 4], sizes = [400, 4], strides = [1, 1]} : vector<400x16xf32> to vector<400x4xf32>
    %slice3A_31 = vector.extract_strided_slice %get3A_24 {offsets = [0, 8], sizes = [400, 4], strides = [1, 1]} : vector<400x16xf32> to vector<400x4xf32>
    %add3A_32 = arith.addf %slice3A_30, %slice3A_31 : vector<400x4xf32>
    %gt3A = arith.constant 0.000000e+00 : f32
    %gt3A_33 = vector.broadcast %gt3A : f32 to vector<400x4xf32>
    %gt3A_34 = arith.cmpf ogt, %add3A_29, %gt3A_33 : vector<400x4xf32>
    %mul3A_35 = arith.constant 2.000000e-01 : f32
    %mul3A_36 = vector.broadcast %mul3A_35 : f32 to vector<400x4xf32>
    %mul3A_37 = arith.mulf %mul3A_36, %add3A_29 : vector<400x4xf32>
    %select_n3A = arith.select %gt3A_34, %add3A_29, %mul3A_37 : vector<400x4xi1>, vector<400x4xf32>
    %slice3A_38 = vector.extract_strided_slice %get3A_27 {offsets = [0, 0], sizes = [1, 4], strides = [1, 1]} : vector<1x8xf32> to vector<1x4xf32>
    %add3A_39 = vector.broadcast %slice3A_38 : vector<1x4xf32> to vector<400x4xf32>
    %add3A_40 = arith.addf %select_n3A, %add3A_39 : vector<400x4xf32>
    %gt3A_41 = arith.constant 0.000000e+00 : f32
    %gt3A_42 = vector.broadcast %gt3A_41 : f32 to vector<400x4xf32>
    %gt3A_43 = arith.cmpf ogt, %add3A_32, %gt3A_42 : vector<400x4xf32>
    %mul3A_44 = arith.constant 2.000000e-01 : f32
    %mul3A_45 = vector.broadcast %mul3A_44 : f32 to vector<400x4xf32>
    %mul3A_46 = arith.mulf %mul3A_45, %add3A_32 : vector<400x4xf32>
    %select_n3A_47 = arith.select %gt3A_43, %add3A_32, %mul3A_46 : vector<400x4xi1>, vector<400x4xf32>
    %slice3A_48 = vector.extract_strided_slice %get3A_27 {offsets = [0, 4], sizes = [1, 4], strides = [1, 1]} : vector<1x8xf32> to vector<1x4xf32>
    %add3A_49 = vector.broadcast %slice3A_48 : vector<1x4xf32> to vector<400x4xf32>
    %add3A_50 = arith.addf %select_n3A_47, %add3A_49 : vector<400x4xf32>
    %sub3A = arith.subf %add3A_40, %add3A_50 : vector<400x4xf32>
    %logistic3A = arith.negf %sub3A : vector<400x4xf32>
    %logistic3A_51 = math.exp %logistic3A : vector<400x4xf32>
    %logistic3A_52 = arith.constant 1.000000e+00 : f32
    %logistic3A_53 = vector.broadcast %logistic3A_52 : f32 to vector<400x4xf32>
    %logistic3A_54 = arith.addf %logistic3A_53, %logistic3A_51 : vector<400x4xf32>
    %logistic3A_55 = arith.divf %logistic3A_53, %logistic3A_54 : vector<400x4xf32>
    %sub3A_56 = arith.constant 1.000000e+00 : f32
    %sub3A_57 = vector.broadcast %sub3A_56 : f32 to vector<400x4xf32>
    %sub3A_58 = arith.subf %sub3A_57, %logistic3A_55 : vector<400x4xf32>
    %get3A_59 = arith.constant 0 : index
    %get3A_60 = arith.constant 0 : index
    %get3A_61 = vector.load %arg3[%get3A_59, %get3A_60] : memref<400x256xf32, #tpu.memory_space<vmem>>, vector<400x256xf32>
    %dot_general3A_62 = arith.constant dense<0.000000e+00> : vector<400x256xf32>
    %dot_general3A_63 = tpu.matmul %logistic3A_55, %get3A_9, %dot_general3A_62 {dimension_numbers = #tpu.dot_dimension_numbers<[1], [0], [0], [1], [0, 0, 1, 1], [], []>, transpose_lhs_hint = false} : vector<400x4xf32>, vector<4x256xf32>, vector<400x256xf32> -> vector<400x256xf32>
    %mul3A_64 = arith.mulf %mul3A, %dot_general3A_63 : vector<400x256xf32>
    %dot_general3A_65 = arith.constant dense<0.000000e+00> : vector<400x256xf32>
    %dot_general3A_66 = tpu.matmul %sub3A_58, %get3A_9, %dot_general3A_65 {dimension_numbers = #tpu.dot_dimension_numbers<[1], [0], [0], [1], [0, 0, 1, 1], [], []>, transpose_lhs_hint = false} : vector<400x4xf32>, vector<4x256xf32>, vector<400x256xf32> -> vector<400x256xf32>
    %mul3A_67 = arith.mulf %get3A_61, %dot_general3A_66 : vector<400x256xf32>
    %add3A_68 = arith.addf %mul3A_64, %mul3A_67 : vector<400x256xf32>
    %max3A = arith.constant 0.000000e+00 : f32
    %max3A_69 = vector.broadcast %max3A : f32 to vector<400x256xf32>
    %max3A_70 = arith.maximumf %add3A_68, %max3A_69 : vector<400x256xf32>
    %swap3A = arith.constant 0 : index
    %swap3A_71 = arith.constant 0 : index
    %swap3A_72 = vector.load %arg8[%swap3A, %swap3A_71] : memref<400x256xf32, #tpu.memory_space<vmem>>, vector<400x256xf32>
    tpu.vector_store %arg8[%swap3A, %swap3A_71], %max3A_70 {strides = array<i32>} : memref<400x256xf32, #tpu.memory_space<vmem>>, vector<400x256xf32>,
    return
  }
  func.func @transform_0(%arg0: i32) -> (i32, i32) {
    %c0_i32 = arith.constant 0 : i32
    %c0_i32_0 = arith.constant 0 : i32
    return %arg0, %c0_i32 : i32, i32
  }
  func.func @transform_1(%arg0: i32) -> (i32, i32) {
    %c0_i32 = arith.constant 0 : i32
    %c0_i32_0 = arith.constant 0 : i32
    return %arg0, %c0_i32 : i32, i32
  }
  func.func @transform_2(%arg0: i32) -> (i32, i32) {
    %c0_i32 = arith.constant 0 : i32
    %c0_i32_0 = arith.constant 0 : i32
    return %arg0, %c0_i32 : i32, i32
  }
  func.func @transform_3(%arg0: i32) -> (i32, i32) {
    %c0_i32 = arith.constant 0 : i32
    %c0_i32_0 = arith.constant 0 : i32
    %c0_i32_1 = arith.constant 0 : i32
    return %c0_i32, %c0_i32_0 : i32, i32
  }
  func.func @transform_4(%arg0: i32) -> (i32, i32) {
    %c0_i32 = arith.constant 0 : i32
    %c0_i32_0 = arith.constant 0 : i32
    %c0_i32_1 = arith.constant 0 : i32
    return %c0_i32, %c0_i32_0 : i32, i32
  }
  func.func @transform_5(%arg0: i32) -> (i32, i32) {
    %c0_i32 = arith.constant 0 : i32
    %c0_i32_0 = arith.constant 0 : i32
    %c0_i32_1 = arith.constant 0 : i32
    return %c0_i32, %c0_i32_0 : i32, i32
  }
  func.func @transform_6(%arg0: i32) -> (i32, i32) {
    %c0_i32 = arith.constant 0 : i32
    %c0_i32_0 = arith.constant 0 : i32
    %c0_i32_1 = arith.constant 0 : i32
    return %c0_i32, %c0_i32_0 : i32, i32
  }
  func.func @transform_7(%arg0: i32) -> (i32, i32) {
    %c0_i32 = arith.constant 0 : i32
    %c0_i32_0 = arith.constant 0 : i32
    return %arg0, %c0_i32 : i32, i32
  }
}

</mosaic_0001>

<sc_bundles>
// kernel: kernel.5.cloned.1.call-start
scs
__scs_entry_jumppad:
0x0: {  	(pc) =	sbr.rel $0x88, $3  }
0x1: {  	(tag) =	ssettag $0x0;
	lr =	simm.s32 $0x1  }
0x2: {  	[smem:$0x3F99] =	sst lr;
	_ =	strace $0xD0000000  }
0x3: {  	_ = 	snop  }
0x4: {  	_ = 	snop  }
0x5: {  	_ = 	snop  }
0x6: {  	_ = 	snop  }
0x7: {  	_ = 	snop  }
__scs_overlays_trampoline_lowered:
0x8: {  	[smem:$0x3FA8] =	sst s0  }
0x9: {  	[smem:$0x3FA9] =	sst s1  }
0xa: {  	[smem:$0x3FAA] =	sst s2  }
0xb: {  	[smem:$0x3FAB] =	sst s3  }
0xc: {  	[smem:$0x3FAC] =	sst s4  }
0xd: {  	[smem:$0x3FAD] =	sst s5  }
0xe: {  	[smem:$0x3FAE] =	sst s6  }
0xf: {  	[smem:$0x3FAF] =	sst s7  }
0x10: {  	[smem:$0x3FB0] =	sst s8  }
0x11: {  	[smem:$0x3FB1] =	sst s9;
	s0 =	simm.s32 @!p0 $0x0  }
0x12: {  	s1 =	sld [smem:$0x3F97];
	s0 =	simm.s32 @p0 $0x1  }
0x13: {  	[smem:$0x3FB2] =	sst s0;
	s0 =	simm.s32 @!p1 $0x0  }
0x14: {  	s2 =	sld [smem:$0x3F96];
	s0 =	simm.s32 @p1 $0x1  }
0x15: {  	[smem:$0x3FB3] =	sst s0;
	s0 =	simm.s32 @!p2 $0x0  }
0x16: {  	s3 =	sld [smem:$0x3FDB];
	s0 =	simm.s32 @p2 $0x1  }
0x17: {  	s4 =	simm.s32 $0x1BF5;
	[smem:$0x3FB5] =	sst s0  }
0x18: {  	s0 =	sld [smem:$0x3F98];
	_ =	swait.ge [sflag:s4], $0x0  }
0x19: {  	s7 =	sld [smem:$0x3F99]  }
0x1a: {  	s8 =	sadd.s32 $0xFFFFE003, lr  }
0x1b: {  	s9 =	sadd.s32 $0xFFFFFEF7, lr;
	s5 =	simm.s32 $0xFFFFFFFF;
	p2 =	slt.u32 s8, $0xFFFFF086  }
0x1c: {  	p1 =	slt.u32 s9, $0xF7A;
	s5 =	simm.s32 @!p2 $0x0  }
0x1d: {  	s5 =	simm.s32 @p1 $0x1;
	p0 =	seq.s32 s7, s2  }
0x1e: {  	s7 =	smul.u32 @!p0 $0xF7A, s2;
	p2 =	seq.s32 @!p0 s5, $0x0  }
0x1f: {  	s9 =	smul.u32 $0xF7A, s1;
	s8 =	simm.s32 @!p0 $0x1BF5;
	p2 =	por !p2, p0  }
0x20: {  	[sflag:s8] =	ssyncset.s32 @!p0 $0xFFFFF086;
	s6 =	sadd.s32 @!p0 s3, s7;
	s7 =	simm.s32 @!p0 $0x108  }
0x21: {  	s3 =	sadd.s32 s3, s9;
	s6 =	sadd.s32 @!p0 $0x88, s6;
	s7 =	simm.s32 @p2 $0x1082  }
0x22: {  	[simem:s7], [sflag:s8] =	dma.local @!p0 [hbm:s6], $0xF7A  }
0x23: {  	s9 =	sor.u32 $0xD0000000, s2;
	s6 =	simm.s32 $0x108;
	_ =	swait.ge @!p0 [sflag:s8], $0x0  }
0x24: {  	s3 =	sadd.s32 $0x88, s3;
	s6 =	simm.s32 @!p1 $0x1082;
	[sflag:s4] =	ssyncset.s32 $0xFFFFF086  }
0x25: {  	[simem:s6], [sflag:s4] =	dma.local [hbm:s3], $0xF7A  }
0x26: {  	[smem:$0x3F99] =	sst s1;
	(tag) =	ssettag s2;
	_ =	strace s9  }
0x27: {  	s1 =	sld [smem:$0x3FA9]  }
0x28: {  	s2 =	sld [smem:$0x3FAA]  }
0x29: {  	s4 =	sld [smem:$0x3FAC]  }
0x2a: {  	p0 =	seq.s32 s5, $0x0;
	s5 =	sld [smem:$0x3FAD]  }
0x2b: {  	s6 =	sld [smem:$0x3FAE]  }
0x2c: {  	s7 =	sld [smem:$0x3FAF]  }
0x2d: {  	s3 =	simm.s32 $0x108;
	s8 =	sld [smem:$0x3FB0]  }
0x2e: {  	s3 =	simm.s32 @!p0 $0x1082;
	s9 =	sld [smem:$0x3FB1]  }
0x2f: {  	lr =	sadd.s32 s0, s3;
	s0 =	sld [smem:$0x3FA8]  }
0x30: {  	s3 =	sld [smem:$0x3FAB]  }
0x31: {  	[smem:$0x3FB4] =	sst s10  }
0x32: {  	s10 =	sld [smem:$0x3FB2];
	_ =	sdelay $0x3  }
0x33: {  	p0 =	seq.s32 s10, $0x1;
	s10 =	sld [smem:$0x3FB4];
	_ =	sdelay $0x3  }
0x34: {  	[smem:$0x3FB4] =	sst s10  }
0x35: {  	s10 =	sld [smem:$0x3FB3];
	_ =	sdelay $0x3  }
0x36: {  	p1 =	seq.s32 s10, $0x1;
	s10 =	sld [smem:$0x3FB4];
	_ =	sdelay $0x3  }
0x37: {  	[smem:$0x3FB4] =	sst s10  }
0x38: {  	s10 =	sld [smem:$0x3FB5]  }
0x39: {  	_ = 	snop;
	(pc) =	sbr.ind lr, $3  }
0x3a: {  	_ = 	snop  }
0x3b: {  	_ = 	snop  }
0x3c: {  	p2 =	seq.s32 s10, $0x1;
	s10 =	sld [smem:$0x3FB4]  }
0x3d: {  	_ =	shalt  }
0x3e: {  	_ =	shalt  }
0x3f: {  	_ =	shalt  }
0x40: {  	_ =	shalt  }
0x41: {  	_ =	shalt  }
0x42: {  	_ =	shalt  }
0x43: {  	_ =	shalt  }
0x44: {  	_ =	shalt  }
0x45: {  	_ =	shalt  }
0x46: {  	_ =	shalt  }
0x47: {  	_ =	shalt  }
0x48: {  	_ =	shalt  }
0x49: {  	_ =	shalt  }
0x4a: {  	_ =	shalt  }
0x4b: {  	_ =	shalt  }
0x4c: {  	_ =	shalt  }
0x4d: {  	_ =	shalt  }
0x4e: {  	_ =	shalt  }
0x4f: {  	_ =	shalt  }
0x50: {  	_ =	shalt  }
0x51: {  	_ =	shalt  }
0x52: {  	_ =	shalt  }
0x53: {  	_ =	shalt  }
0x54: {  	_ =	shalt  }
0x55: {  	_ =	shalt  }
0x56: {  	_ =	shalt  }
0x57: {  	_ =	shalt  }
0x58: {  	_ =	shalt  }
0x59: {  	_ =	shalt  }
0x5a: {  	_ =	shalt  }
0x5b: {  	_ =	shalt  }
0x5c: {  	_ =	shalt  }
0x5d: {  	_ =	shalt  }
0x5e: {  	_ =	shalt  }
0x5f: {  	_ =	shalt  }
0x60: {  	_ =	shalt  }
0x61: {  	_ =	shalt  }
0x62: {  	_ =	shalt  }
0x63: {  	_ =	shalt  }
0x64: {  	_ =	shalt  }
0x65: {  	_ =	shalt  }
0x66: {  	_ =	shalt  }
0x67: {  	_ =	shalt  }
0x68: {  	_ =	shalt  }
0x69: {  	_ =	shalt  }
0x6a: {  	_ =	shalt  }
0x6b: {  	_ =	shalt  }
0x6c: {  	_ =	shalt  }
0x6d: {  	_ =	shalt  }
0x6e: {  	_ =	shalt  }
0x6f: {  	_ =	shalt  }
0x70: {  	_ =	shalt  }
0x71: {  	_ =	shalt  }
0x72: {  	_ =	shalt  }
0x73: {  	_ =	shalt  }
0x74: {  	_ =	shalt  }
0x75: {  	_ =	shalt  }
0x76: {  	_ =	shalt  }
0x77: {  	_ =	shalt  }
0x78: {  	_ =	shalt  }
0x79: {  	_ =	shalt  }
0x7a: {  	_ =	shalt  }
0x7b: {  	_ =	shalt  }
0x7c: {  	_ =	shalt  }
0x7d: {  	_ =	shalt  }
0x7e: {  	_ =	shalt  }
0x7f: {  	_ =	shalt  }
0x80: {  	_ =	shalt  }
0x81: {  	_ =	shalt  }
0x82: {  	_ =	shalt  }
0x83: {  	_ =	shalt  }
0x84: {  	_ =	shalt  }
0x85: {  	_ =	shalt  }
0x86: {  	_ =	shalt  }
0x87: {  	_ =	shalt  }
.Lfunc_end0:
.L_simem_size_0:
called_computation_lowered:
.L_overlay_start_0:
0x88: {  	s2 =	sld [smem:$0x3FD9]  }
0x89: {  	s3 =	sld [smem:$0x3FFE];
	_ =	sdelay $0x1  }
0x8a: {  	s1 =	srdreg.scid  }
0x8b: {  	s0 =	sand.u32 $0x1, s1  }
0x8c: {  	s16 =	sshll.u32 s0, $0xA;
	s2 =	sadd.s32 s3, s2  }
0x8d: {  	s2 =	sadd.s32 s2, s16  }
0x8e: {  	[smem:$0x3FC0] =	sst s2  }
0x8f: {  	_ = 	snop  }
0x90: {  	(tm) =	ssettm $0x1  }
0x91: {  	s17 =	sld [smem:$0x3FFB];
	_ =	sdelay $0x3  }
0x92: {  	_ =	strace s17  }
0x93: {  	s2 =	sld [smem:$0x3FFC];
	_ =	sdelay $0x3  }
0x94: {  	_ =	strace s2  }
0x95: {  	s2 =	sld [smem:$0x3FFD];
	_ =	sdelay $0x3  }
0x96: {  	_ =	strace s2  }
0x97: {  	_ =	strace $0x8FFFFFFF  }
0x98: {  	s18 =	sld [smem:$0x3FDB];
	_ =	sdelay $0x1  }
0x99: {  	s19 =	simm.s32 $_scs_section_size  }
0x9a: {  	s4 =	simm.s32 $_size__tile_overlayer_lowered;
	s5 =	simm.s32 $_tile_overlayer_lowered  }
0x9b: {  	s22 =	simm.s32 $0x1BFF;
	s21 =	sshll.u32 s5, $0x1;
	s2 =	sadd.s32 s19, s18  }
0x9c: {  	s6 =	simm.s32 $0x0;
	s20 =	sshll.u32 s4, $0x1;
	s4 =	sadd.s32 s21, s2  }
0x9d: {  	[timem:s6], [sflag:s22] =	dma.local [hbm:s4], s20  }
0x9e: {  	_ =	swait.ge [sflag:s22], s20  }
0x9f: {  	s3 =	ssub.s32 $0x0, s20;
	[sflag:s22] =	ssyncset.done $0x0  }
0xa0: {  	[sflag:s22] =	ssyncadd.s32 s3;
	_ =	sdelay $0x1  }
0xa1: {  	s23 =	simm.s32 $0x1B8B  }
0xa2: {  	_ =	swait.ge [sflag:s23], $0x1  }
0xa3: {  	[sflag:s23] =	ssyncset.done $0x0  }
0xa4: {  	s25 =	simm.s32 $0x1B8E;
	s24 =	sld [smem:$0x3FFE];
	[sflag:s23] =	ssyncadd.s32 $0xFFFFFFFF  }
0xa5: {  	s26 =	simm.s32 $execute0_lowered;
	[smem:$0x3FD2] =	sst s25  }
0xa6: {  	s4 =	sshll.u32 s26, $0x1;
	_ =	strace $0x80000046;
	[dreg:$0x1] =	wrdreg $0xFFFFFFFF  }
0xa7: {  	s28 =	simm.s32 $_size_execute0_lowered;
	s2 =	sadd.s32 s2, s4;
	[dreg:$0x0] =	wrdreg $0x0  }
0xa8: {  	s4 =	sshll.u32 s28, $0x1;
	[dreg:$0x2] =	wrdreg s2  }
0xa9: {  	[dreg:$0x3] =	wrdreg s4  }
0xaa: {  	[dreg:$0x4] =	wrdreg $0xC0  }
0xab: {  	_ =	task [dreg:s6], $0x5FFFF  }
0xac: {  	[dreg:$0x1] =	wrdreg $0xFFFFFFFF  }
0xad: {  	[dreg:$0x0] =	wrdreg $0x60  }
0xae: {  	[dreg:$0x2] =	wrdreg s24  }
0xaf: {  	[dreg:$0x3] =	wrdreg $0x9  }
0xb0: {  	_ =	task.clear_ibuf [dreg:s6], $0x4FFFF;
	_ =	strace $0x90000046  }
0xb1: {  	s29 =	simm.s32 $0x9;
	_ =	strace $0x80000048  }
0xb2: {  	_ =	swait.ge [sflag:s29], $0x1  }
0xb3: {  	[sflag:s29] =	ssyncadd.s32 $0xFFFFFFFF  }
0xb4: {  	_ =	strace $0x90000048  }
0xb5: {  	_ =	sfence  }
0xb6: {  	s30 =	sld [smem:$0x0];
	_ =	sdelay $0x2  }
0xb7: {  	s31 =	sshll.u32 s1, $0xD;
	s1 =	sshrl.u32 s1, $0x2  }
0xb8: {  	s3 =	sand.u32 $0x4000, s31;
	s1 =	sadd.s32 s1, s30  }
0xb9: {  	s0 =	sor.u32 s3, s0;
	s1 =	sshll.u32 s1, $0x11  }
0xba: {  	s0 =	sor.u32 s1, s0  }
0xbb: {  	s0 =	sadd.s32 $0x8F2B, s0  }
0xbc: {  	[sflag:s0] =	ssyncadd.remote.s32 $0x1  }
0xbd: {  	_ =	sfence.sel $0xFFFF  }
0xbe: {  	[dreg:$0x0] =	wrdreg $0xFFFFFFFF;
	(pc) =	sbr.abs _section_cstart, $3  }
0xbf: {  	[dreg:$0x1] =	wrdreg $0xFFFFFFFF  }
0xc0: {  	_ =	task.clear_ibuf [dreg:s6], $0x2FFFF;
	_ =	strace $0x9FFFFFFF  }
0xc1: {  	(tm) =	ssettm $0x7FFFFFFF  }
tec
execute0_lowered:
.L_overlay_start_1:
0x0: {  	(tag) =	ssettag $0x1  }
0x1: {  	s0 =	rddreg [dreg:$0x0];
	s2 =	simm.s32 $0x0  }
0x2: {  	s1 =	srdreg.scid;
	s3 =	stileid.u32;
	s11 =	simm.s32 $0x7640  }
0x3: {  	s13 =	simm.s32 $0x1680;
	s10 =	simm.s32 $0x2D00;
	s12 =	simm.s32 $0x34D0  }
0x4: {  	v0 =	vimm.s32 $0xBA987654;
	s14 =	simm.s32 $0x3CA0;
	s15 =	simm.s32 $0x4470;
	s18 =	simm.s32 $0x5  }
0x5: {  	s19 =	simm.s32 $0x6;
	s1 =	sand.u32 $0x1, s1;
	s3 =	sshll.u32 s3, $0x1;
	v0 =	vunpack.c.l.s4.s8 v0  }
0x6: {  	s20 =	simm.s32 $0x7;
	s21 =	simm.s32 $0x8;
	s6 =	sor.u32 s1, s3  }
0x7: {  	s22 =	simm.s32 $0x1;
	s23 =	simm.s32 $0x20;
	s7 =	smul.u32 $0x2D00, s6;
	v2 =	vunpack.c.0.s8.s32 v0  }
0x8: {  	v1 =	vimm.s32 $0x0;
	v3 =	vimm.s32 $0xF0E0D0C;
	vm1 =	vcmask $0x1F00;
	s29 =	simm.s32 $0x3;
	s30 =	simm.s32 $0x7440;
	s6 =	smul.u32 $0x140, s6  }
0x9: {  	vm0 =	vmxor vm0, vm0;
	[smem:$0x7FF] =	sst s2;
	s4 =	sadd.s32 $0x2A00, s0;
	s5 =	sadd.s32 $0x2EA00, s0;
	v3 =	vunpack.c.0.s8.s32 v3;
	v2 =	vand.u32 $0xF, v2  }
0xa: {  	vm2 =	vcmask $0x2F20;
	s8 =	sadd.s32 $0x40600, s0;
	s24 =	sadd.s32 $0x3D800, s0;
	_ =	strace $0x80000047;
	v0 =	vmov s6;
	v2 =	vnsel vm1, $0xF, v2  }
0xb: {  	s3 =	sadd.s32 $0x33A00, s0;
	s1 =	ssub.s32 $0x2, s1;
	[dreg:$0x2] =	wrdreg s8;
	vm1 =	vcmask $0x1F10;
	v2 =	vsel vm2, v3, v2;
	v3 =	vlaneseq.u32  }
.Ltmp0:
0xc: {  	[dreg:$0x3] =	wrdreg s24;
	s25 =	sshrl.u32 s1, $0x1;
	v4 =	vor.u32 $0x10, v3;
	v5 =	vor.u32 $0x20, v3;
	v6 =	vor.u32 $0x30, v3;
	(pc) =	sbr.rel .LBB2_1-.Ltmp0, $4  }
0xd: {  	s1 =	ssub.s32 s1, s25;
	s7 =	sadd.s32 s7, s0;
	s0 =	sadd.s32 $0x38820, s0;
	v7 =	vor.u32 $0x40, v3;
	v8 =	vor.u32 $0x50, v3;
	v9 =	vor.u32 $0x60, v3  }
0xe: {  	s31 =	simm.s32 $0x2;
	s28 =	smax.u32 s1, $0x1;
	[dreg:$0x4] =	wrdreg s0;
	v10 =	vor.u32 $0x70, v3;
	v11 =	vor.u32 $0x80, v3;
	v12 =	vor.u32 $0x90, v3  }
0xf: {  	s6 =	simm.s32 $0x9;
	s26 =	sadd.s32 $0x40A00, s7;
	[dreg:$0x6] =	wrdreg s28;
	v13 =	vor.u32 $0xA0, v3;
	v14 =	vor.u32 $0xB0, v3;
	v15 =	vor.u32 $0xC0, v3  }
0x10: {  	s0 =	simm.s32 $0x4;
	s7 =	simm.s32 $0x0;
	[dreg:$0x5] =	wrdreg s26;
	v16 =	vor.u32 $0xD0, v3;
	v17 =	vor.u32 $0xE0, v3;
	v18 =	vor.u32 $0xF0, v3  }
.LBB2_14:
0x11: {  	_ =	swait.ge [sflag:s22], $0x1200  }
0x12: {  	[sflag:s22] =	ssyncset.done $0x0  }
0x13: {  	[sflag:s22] =	ssyncadd.s32 $0xFFFFEE00  }
0x14: {  	_ =	swait.ge [sflag:s29], $0x200  }
0x15: {  	[sflag:s29] =	ssyncset.done $0x0  }
0x16: {  	s6 =	simm.s32 $0x9;
	s1 =	rddreg [dreg:$0x5];
	[sflag:s29] =	ssyncadd.s32 $0xFFFFFE00  }
0x17: {  	[hbm4b:s1+s2] =	stream.linear.scatter [tilespmem:s11], [sflag:$0x9], $0x16800, $0x38;
	[tilespmem:$0x1DE40] =	vst v63  }
0x18: {  	_ =	swait.ge [sflag:s6], $0x16800  }
0x19: {  	s7 =	rddreg [dreg:$0x7]  }
0x1a: {  	s28 =	rddreg [dreg:$0x6];
	s7 =	sadd.s32 $0x1, s7  }
0x1b: {  	p0 =	sne.s32 s7, s28  }
.Ltmp1:
0x1c: {  	_ = 	snop;
	(pc) =	sbr.rel @!p0 .LBB2_15-.Ltmp1, $3  }
0x1d: {  	_ =	sdelay $0x1  }
0x1e: {  	s10 =	simm.s32 $0x2D00;
	s12 =	simm.s32 $0x34D0;
	[sflag:s6] =	ssyncset.done $0x0  }
0x1f: {  	s14 =	simm.s32 $0x3CA0;
	s15 =	simm.s32 $0x4470;
	[sflag:s6] =	ssyncadd.s32 $0xFFFE9800  }
.LBB2_1:
0x20: {  	[dreg:$0x7] =	wrdreg s7  }
0x21: {  	s1 =	rddreg [dreg:$0x3]  }
0x22: {  	[tilespmem:s11], [sflag:$0x9] =	stream.linear.gather [hbm4b:s1+s2], $0x16800, $0x38;
	[tilespmem:$0x1DE40] =	vst v63  }
0x23: {  	_ =	swait.ge [sflag:s6], $0x16800  }
0x24: {  	[sflag:s6] =	ssyncset.done $0x0  }
0x25: {  	s26 =	rddreg [dreg:$0x2];
	[sflag:s6] =	ssyncadd.s32 $0xFFFE9800  }
0x26: {  	[tilespmem:s2], [sflag:$0x9] =	stream.linear.gather [hbm4b:s26+s2], $0x1680, $0x38;
	[tilespmem:$0x1DE40] =	vst v63  }
0x27: {  	_ =	swait.ge [sflag:s6], $0x1680  }
0x28: {  	[sflag:s6] =	ssyncset.done $0x0  }
0x29: {  	[sflag:s6] =	ssyncadd.s32 $0xFFFFE980  }
0x2a: {  	[tilespmem:s13], [sflag:$0x9] =	stream.linear.gather [hbm4b:s26+s2], $0x1680, $0x38;
	[tilespmem:$0x1DE40] =	vst v63  }
0x2b: {  	_ =	swait.ge [sflag:s6], $0x1680  }
0x2c: {  	[sflag:s6] =	ssyncset.done $0x0  }
0x2d: {  	[sflag:s6] =	ssyncadd.s32 $0xFFFFE980  }
0x2e: {  	[tilespmem:s10], [sflag:$0x5] =	stream.linear.gather [hbm4b:s3+s2], $0x7D0, $0x38;
	[tilespmem:$0x1DE40] =	vst v63  }
0x2f: {  	s1 =	simm.s32 $0x0;
	s28 =	rddreg [dreg:$0x4]  }
0x30: {  	v20 =	vimm.s32 $0x0;
	[tilespmem:s12], [sflag:$0x6] =	stream.linear.gather [hbm4b:s28+s2], $0x7D0, $0x38;
	[tilespmem:$0x1DE40] =	vst v63  }
.LBB2_2:
0x31: {  	s6 =	smul.u32 $0xFA0, s1;
	_ =	sdelay $0x1  }
0x32: {  	s7 =	sshrl.u32 s6, $0x3  }
0x33: {  	s7 =	sadd.s32 s3, s7  }
0x34: {  	s8 =	sadd.s32 $0xFA, s7  }
0x35: {  	[tilespmem:s14], [sflag:$0x7] =	stream.linear.gather [hbm4b:s8+s2], $0x7D0, $0x38;
	[tilespmem:$0x1DE40] =	vst v63  }
0x36: {  	s7 =	sadd.s32 $0x4F1A, s7  }
0x37: {  	[tilespmem:s15], [sflag:$0x8] =	stream.linear.gather [hbm4b:s7+s2], $0x7D0, $0x38;
	[tilespmem:$0x1DE40] =	vst v63  }
0x38: {  	_ =	swait.ge [sflag:s18], $0x7D0  }
0x39: {  	[sflag:s18] =	ssyncset.done $0x0  }
0x3a: {  	[sflag:s18] =	ssyncadd.s32 $0xFFFFF830  }
0x3b: {  	_ =	swait.ge [sflag:s19], $0x7D0  }
0x3c: {  	[sflag:s19] =	ssyncset.done $0x0  }
0x3d: {  	s25 =	simm.s32 $0x34F0;
	[sflag:s19] =	ssyncadd.s32 $0xFFFFF830  }
0x3e: {  	v25 =	vld [tilespmem:s25+$0xFFFFFFE0]  }
0x3f: {  	v29 =	vld [tilespmem:s25+$0xFFFFFFF0];
	_ =	sdelay $0x1  }
0x40: {  	v22 =	vld [tilespmem:s25+$0x0]  }
0x41: {  	v19 =	vld [tilespmem:s25+$0x10]  }
0x42: {  	v21 =	vsub.s32 v25, v0  }
0x43: {  	vm2 =	vlt.u32 v21, $0x140;
	v21 =	vsub.s32 v29, v0  }
0x44: {  	v23 =	vmpcnt.ones.xlane vm2;
	vm4 =	vlt.u32 v21, $0x140  }
0x45: {  	v21 =	vsub.s32 v22, v0;
	v26 =	vsel vm2, $0x1, v1;
	v24 =	vmpcnt.ones.xlane vm4  }
0x46: {  	vm3 =	vlt.u32 v21, $0x140;
	v21 =	vsub.s32 v19, v0;
	v27 =	vsel vm4, $0x1, v1  }
0x47: {  	(xrf0) =	vadd.scan.msk.s32 $0xffff, v26;
	v26 =	vadd.s32 v20, v23;
	v23 =	vmpcnt.ones.xlane vm3;
	vm7 =	vlt.u32 v21, $0x140  }
0x48: {  	vm5 =	vlt.s32 v20, $0x1670;
	(xrf0) =	vadd.scan.msk.s32 $0xffff, v27;
	v21 =	vadd.s32 v26, v24;
	v24 =	vmpcnt.ones.xlane vm7  }
0x49: {  	s26 =	simm.s32 $0x3530;
	v28 =	vnsel vm5, $0x1670, v20;
	v27 =	vsel vm3, $0x1, v1;
	v20 =	vadd.s32 v21, v23  }
0x4a: {  	(xrf0) =	vadd.scan.msk.s32 $0xffff, v27;
	vm8 =	vlt.s32 v26, $0x1670;
	v23 =	vsel vm7, $0x1, v1;
	v27 =	vadd.s32 v20, v24;
	v24 =	vld [tilespmem:s26+$0xFFFFFFE0]  }
0x4b: {  	vm9 =	vlt.s32 v21, $0x1670;
	v26 =	vnsel vm8, $0x1670, v26;
	(xrf0) =	vadd.scan.msk.s32 $0xffff, v23;
	v23 =	vld [tilespmem:s26+$0xFFFFFFF0]  }
0x4c: {  	vm7 =	vmmov vm7;
	vm5 =	vlt.s32 v20, $0x1670;
	v30 =	vnsel vm9, $0x1670, v21  }
0x4d: {  	v21 =	vld [tilespmem:s26+$0x0];
	vm7 =	vmmov vm7;
	vm6 =	vlt.s32 v27, $0x1670;
	v31 =	vnsel vm5, $0x1670, v20;
	v32, _, _ =	vpop (xrf0)  }
0x4e: {  	vm5 =	vmmov vm4;
	v20 =	vld [tilespmem:s26+$0x10];
	vm4 =	vmmov vm3;
	v33, _, _ =	vpop (xrf0);
	v28 =	vadd.s32 v32, v28  }
0x4f: {  	v34 =	vnsel vm6, $0x1670, v27;
	vm6 =	vmmov vm2;
	v26 =	vadd.s32 v33, v26  }
0x50: {  	s28 =	simm.s32 $0x2D20;
	v58 =	vsub.s32 v24, v0;
	v35 =	vadd.s32 $0xFFFFFFFF, v26;
	v26 =	vsub.s32 v23, v0  }
0x51: {  	v36 =	vld [tilespmem:s28+$0xFFFFFFE0];
	v32 =	vadd.s32 $0xFFFFFFFF, v28;
	v28, _, _ =	vpop (xrf0);
	vm8 =	vlt.u32 v58, $0x140;
	vm9 =	vlt.u32 v26, $0x140  }
0x52: {  	v26 =	vsub.s32 v21, v0;
	v30 =	vadd.s32 v28, v30;
	v33 =	vmpcnt.ones.xlane vm8  }
0x53: {  	v28, _, _ =	vpop (xrf0);
	vm2 =	vlt.u32 v26, $0x140;
	v26 =	vsub.s32 v20, v0;
	v59 =	vsel vm8, $0x1, v1  }
0x54: {  	v39 =	vld [tilespmem:s28+$0xFFFFFFF0];
	v31 =	vadd.s32 v28, v31;
	v28 =	vmpcnt.ones.xlane vm9;
	v37 =	vmpcnt.ones.xlane vm2  }
0x55: {  	vm10 =	vlt.u32 v26, $0x140;
	v26 =	vsel vm9, $0x1, v1;
	(xrf0) =	vadd.scan.msk.s32 $0xffff, v59;
	v38 =	vsel vm2, $0x1, v1  }
0x56: {  	v27 =	vadd.s32 v27, v33;
	(xrf0) =	vadd.scan.msk.s32 $0xffff, v26;
	v26 =	vsel vm10, $0x1, v1;
	[tilespmem:v32+s2+$0x0] =	vst.idx.msk vm6, v36  }
0x57: {  	v60 =	vadd.s32 v27, v28;
	v28 =	vmpcnt.ones.xlane vm10;
	(xrf0) =	vadd.scan.msk.s32 $0xffff, v38;
	vm11 =	vlt.s32 v27, $0x1670  }
0x58: {  	s8 =	simm.s32 $0x3570;
	v41 =	vld [tilespmem:s28+$0x0];
	[tilespmem:v32+s13+$0x0] =	vst.idx.msk vm6, v25;
	v32 =	vadd.s32 $0xFFFFFFFF, v31;
	vm6 =	vmmov vm8;
	(xrf0) =	vadd.scan.msk.s32 $0xffff, v26  }
0x59: {  	[tilespmem:v35+s2+$0x0] =	vst.idx.msk vm5, v39;
	v40 =	vadd.s32 v60, v37;
	vm12 =	vlt.s32 v60, $0x1670;
	v26 =	vld [tilespmem:s8+$0xFFFFFFE0];
	v37 =	vadd.s32 $0xFFFFFFFF, v30  }
0x5a: {  	v25 =	vld [tilespmem:s8+$0xFFFFFFF0];
	v61 =	vnsel vm11, $0x1670, v27;
	[tilespmem:v35+s13+$0x0] =	vst.idx.msk vm5, v29;
	vm5 =	vmmov vm10;
	v28 =	vadd.s32 v40, v28  }
0x5b: {  	v33 =	vld [tilespmem:s28+$0x10];
	vm3 =	vlt.s32 v40, $0x1670;
	v42 =	vnsel vm12, $0x1670, v60;
	vm15 =	vlt.s32 v28, $0x1670;
	v31, _, _ =	vpop (xrf0)  }
0x5c: {  	v30 =	vld [tilespmem:s8+$0x0];
	v36 =	vnsel vm3, $0x1670, v40;
	vm3 =	vmmov vm9;
	v31 =	vadd.s32 v31, v34;
	v62, _, _ =	vpop (xrf0)  }
0x5d: {  	s7 =	simm.s32 $0x2D60;
	v29 =	vld [tilespmem:s8+$0x10];
	v27 =	vnsel vm15, $0x1670, v28;
	v35 =	vadd.s32 $0xFFFFFFFF, v31;
	v31 =	vadd.s32 v62, v61;
	v63, _, _ =	vpop (xrf0)  }
0x5e: {  	s9 =	simm.s32 $0x8;
	v38 =	vld [tilespmem:s7+$0xFFFFFFE0];
	v40 =	vsub.s32 v26, v0;
	[tilespmem:v37+s2+$0x0] =	vst.idx.msk vm4, v41;
	v31 =	vadd.s32 $0xFFFFFFFF, v31;
	v34 =	vadd.s32 v63, v42;
	v39, _, _ =	vpop (xrf0)  }
.LBB2_3:
0x5f: {  	vm8 =	vlt.u32 v40, $0x140;
	v40 =	vsub.s32 v25, v0  }
0x60: {  	s9 =	sadd.s32 $0x4, s9;
	v39 =	vadd.s32 v39, v36;
	[tilespmem:v37+s13+$0x0] =	vst.idx.msk vm4, v22;
	v22 =	vmov v21;
	vm4 =	vmmov vm2  }
0x61: {  	p0 =	slt.u32 s9, $0x78;
	v36 =	vmpcnt.ones.xlane vm8;
	vm9 =	vlt.u32 v40, $0x140;
	v37 =	vsub.s32 v30, v0;
	[tilespmem:v32+s2+$0x0] =	vst.idx.msk vm7, v33;
	v21 =	vmovc v30  }
0x62: {  	v30 =	vmpcnt.ones.xlane vm9;
	vm2 =	vlt.u32 v37, $0x140;
	v33 =	vsub.s32 v29, v0;
	[tilespmem:v32+s13+$0x0] =	vst.idx.msk vm7, v19;
	v19 =	vmovc v20  }
0x63: {  	v20 =	vmovc v29;
	v32 =	vadd.s32 v28, v36;
	v28 =	vmpcnt.ones.xlane vm2;
	vm10 =	vlt.u32 v33, $0x140;
	[tilespmem:v35+s2+$0x0] =	vst.idx.msk vm6, v38  }
0x64: {  	v29 =	vsel vm8, $0x1, v1;
	v30 =	vadd.s32 v32, v30;
	v33 =	vmpcnt.ones.xlane vm10;
	[tilespmem:v35+s13+$0x0] =	vst.idx.msk vm6, v24;
	v35 =	vld [tilespmem:s7+$0xFFFFFFF0];
	v24 =	vmovc v26  }
0x65: {  	v36 =	vsel vm2, $0x1, v1;
	v26 =	vsel vm9, $0x1, v1;
	v37 =	vadd.s32 v30, v28;
	(xrf0) =	vadd.scan.msk.s32 $0xffff, v29  }
0x66: {  	v29 =	vsel vm10, $0x1, v1;
	vm6 =	vlt.s32 v37, $0x1670;
	v28 =	vadd.s32 v37, v33;
	(xrf0) =	vadd.scan.msk.s32 $0xffff, v26  }
0x67: {  	vm11 =	vlt.s32 v32, $0x1670;
	vm12 =	vlt.s32 v30, $0x1670;
	vm7 =	vlt.s32 v28, $0x1670;
	(xrf0) =	vadd.scan.msk.s32 $0xffff, v36;
	v41 =	vld [tilespmem:s7+$0x0]  }
0x68: {  	s8 =	sadd.s32 $0x40, s8;
	v40 =	vnsel vm11, $0x1670, v32;
	v42 =	vnsel vm12, $0x1670, v30;
	v36 =	vnsel vm6, $0x1670, v37;
	(xrf0) =	vadd.scan.msk.s32 $0xffff, v29;
	v33 =	vld [tilespmem:s7+$0x10]  }
0x69: {  	v32 =	vadd.s32 $0xFFFFFFFF, v39;
	v37 =	vadd.s32 $0xFFFFFFFF, v34;
	v38 =	vnsel vm7, $0x1670, v28;
	v26 =	vld [tilespmem:s8+$0xFFFFFFE0];
	[tilespmem:v31+s2+$0x0] =	vst.idx.msk vm3, v35  }
.Ltmp2:
0x6a: {  	vm6 =	vmmov vm8;
	vm7 =	vmmov vm5;
	[tilespmem:v31+s13+$0x0] =	vst.idx.msk vm3, v23;
	v23 =	vmovc v25;
	v25 =	vld [tilespmem:s8+$0xFFFFFFF0];
	vm3 =	vmmov vm9;
	(pc) =	sbr.rel @p0 .LBB2_3-.Ltmp2, $4  }
0x6b: {  	vm5 =	vmmov vm10;
	v30 =	vld [tilespmem:s8+$0x0];
	v31, _, _ =	vpop (xrf0)  }
0x6c: {  	s7 =	sadd.s32 $0x40, s7;
	v29 =	vld [tilespmem:s8+$0x10];
	v31 =	vadd.s32 v31, v27;
	v34, _, _ =	vpop (xrf0);
	v27 =	vmov v38  }
0x6d: {  	v38 =	vld [tilespmem:s7+$0xFFFFFFE0];
	v35 =	vadd.s32 $0xFFFFFFFF, v31;
	v31 =	vadd.s32 v34, v40;
	v34, _, _ =	vpop (xrf0)  }
0x6e: {  	v40 =	vsub.s32 v26, v0;
	v31 =	vadd.s32 $0xFFFFFFFF, v31;
	v34 =	vadd.s32 v34, v42;
	v39, _, _ =	vpop (xrf0);
	[tilespmem:v37+s2+$0x0] =	vst.idx.msk vm4, v41  }
0x6f: {  	_ =	sdelay $0x1  }
0x70: {  	vm10 =	vlt.u32 v40, $0x140  }
0x71: {  	v58 =	vsub.s32 v25, v0;
	v41 =	vsel vm10, $0x1, v1  }
0x72: {  	vm9 =	vlt.u32 v58, $0x140;
	(xrf0) =	vadd.scan.msk.s32 $0xffff, v41  }
0x73: {  	v36 =	vadd.s32 v39, v36;
	[tilespmem:v37+s13+$0x0] =	vst.idx.msk vm4, v22;
	v22 =	vsub.s32 v30, v0;
	v59 =	vsel vm9, $0x1, v1  }
0x74: {  	vm8 =	vmmov vm2;
	v44 =	vadd.s32 $0xFFFFFFFF, v34;
	vm4 =	vlt.u32 v22, $0x140;
	v22 =	vld [tilespmem:s7+$0xFFFFFFF0];
	(xrf0) =	vadd.scan.msk.s32 $0xffff, v59  }
0x75: {  	[tilespmem:v32+s2+$0x0] =	vst.idx.msk vm7, v33;
	v60 =	vmpcnt.ones.xlane vm10;
	v62 =	vsub.s32 v29, v0;
	v63 =	vsel vm4, $0x1, v1  }
0x76: {  	vm5 =	vmmov vm5;
	[tilespmem:v32+s13+$0x0] =	vst.idx.msk vm7, v19;
	v19 =	vld [tilespmem:s7+$0x0];
	vm2 =	vlt.u32 v62, $0x140;
	(xrf0) =	vadd.scan.msk.s32 $0xffff, v63  }
0x77: {  	v61 =	vmpcnt.ones.xlane vm9;
	v28 =	vadd.s32 v28, v60;
	[tilespmem:v35+s2+$0x0] =	vst.idx.msk vm6, v38;
	v45 =	vsel vm2, $0x1, v1  }
0x78: {  	v47 =	vadd.s32 $0xFFFFFFFF, v36;
	[tilespmem:v35+s13+$0x0] =	vst.idx.msk vm6, v24;
	v24 =	vld [tilespmem:s7+$0x10];
	vm6 =	vlt.s32 v28, $0x1670;
	(xrf0) =	vadd.scan.msk.s32 $0xffff, v45;
	v48, _, _ =	vpop (xrf0)  }
0x79: {  	s17 =	sadd.s32 $0x40, s7;
	[tilespmem:v31+s2+$0x0] =	vst.idx.msk vm3, v22;
	v22 =	vadd.s32 v48, v27;
	v27 =	vadd.s32 v28, v61;
	v28 =	vnsel vm6, $0x1670, v28  }
0x7a: {  	v46 =	vmpcnt.ones.xlane vm4;
	[tilespmem:v31+s13+$0x0] =	vst.idx.msk vm3, v23;
	v31 =	vld [tilespmem:s17+$0xFFFFFFE0];
	v23, _, _ =	vpop (xrf0);
	v22 =	vadd.s32 $0xFFFFFFFF, v22  }
0x7b: {  	[tilespmem:v44+s2+$0x0] =	vst.idx.msk vm8, v19;
	vm3 =	vlt.s32 v27, $0x1670;
	v23 =	vadd.s32 v23, v28  }
0x7c: {  	[tilespmem:v44+s13+$0x0] =	vst.idx.msk vm8, v21;
	v21 =	vld [tilespmem:s17+$0xFFFFFFF0];
	v19 =	vadd.s32 v27, v46;
	v27 =	vnsel vm3, $0x1670, v27;
	v23 =	vadd.s32 $0xFFFFFFFF, v23;
	v28, _, _ =	vpop (xrf0)  }
0x7d: {  	vm4 =	vmmov vm4;
	[tilespmem:v47+s2+$0x0] =	vst.idx.msk vm5, v24;
	vm3 =	vlt.s32 v19, $0x1670;
	v27 =	vadd.s32 v28, v27  }
0x7e: {  	[tilespmem:v47+s13+$0x0] =	vst.idx.msk vm5, v20;
	v20 =	vld [tilespmem:s17+$0x0];
	v24 =	vnsel vm3, $0x1670, v19;
	vm3 =	vmmov vm2;
	v28, _, _ =	vpop (xrf0);
	v27 =	vadd.s32 $0xFFFFFFFF, v27  }
0x7f: {  	vm3 =	vmmov vm3;
	v24 =	vadd.s32 v28, v24;
	[tilespmem:v22+s2+$0x0] =	vst.idx.msk vm10, v31  }
0x80: {  	v24 =	vadd.s32 $0xFFFFFFFF, v24;
	[tilespmem:v22+s13+$0x0] =	vst.idx.msk vm10, v26;
	v22 =	vld [tilespmem:s17+$0x10]  }
0x81: {  	[tilespmem:v23+s2+$0x0] =	vst.idx.msk vm9, v21  }
0x82: {  	[tilespmem:v23+s13+$0x0] =	vst.idx.msk vm9, v25  }
0x83: {  	[tilespmem:v27+s2+$0x0] =	vst.idx.msk vm4, v20  }
0x84: {  	[tilespmem:v27+s13+$0x0] =	vst.idx.msk vm4, v30  }
0x85: {  	[tilespmem:v24+s2+$0x0] =	vst.idx.msk vm3, v22  }
0x86: {  	[tilespmem:v24+s13+$0x0] =	vst.idx.msk vm3, v29  }
0x87: {  	v20 =	vld [tilespmem:$0x3C90];
	_ =	sdelay $0x4  }
0x88: {  	v21 =	vsub.s32 v20, v0  }
0x89: {  	vm3 =	vlt.u32 v21, $0x140  }
0x8a: {  	v21 =	vsel vm3, $0x1, v1  }
0x8b: {  	(xrf0) =	vadd.scan.msk.s32 $0xffff, v21;
	_ =	sdelay $0x1  }
0x8c: {  	v21 =	vmpcnt.ones.xlane vm2;
	_ =	sdelay $0x1  }
0x8d: {  	v22 =	vadd.s32 v19, v21  }
0x8e: {  	vm2 =	vlt.s32 v22, $0x1670  }
0x8f: {  	v21 =	vnsel vm2, $0x1670, v22;
	v19, _, _ =	vpop (xrf0)  }
0x90: {  	v19 =	vadd.s32 v19, v21  }
0x91: {  	v21 =	vld [tilespmem:$0x34C0];
	v19 =	vadd.s32 $0xFFFFFFFF, v19;
	_ =	sdelay $0x2  }
0x92: {  	s6 =	smin.u32 s6, $0x25990  }
0x93: {  	s6 =	sshrl.u32 s6, $0x3  }
0x94: {  	s6 =	sadd.s32 s3, s6;
	[tilespmem:v19+s2+$0x0] =	vst.idx.msk vm3, v21  }
0x95: {  	s24 =	sadd.s32 $0x1F4, s6;
	[tilespmem:v19+s13+$0x0] =	vst.idx.msk vm3, v20  }
0x96: {  	[tilespmem:s10], [sflag:$0x5] =	stream.linear.gather [hbm4b:s24+s2], $0x7D0, $0x38;
	[tilespmem:$0x1DE40] =	vst v63  }
0x97: {  	s6 =	sadd.s32 $0x5014, s6  }
0x98: {  	[tilespmem:s12], [sflag:$0x6] =	stream.linear.gather [hbm4b:s6+s2], $0x7D0, $0x38;
	[tilespmem:$0x1DE40] =	vst v63  }
0x99: {  	_ =	swait.ge [sflag:s20], $0x7D0  }
0x9a: {  	[sflag:s20] =	ssyncset.done $0x0  }
0x9b: {  	[sflag:s20] =	ssyncadd.s32 $0xFFFFF830  }
0x9c: {  	_ =	swait.ge [sflag:s21], $0x7D0  }
0x9d: {  	[sflag:s21] =	ssyncset.done $0x0  }
0x9e: {  	s25 =	simm.s32 $0x4490;
	[sflag:s21] =	ssyncadd.s32 $0xFFFFF830  }
0x9f: {  	v25 =	vld [tilespmem:s25+$0xFFFFFFE0]  }
0xa0: {  	v29 =	vld [tilespmem:s25+$0xFFFFFFF0]  }
0xa1: {  	v21 =	vld [tilespmem:s25+$0x0];
	_ =	sdelay $0x1  }
0xa2: {  	v20 =	vmpcnt.ones.xlane vm3;
	v19 =	vld [tilespmem:s25+$0x10]  }
0xa3: {  	vm7 =	vmmov vm10  }
0xa4: {  	v20 =	vadd.s32 v22, v20;
	v23 =	vsub.s32 v25, v0;
	v22 =	vsub.s32 v29, v0  }
0xa5: {  	vm2 =	vlt.u32 v23, $0x140;
	vm4 =	vlt.u32 v22, $0x140;
	v22 =	vsub.s32 v21, v0  }
0xa6: {  	v23 =	vmpcnt.ones.xlane vm2;
	v24 =	vmpcnt.ones.xlane vm4;
	v26 =	vsel vm2, $0x1, v1  }
0xa7: {  	vm3 =	vlt.u32 v22, $0x140;
	v22 =	vsub.s32 v19, v0;
	v27 =	vsel vm4, $0x1, v1  }
0xa8: {  	(xrf0) =	vadd.scan.msk.s32 $0xffff, v26;
	vm7 =	vlt.u32 v22, $0x140;
	v26 =	vadd.s32 v20, v23;
	v23 =	vmpcnt.ones.xlane vm3  }
0xa9: {  	vm5 =	vlt.s32 v20, $0x1670;
	(xrf0) =	vadd.scan.msk.s32 $0xffff, v27;
	v22 =	vadd.s32 v26, v24;
	v24 =	vmpcnt.ones.xlane vm7  }
0xaa: {  	s26 =	simm.s32 $0x44D0;
	v28 =	vnsel vm5, $0x1670, v20;
	v27 =	vsel vm3, $0x1, v1;
	v20 =	vadd.s32 v22, v23  }
0xab: {  	(xrf0) =	vadd.scan.msk.s32 $0xffff, v27;
	vm8 =	vlt.s32 v26, $0x1670;
	v23 =	vsel vm7, $0x1, v1;
	v27 =	vadd.s32 v20, v24;
	v24 =	vld [tilespmem:s26+$0xFFFFFFE0]  }
0xac: {  	vm6 =	vmmov vm9;
	vm14 =	vlt.s32 v22, $0x1670;
	v26 =	vnsel vm8, $0x1670, v26;
	(xrf0) =	vadd.scan.msk.s32 $0xffff, v23;
	v23 =	vld [tilespmem:s26+$0xFFFFFFF0]  }
0xad: {  	vm7 =	vmmov vm7;
	vm5 =	vlt.s32 v20, $0x1670;
	v30 =	vnsel vm14, $0x1670, v22  }
0xae: {  	v22 =	vld [tilespmem:s26+$0x0];
	vm7 =	vmmov vm7;
	vm6 =	vlt.s32 v27, $0x1670;
	v31 =	vnsel vm5, $0x1670, v20;
	v49, _, _ =	vpop (xrf0)  }
0xaf: {  	vm5 =	vmmov vm4;
	v20 =	vld [tilespmem:s26+$0x10];
	vm4 =	vmmov vm3;
	v51, _, _ =	vpop (xrf0);
	v28 =	vadd.s32 v49, v28  }
0xb0: {  	v50 =	vnsel vm6, $0x1670, v27;
	vm6 =	vmmov vm2;
	v26 =	vadd.s32 v51, v26  }
0xb1: {  	v52 =	vsub.s32 v24, v0;
	v53 =	vadd.s32 $0xFFFFFFFF, v26;
	v26 =	vsub.s32 v23, v0  }
0xb2: {  	s28 =	simm.s32 $0x3CC0;
	v32 =	vadd.s32 $0xFFFFFFFF, v28;
	v28, _, _ =	vpop (xrf0);
	vm8 =	vlt.u32 v52, $0x140;
	vm9 =	vlt.u32 v26, $0x140  }
0xb3: {  	v55 =	vld [tilespmem:s28+$0xFFFFFFE0];
	v26 =	vsub.s32 v22, v0;
	v30 =	vadd.s32 v28, v30;
	v33 =	vmpcnt.ones.xlane vm8  }
0xb4: {  	v28, _, _ =	vpop (xrf0);
	vm2 =	vlt.u32 v26, $0x140;
	v26 =	vsub.s32 v20, v0;
	v54 =	vsel vm8, $0x1, v1  }
0xb5: {  	v59 =	vld [tilespmem:s28+$0xFFFFFFF0];
	v31 =	vadd.s32 v28, v31;
	v28 =	vmpcnt.ones.xlane vm9;
	v56 =	vmpcnt.ones.xlane vm2  }
0xb6: {  	vm10 =	vlt.u32 v26, $0x140;
	v26 =	vsel vm9, $0x1, v1;
	(xrf0) =	vadd.scan.msk.s32 $0xffff, v54;
	v58 =	vsel vm2, $0x1, v1  }
0xb7: {  	v37 =	vadd.s32 $0xFFFFFFFF, v30;
	v27 =	vadd.s32 v27, v33;
	(xrf0) =	vadd.scan.msk.s32 $0xffff, v26;
	v26 =	vsel vm10, $0x1, v1  }
0xb8: {  	[tilespmem:v32+s2+$0x0] =	vst.idx.msk vm6, v55;
	v33 =	vadd.s32 $0xFFFFFFFF, v31;
	v57 =	vadd.s32 v27, v28;
	(xrf0) =	vadd.scan.msk.s32 $0xffff, v58  }
0xb9: {  	s7 =	simm.s32 $0x4510;
	v60 =	vld [tilespmem:s28+$0x0];
	v28 =	vmpcnt.ones.xlane vm10;
	vm11 =	vlt.s32 v27, $0x1670;
	[tilespmem:v32+s13+$0x0] =	vst.idx.msk vm6, v25;
	(xrf0) =	vadd.scan.msk.s32 $0xffff, v26  }
0xba: {  	vm6 =	vmmov vm8;
	[tilespmem:v53+s2+$0x0] =	vst.idx.msk vm5, v59;
	v36 =	vadd.s32 v57, v56;
	vm12 =	vlt.s32 v57, $0x1670;
	v26 =	vld [tilespmem:s7+$0xFFFFFFE0]  }
0xbb: {  	v25 =	vld [tilespmem:s7+$0xFFFFFFF0];
	v61 =	vnsel vm11, $0x1670, v27;
	[tilespmem:v53+s13+$0x0] =	vst.idx.msk vm5, v29;
	vm5 =	vmmov vm10;
	v28 =	vadd.s32 v36, v28  }
0xbc: {  	v34 =	vld [tilespmem:s28+$0x10];
	vm3 =	vlt.s32 v36, $0x1670;
	v42 =	vnsel vm12, $0x1670, v57;
	vm15 =	vlt.s32 v28, $0x1670;
	v31, _, _ =	vpop (xrf0)  }
0xbd: {  	v30 =	vld [tilespmem:s7+$0x0];
	v36 =	vnsel vm3, $0x1670, v36;
	vm3 =	vmmov vm9;
	v31 =	vadd.s32 v31, v50;
	v62, _, _ =	vpop (xrf0)  }
0xbe: {  	s6 =	simm.s32 $0x3D00;
	v29 =	vld [tilespmem:s7+$0x10];
	v27 =	vnsel vm15, $0x1670, v28;
	v35 =	vadd.s32 $0xFFFFFFFF, v31;
	v31 =	vadd.s32 v62, v61;
	v63, _, _ =	vpop (xrf0)  }
0xbf: {  	s8 =	simm.s32 $0x8;
	v38 =	vld [tilespmem:s6+$0xFFFFFFE0];
	[tilespmem:v37+s2+$0x0] =	vst.idx.msk vm4, v60;
	v40 =	vsub.s32 v26, v0;
	v31 =	vadd.s32 $0xFFFFFFFF, v31;
	v32 =	vadd.s32 v63, v42;
	v39, _, _ =	vpop (xrf0)  }
.LBB2_5:
0xc0: {  	vm8 =	vlt.u32 v40, $0x140;
	v40 =	vsub.s32 v25, v0  }
0xc1: {  	s8 =	sadd.s32 $0x4, s8;
	v39 =	vadd.s32 v39, v36;
	[tilespmem:v37+s13+$0x0] =	vst.idx.msk vm4, v21;
	v21 =	vmov v22;
	vm4 =	vmmov vm2  }
0xc2: {  	p0 =	slt.u32 s8, $0x78;
	v36 =	vmpcnt.ones.xlane vm8;
	vm9 =	vlt.u32 v40, $0x140;
	v37 =	vsub.s32 v30, v0;
	[tilespmem:v33+s2+$0x0] =	vst.idx.msk vm7, v34;
	v22 =	vmovc v30  }
0xc3: {  	v30 =	vmpcnt.ones.xlane vm9;
	vm2 =	vlt.u32 v37, $0x140;
	v34 =	vsub.s32 v29, v0;
	[tilespmem:v33+s13+$0x0] =	vst.idx.msk vm7, v19;
	v19 =	vmovc v20  }
0xc4: {  	v20 =	vmovc v29;
	v33 =	vadd.s32 v28, v36;
	v28 =	vmpcnt.ones.xlane vm2;
	vm10 =	vlt.u32 v34, $0x140;
	[tilespmem:v35+s2+$0x0] =	vst.idx.msk vm6, v38  }
0xc5: {  	v29 =	vsel vm8, $0x1, v1;
	v30 =	vadd.s32 v33, v30;
	v34 =	vmpcnt.ones.xlane vm10;
	[tilespmem:v35+s13+$0x0] =	vst.idx.msk vm6, v24;
	v35 =	vld [tilespmem:s6+$0xFFFFFFF0];
	v24 =	vmovc v26  }
0xc6: {  	v36 =	vsel vm2, $0x1, v1;
	v26 =	vsel vm9, $0x1, v1;
	v37 =	vadd.s32 v30, v28;
	(xrf0) =	vadd.scan.msk.s32 $0xffff, v29  }
0xc7: {  	v29 =	vsel vm10, $0x1, v1;
	vm6 =	vlt.s32 v37, $0x1670;
	v28 =	vadd.s32 v37, v34;
	(xrf0) =	vadd.scan.msk.s32 $0xffff, v26  }
0xc8: {  	vm11 =	vlt.s32 v33, $0x1670;
	vm12 =	vlt.s32 v30, $0x1670;
	vm7 =	vlt.s32 v28, $0x1670;
	(xrf0) =	vadd.scan.msk.s32 $0xffff, v36;
	v41 =	vld [tilespmem:s6+$0x0]  }
0xc9: {  	s7 =	sadd.s32 $0x40, s7;
	v40 =	vnsel vm11, $0x1670, v33;
	v42 =	vnsel vm12, $0x1670, v30;
	v36 =	vnsel vm6, $0x1670, v37;
	(xrf0) =	vadd.scan.msk.s32 $0xffff, v29;
	v34 =	vld [tilespmem:s6+$0x10]  }
0xca: {  	v33 =	vadd.s32 $0xFFFFFFFF, v39;
	v37 =	vadd.s32 $0xFFFFFFFF, v32;
	v38 =	vnsel vm7, $0x1670, v28;
	v26 =	vld [tilespmem:s7+$0xFFFFFFE0];
	[tilespmem:v31+s2+$0x0] =	vst.idx.msk vm3, v35  }
.Ltmp3:
0xcb: {  	vm6 =	vmmov vm8;
	vm7 =	vmmov vm5;
	[tilespmem:v31+s13+$0x0] =	vst.idx.msk vm3, v23;
	v23 =	vmovc v25;
	v25 =	vld [tilespmem:s7+$0xFFFFFFF0];
	vm3 =	vmmov vm9;
	(pc) =	sbr.rel @p0 .LBB2_5-.Ltmp3, $4  }
0xcc: {  	vm5 =	vmmov vm10;
	v30 =	vld [tilespmem:s7+$0x0];
	v31, _, _ =	vpop (xrf0)  }
0xcd: {  	s6 =	sadd.s32 $0x40, s6;
	v29 =	vld [tilespmem:s7+$0x10];
	v31 =	vadd.s32 v31, v27;
	v32, _, _ =	vpop (xrf0);
	v27 =	vmov v38  }
0xce: {  	v38 =	vld [tilespmem:s6+$0xFFFFFFE0];
	v35 =	vadd.s32 $0xFFFFFFFF, v31;
	v31 =	vadd.s32 v32, v40;
	v32, _, _ =	vpop (xrf0)  }
0xcf: {  	v40 =	vsub.s32 v26, v0;
	v31 =	vadd.s32 $0xFFFFFFFF, v31;
	v32 =	vadd.s32 v32, v42;
	v39, _, _ =	vpop (xrf0);
	[tilespmem:v37+s2+$0x0] =	vst.idx.msk vm4, v41  }
0xd0: {  	_ =	sdelay $0x1  }
0xd1: {  	vm10 =	vlt.u32 v40, $0x140  }
0xd2: {  	v49 =	vsub.s32 v25, v0;
	v41 =	vsel vm10, $0x1, v1  }
0xd3: {  	vm9 =	vlt.u32 v49, $0x140;
	(xrf0) =	vadd.scan.msk.s32 $0xffff, v41  }
0xd4: {  	[tilespmem:v37+s13+$0x0] =	vst.idx.msk vm4, v21;
	v21 =	vsub.s32 v30, v0;
	v50 =	vsel vm9, $0x1, v1  }
0xd5: {  	v36 =	vadd.s32 v39, v36;
	[tilespmem:v33+s2+$0x0] =	vst.idx.msk vm7, v34;
	vm12 =	vlt.u32 v21, $0x140;
	v21 =	vld [tilespmem:s6+$0xFFFFFFF0];
	(xrf0) =	vadd.scan.msk.s32 $0xffff, v50  }
0xd6: {  	vm8 =	vmmov vm2;
	[tilespmem:v33+s13+$0x0] =	vst.idx.msk vm7, v19;
	v52 =	vsub.s32 v29, v0;
	v19 =	vsel vm12, $0x1, v1  }
0xd7: {  	v32 =	vadd.s32 $0xFFFFFFFF, v32;
	v51 =	vmpcnt.ones.xlane vm10;
	vm2 =	vlt.u32 v52, $0x140;
	(xrf0) =	vadd.scan.msk.s32 $0xffff, v19;
	v19 =	vld [tilespmem:s6+$0x0]  }
0xd8: {  	vm5 =	vmmov vm5;
	v57 =	vadd.s32 $0xFFFFFFFF, v36;
	[tilespmem:v35+s2+$0x0] =	vst.idx.msk vm6, v38;
	v54 =	vsel vm2, $0x1, v1  }
0xd9: {  	v56 =	vld [tilespmem:s6+$0x10];
	v53 =	vmpcnt.ones.xlane vm9;
	v28 =	vadd.s32 v28, v51;
	[tilespmem:v35+s13+$0x0] =	vst.idx.msk vm6, v24;
	(xrf0) =	vadd.scan.msk.s32 $0xffff, v54;
	v58, _, _ =	vpop (xrf0)  }
0xda: {  	s28 =	sadd.s32 $0x40, s6;
	v55 =	vmpcnt.ones.xlane vm12;
	vm13 =	vlt.s32 v28, $0x1670;
	[tilespmem:v31+s2+$0x0] =	vst.idx.msk vm3, v21;
	v21 =	vadd.s32 v58, v27  }
0xdb: {  	v60 =	vld [tilespmem:s28+$0xFFFFFFE0];
	v59 =	vadd.s32 v28, v53;
	v28 =	vnsel vm13, $0x1670, v28;
	[tilespmem:v31+s13+$0x0] =	vst.idx.msk vm3, v23;
	v23, _, _ =	vpop (xrf0);
	v21 =	vadd.s32 $0xFFFFFFFF, v21  }
0xdc: {  	vm3 =	vlt.s32 v59, $0x1670;
	[tilespmem:v32+s2+$0x0] =	vst.idx.msk vm8, v19;
	v23 =	vadd.s32 v23, v28  }
0xdd: {  	v19 =	vadd.s32 v59, v55;
	v27 =	vnsel vm3, $0x1670, v59;
	v61, _, _ =	vpop (xrf0);
	[tilespmem:v32+s13+$0x0] =	vst.idx.msk vm8, v22;
	v22 =	vld [tilespmem:s28+$0xFFFFFFF0];
	v23 =	vadd.s32 $0xFFFFFFFF, v23  }
0xde: {  	vm4 =	vmmov vm12;
	[tilespmem:v57+s2+$0x0] =	vst.idx.msk vm5, v56;
	vm3 =	vlt.s32 v19, $0x1670;
	v27 =	vadd.s32 v61, v27  }
0xdf: {  	[tilespmem:v57+s13+$0x0] =	vst.idx.msk vm5, v20;
	v20 =	vld [tilespmem:s28+$0x0];
	v62 =	vnsel vm3, $0x1670, v19;
	vm3 =	vmmov vm2;
	v63, _, _ =	vpop (xrf0);
	v27 =	vadd.s32 $0xFFFFFFFF, v27  }
0xe0: {  	v24 =	vadd.s32 v63, v62;
	vm3 =	vmmov vm3;
	[tilespmem:v21+s2+$0x0] =	vst.idx.msk vm10, v60  }
0xe1: {  	v24 =	vadd.s32 $0xFFFFFFFF, v24;
	[tilespmem:v21+s13+$0x0] =	vst.idx.msk vm10, v26;
	v21 =	vld [tilespmem:s28+$0x10]  }
0xe2: {  	[tilespmem:v23+s2+$0x0] =	vst.idx.msk vm9, v22  }
0xe3: {  	[tilespmem:v23+s13+$0x0] =	vst.idx.msk vm9, v25  }
0xe4: {  	[tilespmem:v27+s2+$0x0] =	vst.idx.msk vm4, v20  }
0xe5: {  	[tilespmem:v27+s13+$0x0] =	vst.idx.msk vm4, v30  }
0xe6: {  	[tilespmem:v24+s2+$0x0] =	vst.idx.msk vm3, v21  }
0xe7: {  	[tilespmem:v24+s13+$0x0] =	vst.idx.msk vm3, v29  }
0xe8: {  	v20 =	vld [tilespmem:$0x4C30];
	_ =	sdelay $0x4  }
0xe9: {  	v21 =	vsub.s32 v20, v0  }
0xea: {  	vm3 =	vlt.u32 v21, $0x140  }
0xeb: {  	v21 =	vsel vm3, $0x1, v1  }
0xec: {  	(xrf0) =	vadd.scan.msk.s32 $0xffff, v21;
	_ =	sdelay $0x1  }
0xed: {  	v21 =	vmpcnt.ones.xlane vm2;
	_ =	sdelay $0x1  }
0xee: {  	v19 =	vadd.s32 v19, v21  }
0xef: {  	vm2 =	vlt.s32 v19, $0x1670  }
0xf0: {  	v22 =	vnsel vm2, $0x1670, v19;
	v21, _, _ =	vpop (xrf0)  }
0xf1: {  	v21 =	vadd.s32 v21, v22  }
0xf2: {  	s1 =	sadd.s32 $0x1, s1;
	v22 =	vld [tilespmem:$0x4460];
	v21 =	vadd.s32 $0xFFFFFFFF, v21  }
0xf3: {  	p0 =	sne.s32 s1, $0x28  }
.Ltmp4:
0xf4: {  	_ = 	snop;
	(pc) =	sbr.rel @p0 .LBB2_2-.Ltmp4, $4  }
0xf5: {  	_ = 	snop  }
0xf6: {  	v23 =	vmpcnt.ones.xlane vm3  }
0xf7: {  	[tilespmem:v21+s2+$0x0] =	vst.idx.msk vm3, v22  }
0xf8: {  	vm14 =	vmmov vm10;
	vm15 =	vmmov vm9;
	[tilespmem:v21+s13+$0x0] =	vst.idx.msk vm3, v20;
	v20 =	vadd.s32 v19, v23  }
0xf9: {  	_ =	swait.ge [sflag:s18], $0x7D0  }
0xfa: {  	[sflag:s18] =	ssyncset.done $0x0  }
0xfb: {  	[sflag:s18] =	ssyncadd.s32 $0xFFFFF830  }
0xfc: {  	_ =	swait.ge [sflag:s19], $0x7D0  }
0xfd: {  	(v2sf) =	vpush v20, $0x0;
	_ =	sdelay $0xe  }
0xfe: {  	s7 =	spop (v2sf)  }
0xff: {  	p0 =	slt.s32 s7, $0x1680  }
0x100: {  	p1 =	slt.s32 s7, $0xFFFFFFE2;
	s7 =	simm.s32 @!p0 $0x1680  }
0x101: {  	s1 =	sadd.s32 $0x1F, s7  }
0x102: {  	s6 =	sand.u32 $0x1F, s1  }
0x103: {  	s8 =	sshra.s32 s1, $0x1F;
	p4 =	sne.s32 s6, $0x0  }
0x104: {  	s17 =	sshrl.u32 s8, $0x1B;
	p0 =	por !p1, !p4  }
0x105: {  	s6 =	simm.s32 $0x1;
	s1 =	sadd.s32 s17, s1;
	p0 =	por !p0, !p0  }
0x106: {  	s1 =	sshra.s32 s1, $0x5;
	s6 =	simm.s32 @!p0 $0x0  }
0x107: {  	s1 =	ssub.s32 s1, s6  }
0x108: {  	s6 =	sadd.s32 $0x1, s1  }
0x109: {  	s24 =	sand.u32 $0x1, s6  }
0x10a: {  	p5 =	slt.s32 s1, $0x0;
	p6 =	seq.s32 s24, $0x1  }
0x10b: {  	s25 =	sshrl.u32 s6, $0x1F;
	p0 =	por !p5, !p6  }
0x10c: {  	s1 =	sadd.s32 s25, s6;
	s6 =	simm.s32 $0x1;
	p0 =	por !p0, !p0  }
0x10d: {  	s1 =	sshra.s32 s1, $0x1;
	s6 =	simm.s32 @!p0 $0x0  }
0x10e: {  	s8 =	ssub.s32 s1, s6  }
0x10f: {  	p0 =	slt.s32 s8, $0x1  }
.Ltmp5:
0x110: {  	[sflag:s19] =	ssyncset.done $0x0;
	(pc) =	sbr.rel @p0 .LBB2_14-.Ltmp5, $4  }
0x111: {  	s26 =	simm.s32 $0x4C40;
	[sflag:s19] =	ssyncadd.s32 $0xFFFFF830  }
0x112: {  	[tilespmem:s26], [sflag:$0x1] =	stream.indirect.gather [hbm4b:s4+s23], $0x90, s2, s23, $0xb8;
	[tilespmem:$0x1DE40] =	vst v63  }
0x113: {  	s28 =	simm.s32 $0x7040  }
0x114: {  	[tilespmem:s28], [sflag:$0x3] =	stream.indirect.gather [hbm4b:s5+s23], $0x10, s13, s23, $0xb8;
	[tilespmem:$0x1DE40] =	vst v63  }
0x115: {  	s28 =	simm.s32 $0x0;
	s12 =	simm.s32 $0x20;
	s6 =	simm.s32 $0x0  }
.LBB2_9:
0x116: {  	s26 =	sshll.u32 s6, $0x6  }
0x117: {  	s1 =	sor.u32 $0x20, s26  }
0x118: {  	p0 =	slt.s32 s1, $0x1660  }
0x119: {  	s9 =	simm.s32 $0x5E40;
	s1 =	simm.s32 @!p0 $0x1660  }
0x11a: {  	[tilespmem:s9], [sflag:$0x2] =	stream.indirect.gather [hbm4b:s4+s23], $0x90, s1, s23, $0xb8;
	[tilespmem:$0x1DE40] =	vst v63  }
0x11b: {  	s10 =	simm.s32 $0x7240;
	s24 =	simm.s32 $0x4E80;
	s25 =	sadd.s32 $0x1680, s1  }
0x11c: {  	[tilespmem:s10], [sflag:$0x4] =	stream.indirect.gather [hbm4b:s5+s23], $0x10, s25, s23, $0xb8;
	[tilespmem:$0x1DE40] =	vst v63  }
0x11d: {  	s14 =	smov.u32 s26;
	p0 =	slt.s32 s12, $0x1660;
	_ =	swait.ge [sflag:s22], $0x1200  }
0x11e: {  	s9 =	smov.u32 s28;
	s10 =	smov.u32 s12;
	[sflag:s22] =	ssyncset.done $0x0  }
0x11f: {  	s10 =	simm.s32 @!p0 $0x1660;
	p0 =	slt.s32 s28, $0x1660;
	[sflag:s22] =	ssyncadd.s32 $0xFFFFEE00  }
0x120: {  	s9 =	simm.s32 @!p0 $0x1660;
	p0 =	slt.s32 s26, $0x1660;
	_ =	swait.ge [sflag:s29], $0x200  }
0x121: {  	s16 =	simm.s32 $0x7480;
	s14 =	simm.s32 @!p0 $0x1660;
	[sflag:s29] =	ssyncset.done $0x0  }
0x122: {  	s17 =	simm.s32 $0x0;
	s25 =	simm.s32 $0x7080;
	v20 =	vmov s14;
	[sflag:s29] =	ssyncadd.s32 $0xFFFFFE00  }
.LBB2_10:
0x123: {  	v19 =	vld [tilespmem:s24+$0xFFFFFE40]  }
0x124: {  	v21 =	vld [tilespmem:s25+$0xFFFFFFC0];
	_ =	sdelay $0x3  }
0x125: {  	v22 =	vunpack.i.l.bf16.f32 v19  }
0x126: {  	v19 =	vadd.f32 v21, v22;
	_ =	sdelay $0x1  }
0x127: {  	v21 =	vmul.f32 $2.000000030e-01, v19  }
0x128: {  	vm2 =	vgt.f32 v19, $0.0e+00  }
0x129: {  	v19 =	vsel vm2, v19, v21  }
0x12a: {  	v19 =	vmul.f32 $1.442695020e+00, v19  }
0x12b: {  	v21 =	vor.u32 s17, v20  }
0x12c: {  	(erf) = vpow2.f32 v19;
	_ =	sdelay $0x3  }
0x12d: {  	v19 =	vld.idx.msk [tilespmem:v21+s13+$0x0], $0xffff;
	_ =	sdelay $0x1  }
0x12e: {  	s14 =	sadd.s32 s17, s9;
	v21 =	vmov s17  }
0x12f: {  	p0 =	slt.s32 s14, s7;
	vm2 =	vmmov vm0;
	v21 =	vshll.u32 v21, $0x4  }
0x130: {  	vm2 =	vmneg @p0 vm2;
	v23 =	vor.u32 $0x4, v21  }
0x131: {  	vm2 =	vmand vm2, vm1;
	v19 =	vsub.s32 v19, v0;
	v24 =	vpop (erf)  }
0x132: {  	v30 =	vld [tilespmem:s24+$0xFFFFFED0];
	v25 =	vor.u32 $0x5, v21;
	v24 =	vnsel vm2, $0x0, v24;
	vm2 =	vgt.s32 v19, $0x0  }
0x133: {  	v33 =	vld [tilespmem:s25+$0xFFFFFFD0];
	v19 =	vnsel vm2, $0x0, v19;
	[tilespmem:s16+$0xFFFFFFC0] =	vst v24  }
0x134: {  	v61 =	vor.u32 $0x7, v21;
	v19 =	vmin.u32 v19, $0x13F;
	v27 =	vld [tilespmem:s24+$0xFFFFFDC0]  }
0x135: {  	v26 =	vor.u32 $0x6, v21;
	v28 =	vld.idx.msk [tilespmem:v23+s30+$0x0], $0xffff;
	v23 =	vmul.u32 $0x120, v19  }
0x136: {  	v19 =	vor.u32 v2, v21  }
0x137: {  	v32 =	vld.idx.msk [tilespmem:v25+s30+$0x0], $0xffff;
	v25 =	vunpack.i.l.bf16.f32 v30;
	v62 =	vor.u32 v3, v23  }
0x138: {  	v36 =	vadd.f32 v33, v25;
	v63 =	vor.u32 v4, v23  }
0x139: {  	v24 =	vld.idx.msk [tilespmem:v61+s30+$0x0], $0xffff;
	v29 =	vunpack.i.l.bf16.f32 v27  }
0x13a: {  	v21 =	vld.idx.msk [tilespmem:v26+s30+$0x0], $0xffff;
	v38 =	vmul.f32 $2.000000030e-01, v36;
	v27 =	vunpack.i.u.bf16.f32 v27;
	v29 =	vmul.f32 v29, v28  }
0x13b: {  	vm2 =	vgt.f32 v36, $0.0e+00;
	v31 =	vld.idx.msk [tilespmem:v19+s30+$0x0], $0xffff;
	v19 =	vmul.f32 v27, v28  }
0x13c: {  	v26 =	vsel vm2, v36, v38;
	[tilespmem:v62+s11+$0x0] =	vst.idx.add.f32.msk $0xffff, v29  }
0x13d: {  	v26 =	vmul.f32 $1.442695020e+00, v26;
	[tilespmem:v63+s11+$0x0] =	vst.idx.add.f32.msk $0xffff, v19  }
0x13e: {  	s15 =	sadd.s32 $0x1, s17;
	v19 =	vld [tilespmem:s24+$0xFFFFFDD0]  }
0x13f: {  	v42 =	vor.u32 s15, v20;
	(erf) = vpow2.f32 v26;
	_ =	sdelay $0x1  }
0x140: {  	v37 =	vadd.s32 v5, v23  }
0x141: {  	v39 =	vadd.s32 v6, v23  }
0x142: {  	v40 =	vunpack.i.l.bf16.f32 v19  }
0x143: {  	v43 =	vld.idx.msk [tilespmem:v42+s13+$0x0], $0xffff;
	v19 =	vunpack.i.u.bf16.f32 v19;
	v41 =	vmul.f32 v40, v28  }
0x144: {  	v45 =	vmov s15;
	s15 =	sadd.s32 $0x1, s14;
	v19 =	vmul.f32 v19, v28  }
0x145: {  	v47 =	vshll.u32 v45, $0x4;
	p0 =	slt.s32 s15, s7;
	vm2 =	vmmov vm0;
	[tilespmem:v37+s11+$0x0] =	vst.idx.add.f32.msk $0xffff, v41  }
0x146: {  	v49 =	vor.u32 $0x4, v47;
	vm2 =	vmneg @p0 vm2;
	[tilespmem:v39+s11+$0x0] =	vst.idx.add.f32.msk $0xffff, v19  }
0x147: {  	v52 =	vor.u32 $0x5, v47;
	vm2 =	vmand vm2, vm1;
	v34 =	vpop (erf);
	v19 =	vld [tilespmem:s24+$0xFFFFFDE0]  }
0x148: {  	v54 =	vor.u32 $0x7, v47;
	v26 =	vsub.s32 v43, v0;
	v51 =	vnsel vm2, $0x0, v34  }
0x149: {  	v55 =	vor.u32 v2, v47;
	vm2 =	vgt.s32 v26, $0x0;
	[tilespmem:s16+$0xFFFFFFD0] =	vst v51  }
0x14a: {  	v44 =	vadd.s32 v7, v23;
	v26 =	vnsel vm2, $0x0, v26;
	v35 =	vld [tilespmem:s24+$0xFFFFFE50]  }
0x14b: {  	v50 =	vadd.s32 v8, v23;
	v26 =	vmin.u32 v26, $0x13F;
	v36 =	vld.idx.msk [tilespmem:v49+s30+$0x0], $0xffff  }
0x14c: {  	v53 =	vor.u32 $0x6, v47;
	v27 =	vld.idx.msk [tilespmem:v52+s30+$0x0], $0xffff;
	v28 =	vmul.u32 $0x120, v26;
	v46 =	vunpack.i.l.bf16.f32 v19  }
0x14d: {  	v30 =	vld.idx.msk [tilespmem:v54+s30+$0x0], $0xffff;
	v19 =	vunpack.i.u.bf16.f32 v19;
	v48 =	vmul.f32 v46, v32  }
0x14e: {  	v29 =	vld.idx.msk [tilespmem:v55+s30+$0x0], $0xffff;
	v37 =	vor.u32 v3, v28;
	v19 =	vmul.f32 v19, v32  }
0x14f: {  	v38 =	vor.u32 v4, v28;
	[tilespmem:v44+s11+$0x0] =	vst.idx.add.f32.msk $0xffff, v48  }
0x150: {  	v56 =	vunpack.i.l.bf16.f32 v35;
	[tilespmem:v50+s11+$0x0] =	vst.idx.add.f32.msk $0xffff, v19  }
0x151: {  	v35 =	vunpack.i.u.bf16.f32 v35;
	v34 =	vmul.f32 v56, v36;
	v19 =	vld.idx.msk [tilespmem:v53+s30+$0x0], $0xffff  }
0x152: {  	v57 =	vmul.f32 v35, v36;
	v33 =	vld [tilespmem:s24+$0xFFFFFDF0]  }
0x153: {  	[tilespmem:v37+s11+$0x0] =	vst.idx.add.f32.msk $0xffff, v34  }
0x154: {  	[tilespmem:v38+s11+$0x0] =	vst.idx.add.f32.msk $0xffff, v57  }
0x155: {  	v58 =	vadd.s32 v9, v23;
	v34 =	vld [tilespmem:s24+$0xFFFFFE60]  }
0x156: {  	v59 =	vadd.s32 v10, v23  }
0x157: {  	v60 =	vunpack.i.l.bf16.f32 v33  }
0x158: {  	v61 =	vadd.s32 v5, v28;
	v33 =	vunpack.i.u.bf16.f32 v33;
	v37 =	vmul.f32 v60, v32  }
0x159: {  	v62 =	vadd.s32 v6, v28;
	v32 =	vmul.f32 v33, v32  }
0x15a: {  	v63 =	vunpack.i.l.bf16.f32 v34;
	[tilespmem:v58+s11+$0x0] =	vst.idx.add.f32.msk $0xffff, v37  }
0x15b: {  	v26 =	vmul.f32 v63, v36;
	v37 =	vunpack.i.u.bf16.f32 v34;
	[tilespmem:v59+s11+$0x0] =	vst.idx.add.f32.msk $0xffff, v32  }
0x15c: {  	v32 =	vmul.f32 v37, v36;
	v39 =	vld [tilespmem:s24+$0xFFFFFE00]  }
0x15d: {  	[tilespmem:v61+s11+$0x0] =	vst.idx.add.f32.msk $0xffff, v26  }
0x15e: {  	[tilespmem:v62+s11+$0x0] =	vst.idx.add.f32.msk $0xffff, v32  }
0x15f: {  	v40 =	vadd.s32 v11, v23;
	v32 =	vld [tilespmem:s24+$0xFFFFFE70]  }
0x160: {  	v41 =	vadd.s32 v12, v23  }
0x161: {  	v42 =	vunpack.i.l.bf16.f32 v39  }
0x162: {  	v43 =	vadd.s32 v7, v28;
	v46 =	vld [tilespmem:s24+$0xFFFFFF60];
	v34 =	vunpack.i.u.bf16.f32 v39;
	v35 =	vmul.f32 v42, v21  }
0x163: {  	v44 =	vadd.s32 v8, v28;
	v48 =	vld [tilespmem:s25+$0xFFFFFFE0];
	v34 =	vmul.f32 v34, v21  }
0x164: {  	v45 =	vunpack.i.l.bf16.f32 v32;
	[tilespmem:v40+s11+$0x0] =	vst.idx.add.f32.msk $0xffff, v35  }
0x165: {  	v32 =	vunpack.i.u.bf16.f32 v32;
	v26 =	vmul.f32 v45, v27;
	[tilespmem:v41+s11+$0x0] =	vst.idx.add.f32.msk $0xffff, v34  }
0x166: {  	v32 =	vmul.f32 v32, v27;
	v33 =	vld [tilespmem:s24+$0xFFFFFE10]  }
0x167: {  	[tilespmem:v43+s11+$0x0] =	vst.idx.add.f32.msk $0xffff, v26  }
0x168: {  	[tilespmem:v44+s11+$0x0] =	vst.idx.add.f32.msk $0xffff, v32  }
0x169: {  	v47 =	vadd.s32 v13, v23;
	v32 =	vld [tilespmem:s24+$0xFFFFFE80]  }
0x16a: {  	v49 =	vadd.s32 v14, v23  }
0x16b: {  	v51 =	vadd.s32 v9, v28;
	v26 =	vunpack.i.l.bf16.f32 v46;
	v50 =	vunpack.i.l.bf16.f32 v33  }
0x16c: {  	v53 =	vadd.f32 v48, v26;
	v33 =	vunpack.i.u.bf16.f32 v33;
	v37 =	vmul.f32 v50, v21  }
0x16d: {  	v58 =	vld [tilespmem:s24+$0xFFFFFFF0];
	v21 =	vmul.f32 v33, v21  }
0x16e: {  	v54 =	vadd.s32 v10, v28;
	v56 =	vmul.f32 $2.000000030e-01, v53;
	v52 =	vunpack.i.l.bf16.f32 v32;
	[tilespmem:v47+s11+$0x0] =	vst.idx.add.f32.msk $0xffff, v37  }
0x16f: {  	vm2 =	vgt.f32 v53, $0.0e+00;
	[tilespmem:v49+s11+$0x0] =	vst.idx.add.f32.msk $0xffff, v21;
	v21 =	vmul.f32 v52, v27  }
0x170: {  	v59 =	vld [tilespmem:s25+$0xFFFFFFF0];
	v57 =	vsel vm2, v53, v56;
	v32 =	vunpack.i.u.bf16.f32 v32  }
0x171: {  	[tilespmem:v51+s11+$0x0] =	vst.idx.add.f32.msk $0xffff, v21;
	v21 =	vmul.f32 v32, v27;
	v27 =	vmul.f32 $1.442695020e+00, v57  }
0x172: {  	s15 =	sadd.s32 $0x2, s17  }
0x173: {  	[tilespmem:v54+s11+$0x0] =	vst.idx.add.f32.msk $0xffff, v21;
	v21 =	vor.u32 s15, v20;
	(erf) = vpow2.f32 v27  }
0x174: {  	v55 =	vld [tilespmem:s24+$0xFFFFFE20];
	v27 =	vunpack.i.l.bf16.f32 v58  }
0x175: {  	v34 =	vadd.f32 v59, v27  }
0x176: {  	v63 =	vadd.s32 v16, v23;
	v41 =	vmov s15;
	v33 =	vld [tilespmem:s24+$0xFFFFFE90]  }
0x177: {  	v62 =	vadd.s32 v15, v23;
	v46 =	vshll.u32 v41, $0x4;
	v40 =	vmul.f32 $2.000000030e-01, v34  }
0x178: {  	v39 =	vadd.s32 v11, v28;
	v47 =	vor.u32 $0x4, v46;
	s15 =	sadd.s32 $0x2, s14;
	vm2 =	vgt.f32 v34, $0.0e+00;
	v21 =	vld.idx.msk [tilespmem:v21+s13+$0x0], $0xffff  }
0x179: {  	p0 =	slt.s32 s15, s7;
	s15 =	sadd.s32 $0x3, s17;
	v60 =	vunpack.i.u.bf16.f32 v55;
	v61 =	vunpack.i.l.bf16.f32 v55;
	v34 =	vsel vm2, v34, v40  }
0x17a: {  	v49 =	vor.u32 s15, v20;
	v32 =	vmul.f32 v61, v24;
	v34 =	vmul.f32 $1.442695020e+00, v34  }
0x17b: {  	v36 =	vmul.f32 v60, v24;
	vm2 =	vmmov vm0;
	v45 =	vunpack.i.l.bf16.f32 v33  }
0x17c: {  	[tilespmem:v62+s11+$0x0] =	vst.idx.add.f32.msk $0xffff, v32;
	vm2 =	vmneg @p0 vm2;
	v38 =	vmul.f32 v45, v19;
	v48 =	vpop (erf);
	(erf) = vpow2.f32 v34  }
0x17d: {  	v42 =	vadd.s32 v12, v28;
	[tilespmem:v63+s11+$0x0] =	vst.idx.add.f32.msk $0xffff, v36;
	vm2 =	vmand vm2, vm1;
	v21 =	vsub.s32 v21, v0  }
0x17e: {  	v50 =	vor.u32 $0x5, v46;
	[tilespmem:v39+s11+$0x0] =	vst.idx.add.f32.msk $0xffff, v38;
	v35 =	vnsel vm2, $0x0, v48;
	vm2 =	vgt.s32 v21, $0x0  }
0x17f: {  	v51 =	vor.u32 $0x6, v46;
	v33 =	vunpack.i.u.bf16.f32 v33;
	v36 =	vld.idx.msk [tilespmem:v49+s13+$0x0], $0xffff;
	[tilespmem:s16+$0xFFFFFFE0] =	vst v35;
	v21 =	vnsel vm2, $0x0, v21  }
0x180: {  	v53 =	vor.u32 $0x7, v46;
	v33 =	vmul.f32 v33, v19;
	v52 =	vld [tilespmem:s24+$0xFFFFFEE0];
	v21 =	vmin.u32 v21, $0x13F  }
0x181: {  	v41 =	vld.idx.msk [tilespmem:v47+s30+$0x0], $0xffff;
	v32 =	vmul.u32 $0x120, v21;
	v21 =	vor.u32 v2, v46  }
0x182: {  	v55 =	vmov s15;
	s15 =	sadd.s32 $0x3, s14;
	[tilespmem:v42+s11+$0x0] =	vst.idx.add.f32.msk $0xffff, v33  }
0x183: {  	v43 =	vshll.u32 v55, $0x4;
	p0 =	slt.s32 s15, s7;
	v40 =	vld.idx.msk [tilespmem:v50+s30+$0x0], $0xffff;
	vm2 =	vmmov vm0;
	v54 =	vor.u32 v3, v32  }
0x184: {  	v58 =	vor.u32 $0x4, v43;
	v38 =	vld.idx.msk [tilespmem:v51+s30+$0x0], $0xffff;
	vm2 =	vmneg @p0 vm2  }
0x185: {  	v35 =	vld.idx.msk [tilespmem:v53+s30+$0x0], $0xffff;
	v36 =	vsub.s32 v36, v0;
	vm2 =	vmand vm2, vm1;
	v56 =	vunpack.i.l.bf16.f32 v52;
	v44 =	vpop (erf)  }
0x186: {  	v57 =	vmul.f32 v56, v41;
	v34 =	vld.idx.msk [tilespmem:v21+s30+$0x0], $0xffff;
	v21 =	vor.u32 v4, v32;
	v59 =	vnsel vm2, $0x0, v44  }
0x187: {  	v60 =	vor.u32 $0x5, v43;
	vm2 =	vgt.s32 v36, $0x0;
	v44 =	vld [tilespmem:s24+$0xFFFFFE30];
	[tilespmem:s16+$0xFFFFFFF0] =	vst v59  }
0x188: {  	v37 =	vunpack.i.u.bf16.f32 v52;
	v36 =	vnsel vm2, $0x0, v36;
	[tilespmem:v54+s11+$0x0] =	vst.idx.add.f32.msk $0xffff, v57  }
0x189: {  	v62 =	vor.u32 $0x6, v43;
	v37 =	vmul.f32 v37, v41;
	v61 =	vmin.u32 v36, $0x13F;
	v45 =	vld [tilespmem:s24+$0xFFFFFF70]  }
0x18a: {  	v46 =	vor.u32 $0x7, v43;
	v42 =	vld.idx.msk [tilespmem:v58+s30+$0x0], $0xffff;
	v33 =	vmul.u32 $0x120, v61  }
0x18b: {  	[tilespmem:v21+s11+$0x0] =	vst.idx.add.f32.msk $0xffff, v37;
	v21 =	vor.u32 v2, v43  }
0x18c: {  	v48 =	vld.idx.msk [tilespmem:v60+s30+$0x0], $0xffff;
	v47 =	vor.u32 v3, v33  }
0x18d: {  	v49 =	vor.u32 v4, v33;
	v63 =	vld [tilespmem:s24+$0xFFFFFEF0]  }
0x18e: {  	v39 =	vld.idx.msk [tilespmem:v62+s30+$0x0], $0xffff;
	v51 =	vunpack.i.l.bf16.f32 v45  }
0x18f: {  	v37 =	vld.idx.msk [tilespmem:v46+s30+$0x0], $0xffff;
	v45 =	vunpack.i.u.bf16.f32 v45;
	v52 =	vmul.f32 v51, v42  }
0x190: {  	v50 =	vadd.s32 v5, v32;
	v36 =	vld.idx.msk [tilespmem:v21+s30+$0x0], $0xffff;
	v21 =	vmul.f32 v45, v42  }
0x191: {  	v53 =	vadd.s32 v6, v32;
	[tilespmem:v47+s11+$0x0] =	vst.idx.add.f32.msk $0xffff, v52  }
0x192: {  	v54 =	vunpack.i.l.bf16.f32 v63;
	[tilespmem:v49+s11+$0x0] =	vst.idx.add.f32.msk $0xffff, v21  }
0x193: {  	v21 =	vunpack.i.u.bf16.f32 v63;
	v55 =	vmul.f32 v54, v41;
	v56 =	vld [tilespmem:s24+$0xFFFFFF80]  }
0x194: {  	v57 =	vld [tilespmem:s24+$0xFFFFFEA0];
	v21 =	vmul.f32 v21, v41  }
0x195: {  	[tilespmem:v50+s11+$0x0] =	vst.idx.add.f32.msk $0xffff, v55  }
0x196: {  	[tilespmem:v53+s11+$0x0] =	vst.idx.add.f32.msk $0xffff, v21;
	v21 =	vadd.s32 v5, v33  }
0x197: {  	v60 =	vld [tilespmem:s24+$0x80];
	v58 =	vadd.s32 v6, v33  }
0x198: {  	v51 =	vld [tilespmem:s25+$0x0];
	v59 =	vunpack.i.l.bf16.f32 v56  }
0x199: {  	v61 =	vadd.s32 v17, v23;
	v41 =	vld [tilespmem:s24+$0xFFFFFF00];
	v46 =	vunpack.i.u.bf16.f32 v56;
	v45 =	vmul.f32 v59, v42  }
0x19a: {  	v62 =	vadd.s32 v13, v28;
	v42 =	vmul.f32 v46, v42  }
0x19b: {  	v52 =	vunpack.i.l.bf16.f32 v44;
	v47 =	vunpack.i.l.bf16.f32 v57;
	v63 =	vadd.s32 v14, v28;
	[tilespmem:v21+s11+$0x0] =	vst.idx.add.f32.msk $0xffff, v45  }
0x19c: {  	v52 =	vmul.f32 v52, v24;
	v54 =	vadd.s32 v7, v32;
	v21 =	vunpack.i.u.bf16.f32 v57;
	[tilespmem:v58+s11+$0x0] =	vst.idx.add.f32.msk $0xffff, v42  }
0x19d: {  	v55 =	vmul.f32 v47, v19;
	v19 =	vmul.f32 v21, v19;
	v21 =	vunpack.i.l.bf16.f32 v60;
	v56 =	vld [tilespmem:s24+$0xFFFFFF90]  }
0x19e: {  	[tilespmem:v61+s11+$0x0] =	vst.idx.add.f32.msk $0xffff, v52;
	v57 =	vunpack.i.l.bf16.f32 v41;
	v58 =	vadd.s32 v8, v32;
	v51 =	vadd.f32 v51, v21  }
0x19f: {  	[tilespmem:v62+s11+$0x0] =	vst.idx.add.f32.msk $0xffff, v55;
	v59 =	vmul.f32 v57, v40  }
0x1a0: {  	v60 =	vadd.s32 v7, v33;
	[tilespmem:v63+s11+$0x0] =	vst.idx.add.f32.msk $0xffff, v19;
	v19 =	vunpack.i.u.bf16.f32 v41;
	v61 =	vmul.f32 $2.000000030e-01, v51  }
0x1a1: {  	v62 =	vadd.s32 v8, v33;
	[tilespmem:v54+s11+$0x0] =	vst.idx.add.f32.msk $0xffff, v59;
	v19 =	vmul.f32 v19, v40;
	vm2 =	vgt.f32 v51, $0.0e+00  }
0x1a2: {  	v63 =	vadd.s32 v18, v23;
	v46 =	vld [tilespmem:s24+$0xFFFFFEB0];
	v45 =	vsel vm2, v51, v61;
	v53 =	vunpack.i.l.bf16.f32 v56  }
0x1a3: {  	s15 =	sadd.s32 $0x4, s17;
	[tilespmem:v58+s11+$0x0] =	vst.idx.add.f32.msk $0xffff, v19;
	v47 =	vunpack.i.u.bf16.f32 v56;
	v45 =	vmul.f32 $1.442695020e+00, v45;
	v49 =	vmul.f32 v53, v48  }
0x1a4: {  	v54 =	vor.u32 s15, v20;
	v19 =	vor.u32 $0x100, v3;
	v50 =	vld [tilespmem:s24+$0xFFFFFF10];
	v47 =	vmul.f32 v47, v48  }
0x1a5: {  	v44 =	vunpack.i.u.bf16.f32 v44;
	v23 =	vadd.s32 v19, v23;
	(erf) = vpow2.f32 v45;
	[tilespmem:v60+s11+$0x0] =	vst.idx.add.f32.msk $0xffff, v49  }
0x1a6: {  	v24 =	vmul.f32 v44, v24;
	v55 =	vadd.s32 v15, v28;
	[tilespmem:v62+s11+$0x0] =	vst.idx.add.f32.msk $0xffff, v47  }
0x1a7: {  	v22 =	vmul.f32 v31, v22;
	v56 =	vadd.s32 v16, v28;
	v57 =	vld [tilespmem:s24+$0xFFFFFFA0]  }
0x1a8: {  	v59 =	vadd.s32 v9, v32;
	v61 =	vadd.s32 v10, v32;
	[tilespmem:v63+s11+$0x0] =	vst.idx.add.f32.msk $0xffff, v24;
	v58 =	vunpack.i.l.bf16.f32 v46  }
0x1a9: {  	vm2 =	vmmov vm0;
	v60 =	vunpack.i.u.bf16.f32 v46;
	v24 =	vmul.f32 v58, v30;
	v62 =	vld.idx.msk [tilespmem:v54+s13+$0x0], $0xffff  }
0x1aa: {  	v63 =	vadd.s32 v9, v33;
	[tilespmem:v23+s11+$0x0] =	vst.idx.add.f32.msk $0xffff, v22;
	v22 =	vmul.f32 v60, v30;
	v23 =	vunpack.i.l.bf16.f32 v50  }
0x1ab: {  	v49 =	vmov s15;
	s15 =	sadd.s32 $0x4, s14;
	[tilespmem:v55+s11+$0x0] =	vst.idx.add.f32.msk $0xffff, v24;
	v47 =	vunpack.i.u.bf16.f32 v50;
	v23 =	vmul.f32 v23, v40  }
0x1ac: {  	v53 =	vadd.s32 v10, v33;
	p0 =	slt.s32 s15, s7;
	[tilespmem:v56+s11+$0x0] =	vst.idx.add.f32.msk $0xffff, v22;
	v22 =	vmul.f32 v47, v40;
	v50 =	vunpack.i.l.bf16.f32 v57  }
0x1ad: {  	v51 =	vshll.u32 v49, $0x4;
	vm2 =	vmneg @p0 vm2;
	[tilespmem:v59+s11+$0x0] =	vst.idx.add.f32.msk $0xffff, v23;
	v23 =	vmul.f32 v50, v48  }
0x1ae: {  	v52 =	vor.u32 $0x4, v51;
	vm2 =	vmand vm2, vm1;
	[tilespmem:v61+s11+$0x0] =	vst.idx.add.f32.msk $0xffff, v22;
	v55 =	vunpack.i.u.bf16.f32 v57;
	v54 =	vpop (erf)  }
0x1af: {  	v42 =	vmul.f32 v55, v48;
	[tilespmem:v63+s11+$0x0] =	vst.idx.add.f32.msk $0xffff, v23;
	v23 =	vnsel vm2, $0x0, v54  }
0x1b0: {  	v56 =	vor.u32 $0x6, v51;
	v22 =	vsub.s32 v62, v0;
	v41 =	vld [tilespmem:s24+$0xFFFFFF20];
	[tilespmem:s16+$0x0] =	vst v23  }
0x1b1: {  	v58 =	vor.u32 $0x7, v51;
	vm2 =	vgt.s32 v22, $0x0;
	[tilespmem:v53+s11+$0x0] =	vst.idx.add.f32.msk $0xffff, v42  }
0x1b2: {  	v22 =	vnsel vm2, $0x0, v22;
	v57 =	vld [tilespmem:s24+$0x0]  }
0x1b3: {  	v23 =	vor.u32 $0x5, v51;
	v22 =	vmin.u32 v22, $0x13F;
	v45 =	vld.idx.msk [tilespmem:v52+s30+$0x0], $0xffff  }
0x1b4: {  	v63 =	vadd.s32 v11, v32;
	v42 =	vld [tilespmem:s24+$0xFFFFFFB0];
	v22 =	vmul.u32 $0x120, v22  }
0x1b5: {  	v40 =	vor.u32 v2, v51;
	v31 =	vld.idx.msk [tilespmem:v56+s30+$0x0], $0xffff  }
0x1b6: {  	v24 =	vld.idx.msk [tilespmem:v58+s30+$0x0], $0xffff;
	v54 =	vunpack.i.l.bf16.f32 v41;
	v59 =	vor.u32 v3, v22  }
0x1b7: {  	v58 =	vld [tilespmem:s24+$0xFFFFFEC0];
	v56 =	vmul.f32 v54, v38;
	v60 =	vor.u32 v4, v22  }
0x1b8: {  	v47 =	vld.idx.msk [tilespmem:v23+s30+$0x0], $0xffff;
	v23 =	vunpack.i.l.bf16.f32 v57  }
0x1b9: {  	v53 =	vadd.s32 v12, v32;
	[tilespmem:v63+s11+$0x0] =	vst.idx.add.f32.msk $0xffff, v56;
	v61 =	vunpack.i.u.bf16.f32 v57;
	v62 =	vmul.f32 v23, v45  }
0x1ba: {  	v23 =	vld.idx.msk [tilespmem:v40+s30+$0x0], $0xffff;
	v52 =	vmul.f32 v61, v45  }
0x1bb: {  	v55 =	vunpack.i.u.bf16.f32 v41;
	v57 =	vadd.s32 v11, v33;
	[tilespmem:v59+s11+$0x0] =	vst.idx.add.f32.msk $0xffff, v62  }
0x1bc: {  	v40 =	vmul.f32 v55, v38;
	v59 =	vadd.s32 v12, v33;
	[tilespmem:v60+s11+$0x0] =	vst.idx.add.f32.msk $0xffff, v52  }
0x1bd: {  	v60 =	vunpack.i.l.bf16.f32 v42;
	v46 =	vld [tilespmem:s24+$0x10]  }
0x1be: {  	v61 =	vunpack.i.u.bf16.f32 v42;
	[tilespmem:v53+s11+$0x0] =	vst.idx.add.f32.msk $0xffff, v40;
	v52 =	vadd.s32 v17, v28;
	v41 =	vmul.f32 v60, v39  }
0x1bf: {  	v54 =	vadd.s32 v18, v28;
	v40 =	vmul.f32 v61, v39;
	v43 =	vld [tilespmem:s24+$0xFFFFFF30]  }
0x1c0: {  	v55 =	vunpack.i.l.bf16.f32 v58;
	v62 =	vadd.s32 v5, v22;
	[tilespmem:v57+s11+$0x0] =	vst.idx.add.f32.msk $0xffff, v41  }
0x1c1: {  	v63 =	vadd.s32 v6, v22;
	v56 =	vunpack.i.u.bf16.f32 v58;
	v57 =	vmul.f32 v55, v30;
	[tilespmem:v59+s11+$0x0] =	vst.idx.add.f32.msk $0xffff, v40  }
0x1c2: {  	v30 =	vmul.f32 v56, v30;
	v50 =	vld [tilespmem:s24+$0xFFFFFFC0];
	v51 =	vunpack.i.l.bf16.f32 v46  }
0x1c3: {  	[tilespmem:v52+s11+$0x0] =	vst.idx.add.f32.msk $0xffff, v57;
	v53 =	vunpack.i.u.bf16.f32 v46;
	v41 =	vmul.f32 v51, v45  }
0x1c4: {  	v58 =	vadd.s32 v13, v32;
	[tilespmem:v54+s11+$0x0] =	vst.idx.add.f32.msk $0xffff, v30;
	v40 =	vmul.f32 v53, v45  }
0x1c5: {  	v59 =	vadd.s32 v14, v32;
	[tilespmem:v62+s11+$0x0] =	vst.idx.add.f32.msk $0xffff, v41  }
0x1c6: {  	v25 =	vmul.f32 v29, v25;
	v61 =	vunpack.i.l.bf16.f32 v43;
	[tilespmem:v63+s11+$0x0] =	vst.idx.add.f32.msk $0xffff, v40  }
0x1c7: {  	v29 =	vmul.f32 v61, v38;
	v62 =	vunpack.i.u.bf16.f32 v43;
	v63 =	vadd.s32 v13, v33;
	v60 =	vld [tilespmem:s24+$0x20]  }
0x1c8: {  	v52 =	vadd.s32 v14, v33;
	v61 =	vld [tilespmem:s24+$0x110];
	v43 =	vmul.f32 v62, v38  }
0x1c9: {  	[tilespmem:v58+s11+$0x0] =	vst.idx.add.f32.msk $0xffff, v29;
	v45 =	vunpack.i.l.bf16.f32 v50  }
0x1ca: {  	v44 =	vadd.s32 v7, v22;
	v54 =	vunpack.i.u.bf16.f32 v50;
	v48 =	vmul.f32 v45, v39;
	[tilespmem:v59+s11+$0x0] =	vst.idx.add.f32.msk $0xffff, v43  }
0x1cb: {  	v46 =	vadd.s32 v8, v22;
	v55 =	vmul.f32 v54, v39;
	v51 =	vld [tilespmem:s24+$0xFFFFFF40]  }
0x1cc: {  	[tilespmem:v63+s11+$0x0] =	vst.idx.add.f32.msk $0xffff, v48;
	v49 =	vunpack.i.l.bf16.f32 v60  }
0x1cd: {  	v28 =	vadd.s32 v19, v28;
	v41 =	vunpack.i.u.bf16.f32 v60;
	[tilespmem:v52+s11+$0x0] =	vst.idx.add.f32.msk $0xffff, v55;
	v29 =	vmul.f32 v49, v47  }
0x1ce: {  	v53 =	vmul.f32 v41, v47;
	v59 =	vld [tilespmem:s24+$0xFFFFFFD0]  }
0x1cf: {  	v56 =	vadd.s32 v15, v32;
	[tilespmem:v44+s11+$0x0] =	vst.idx.add.f32.msk $0xffff, v29  }
0x1d0: {  	v57 =	vadd.s32 v16, v32;
	[tilespmem:v46+s11+$0x0] =	vst.idx.add.f32.msk $0xffff, v53  }
0x1d1: {  	v58 =	vunpack.i.l.bf16.f32 v51;
	v29 =	vld [tilespmem:s24+$0x30]  }
0x1d2: {  	[tilespmem:v28+s11+$0x0] =	vst.idx.add.f32.msk $0xffff, v25;
	v49 =	vadd.s32 v15, v33;
	v38 =	vunpack.i.u.bf16.f32 v51;
	v28 =	vmul.f32 v58, v35  }
0x1d3: {  	v50 =	vadd.s32 v16, v33;
	v63 =	vld [tilespmem:s25+$0x10];
	v38 =	vmul.f32 v38, v35  }
0x1d4: {  	v60 =	vadd.s32 v9, v22;
	[tilespmem:v56+s11+$0x0] =	vst.idx.add.f32.msk $0xffff, v28;
	v51 =	vunpack.i.l.bf16.f32 v59  }
0x1d5: {  	[tilespmem:v57+s11+$0x0] =	vst.idx.add.f32.msk $0xffff, v38;
	v39 =	vunpack.i.u.bf16.f32 v59;
	v52 =	vmul.f32 v51, v37  }
0x1d6: {  	v62 =	vadd.s32 v10, v22;
	v30 =	vld [tilespmem:s24+$0xFFFFFF50];
	v39 =	vmul.f32 v39, v37;
	v48 =	vunpack.i.l.bf16.f32 v29  }
0x1d7: {  	[tilespmem:v49+s11+$0x0] =	vst.idx.add.f32.msk $0xffff, v52;
	v25 =	vmul.f32 v48, v47  }
0x1d8: {  	v29 =	vunpack.i.u.bf16.f32 v29;
	[tilespmem:v50+s11+$0x0] =	vst.idx.add.f32.msk $0xffff, v39  }
0x1d9: {  	v29 =	vmul.f32 v29, v47;
	[tilespmem:v60+s11+$0x0] =	vst.idx.add.f32.msk $0xffff, v25  }
0x1da: {  	v25 =	vunpack.i.l.bf16.f32 v61;
	v60 =	vld [tilespmem:s24+$0x1A0]  }
0x1db: {  	[tilespmem:v62+s11+$0x0] =	vst.idx.add.f32.msk $0xffff, v29;
	v53 =	vadd.f32 v63, v25  }
0x1dc: {  	v34 =	vmul.f32 v34, v26;
	s15 =	sadd.s32 $0x5, s17;
	v55 =	vadd.s32 v17, v32;
	v62 =	vld [tilespmem:s25+$0x20]  }
0x1dd: {  	v58 =	vadd.s32 v18, v32;
	v52 =	vor.u32 s15, v20;
	v63 =	vld [tilespmem:s24+$0xFFFFFFE0];
	v56 =	vmul.f32 $2.000000030e-01, v53  }
0x1de: {  	v57 =	vunpack.i.u.bf16.f32 v30;
	v30 =	vunpack.i.l.bf16.f32 v30;
	v54 =	vld [tilespmem:s24+$0x40];
	vm2 =	vgt.f32 v53, $0.0e+00  }
0x1df: {  	v32 =	vadd.s32 v19, v32;
	v30 =	vmul.f32 v30, v35;
	v28 =	vsel vm2, v53, v56  }
0x1e0: {  	v27 =	vmul.f32 v36, v27;
	v59 =	vadd.s32 v11, v22;
	v28 =	vmul.f32 $1.442695020e+00, v28  }
0x1e1: {  	v61 =	vadd.s32 v12, v22;
	v35 =	vmul.f32 v57, v35;
	[tilespmem:v55+s11+$0x0] =	vst.idx.add.f32.msk $0xffff, v30  }
0x1e2: {  	v30 =	vld.idx.msk [tilespmem:v52+s13+$0x0], $0xffff;
	v53 =	vadd.s32 v17, v33;
	v26 =	vunpack.i.l.bf16.f32 v60;
	(erf) = vpow2.f32 v28  }
0x1e3: {  	[tilespmem:v58+s11+$0x0] =	vst.idx.add.f32.msk $0xffff, v35;
	v55 =	vadd.f32 v62, v26;
	v56 =	vunpack.i.l.bf16.f32 v63;
	v48 =	vunpack.i.l.bf16.f32 v54  }
0x1e4: {  	[tilespmem:v32+s11+$0x0] =	vst.idx.add.f32.msk $0xffff, v34;
	v57 =	vunpack.i.u.bf16.f32 v63;
	v49 =	vunpack.i.u.bf16.f32 v54;
	v50 =	vmul.f32 v48, v31  }
0x1e5: {  	v47 =	vld [tilespmem:s24+$0x230];
	v62 =	vadd.s32 v19, v33;
	v54 =	vadd.s32 v18, v33;
	v51 =	vmul.f32 v49, v31  }
0x1e6: {  	v60 =	vmov s15;
	s15 =	sadd.s32 $0x5, s14;
	v58 =	vmul.f32 v56, v37;
	v32 =	vmul.f32 v57, v37;
	[tilespmem:v59+s11+$0x0] =	vst.idx.add.f32.msk $0xffff, v50  }
0x1e7: {  	p0 =	slt.s32 s15, s7;
	s15 =	sadd.s32 $0x6, s17;
	v30 =	vsub.s32 v30, v0;
	vm2 =	vgt.f32 v55, $0.0e+00;
	v59 =	vmul.f32 $2.000000030e-01, v55;
	[tilespmem:v61+s11+$0x0] =	vst.idx.add.f32.msk $0xffff, v51  }
0x1e8: {  	v48 =	vadd.s32 v13, v22;
	v50 =	vor.u32 s15, v20;
	v61 =	vshll.u32 v60, $0x4;
	v39 =	vld [tilespmem:s24+$0x50]  }
0x1e9: {  	v49 =	vld [tilespmem:s25+$0x30];
	v28 =	vsel vm2, v55, v59;
	vm2 =	vmmov vm0;
	v63 =	vor.u32 $0x4, v61  }
0x1ea: {  	[tilespmem:v53+s11+$0x0] =	vst.idx.add.f32.msk $0xffff, v58;
	v53 =	vor.u32 $0x5, v61;
	vm2 =	vmneg @p0 vm2;
	v28 =	vmul.f32 $1.442695020e+00, v28  }
0x1eb: {  	[tilespmem:v54+s11+$0x0] =	vst.idx.add.f32.msk $0xffff, v32;
	v54 =	vor.u32 $0x6, v61;
	v55 =	vor.u32 $0x7, v61;
	vm2 =	vmand vm2, vm1;
	v46 =	vpop (erf)  }
0x1ec: {  	[tilespmem:v62+s11+$0x0] =	vst.idx.add.f32.msk $0xffff, v27;
	(erf) = vpow2.f32 v28;
	v36 =	vnsel vm2, $0x0, v46;
	vm2 =	vgt.s32 v30, $0x0  }
0x1ed: {  	v27 =	vunpack.i.l.bf16.f32 v47;
	v57 =	vld.idx.msk [tilespmem:v50+s13+$0x0], $0xffff;
	v45 =	vunpack.i.l.bf16.f32 v39;
	[tilespmem:s16+$0x10] =	vst v36;
	v52 =	vnsel vm2, $0x0, v30  }
0x1ee: {  	v56 =	vadd.f32 v49, v27;
	v35 =	vmul.f32 v45, v31;
	v41 =	vld [tilespmem:s24+$0x90];
	v28 =	vmin.u32 v52, $0x13F  }
0x1ef: {  	v51 =	vadd.s32 v14, v22;
	v34 =	vor.u32 v2, v61;
	v42 =	vld.idx.msk [tilespmem:v63+s30+$0x0], $0xffff;
	v28 =	vmul.u32 $0x120, v28  }
0x1f0: {  	v61 =	vmov s15;
	v60 =	vmul.f32 $2.000000030e-01, v56;
	v44 =	vunpack.i.u.bf16.f32 v39;
	[tilespmem:v48+s11+$0x0] =	vst.idx.add.f32.msk $0xffff, v35  }
0x1f1: {  	s15 =	sadd.s32 $0x6, s14;
	v31 =	vmul.f32 v44, v31;
	vm2 =	vgt.f32 v56, $0.0e+00;
	v39 =	vld.idx.msk [tilespmem:v53+s30+$0x0], $0xffff;
	v59 =	vor.u32 v3, v28  }
0x1f2: {  	p0 =	slt.s32 s15, s7;
	v37 =	vld.idx.msk [tilespmem:v54+s30+$0x0], $0xffff;
	v33 =	vsel vm2, v56, v60;
	vm2 =	vmmov vm0;
	v63 =	vshll.u32 v61, $0x4  }
0x1f3: {  	v29 =	vld.idx.msk [tilespmem:v55+s30+$0x0], $0xffff;
	v46 =	vsub.s32 v57, v0;
	vm2 =	vmneg @p0 vm2;
	v58 =	vunpack.i.l.bf16.f32 v41  }
0x1f4: {  	s15 =	sadd.s32 $0x7, s17;
	[tilespmem:v51+s11+$0x0] =	vst.idx.add.f32.msk $0xffff, v31;
	v45 =	vor.u32 $0x4, v63;
	v33 =	vmul.f32 $1.442695020e+00, v33;
	v31 =	vmul.f32 v58, v42  }
0x1f5: {  	v30 =	vld.idx.msk [tilespmem:v34+s30+$0x0], $0xffff;
	v48 =	vor.u32 s15, v20;
	vm2 =	vmand vm2, vm1;
	v62 =	vor.u32 v4, v28;
	v47 =	vpop (erf)  }
0x1f6: {  	(erf) = vpow2.f32 v33;
	v49 =	vnsel vm2, $0x0, v47;
	vm2 =	vgt.s32 v46, $0x0;
	[tilespmem:v59+s11+$0x0] =	vst.idx.add.f32.msk $0xffff, v31  }
0x1f7: {  	v51 =	vor.u32 $0x5, v63;
	v50 =	vnsel vm2, $0x0, v46;
	[tilespmem:s16+$0x20] =	vst v49  }
0x1f8: {  	v53 =	vor.u32 $0x6, v63;
	v52 =	vunpack.i.u.bf16.f32 v41;
	v33 =	vmin.u32 v50, $0x13F;
	v54 =	vld [tilespmem:s24+$0x120]  }
0x1f9: {  	v55 =	vor.u32 $0x7, v63;
	v41 =	vmul.f32 v52, v42;
	v44 =	vld.idx.msk [tilespmem:v45+s30+$0x0], $0xffff;
	v31 =	vmul.u32 $0x120, v33  }
0x1fa: {  	v56 =	vor.u32 v2, v63;
	v43 =	vld.idx.msk [tilespmem:v48+s13+$0x0], $0xffff  }
0x1fb: {  	[tilespmem:v62+s11+$0x0] =	vst.idx.add.f32.msk $0xffff, v41;
	v57 =	vor.u32 v3, v31  }
0x1fc: {  	s14 =	sadd.s32 $0x7, s14;
	v58 =	vmov s15;
	v41 =	vld.idx.msk [tilespmem:v51+s30+$0x0], $0xffff  }
0x1fd: {  	p0 =	slt.s32 s14, s7;
	v60 =	vshll.u32 v58, $0x4;
	vm2 =	vmmov vm0;
	v38 =	vld.idx.msk [tilespmem:v53+s30+$0x0], $0xffff;
	v59 =	vunpack.i.l.bf16.f32 v54  }
0x1fe: {  	v32 =	vld.idx.msk [tilespmem:v55+s30+$0x0], $0xffff;
	vm2 =	vmneg @p0 vm2;
	v62 =	vor.u32 $0x4, v60;
	v61 =	vmul.f32 v59, v44  }
0x1ff: {  	v33 =	vld.idx.msk [tilespmem:v56+s30+$0x0], $0xffff;
	v43 =	vsub.s32 v43, v0;
	vm2 =	vmand vm2, vm1;
	v63 =	vor.u32 v4, v31;
	v51 =	vpop (erf)  }
0x200: {  	v56 =	vor.u32 $0x6, v60;
	v52 =	vnsel vm2, $0x0, v51;
	vm2 =	vgt.s32 v43, $0x0;
	[tilespmem:v57+s11+$0x0] =	vst.idx.add.f32.msk $0xffff, v61  }
0x201: {  	v58 =	vor.u32 $0x7, v60;
	v47 =	vld [tilespmem:s24+$0xA0];
	v36 =	vunpack.i.u.bf16.f32 v54;
	v53 =	vnsel vm2, $0x0, v43;
	[tilespmem:s16+$0x30] =	vst v52  }
0x202: {  	v36 =	vmul.f32 v36, v44;
	v55 =	vmin.u32 v53, $0x13F;
	v57 =	vld [tilespmem:s24+$0x1B0]  }
0x203: {  	v54 =	vor.u32 $0x5, v60;
	v49 =	vld.idx.msk [tilespmem:v62+s30+$0x0], $0xffff;
	v34 =	vmul.u32 $0x120, v55  }
0x204: {  	v59 =	vor.u32 v2, v60;
	[tilespmem:v63+s11+$0x0] =	vst.idx.add.f32.msk $0xffff, v36  }
0x205: {  	v40 =	vld.idx.msk [tilespmem:v56+s30+$0x0], $0xffff;
	v60 =	vor.u32 v3, v34  }
0x206: {  	v35 =	vld.idx.msk [tilespmem:v58+s30+$0x0], $0xffff;
	v61 =	vor.u32 v4, v34  }
0x207: {  	v45 =	vld [tilespmem:s24+$0x130];
	v62 =	vunpack.i.l.bf16.f32 v57  }
0x208: {  	v43 =	vld.idx.msk [tilespmem:v54+s30+$0x0], $0xffff;
	v48 =	vunpack.i.u.bf16.f32 v57;
	v51 =	vmul.f32 v62, v49  }
0x209: {  	v63 =	vadd.s32 v5, v28;
	v36 =	vld.idx.msk [tilespmem:v59+s30+$0x0], $0xffff;
	v48 =	vmul.f32 v48, v49  }
0x20a: {  	v57 =	vadd.s32 v6, v28;
	[tilespmem:v60+s11+$0x0] =	vst.idx.add.f32.msk $0xffff, v51  }
0x20b: {  	v56 =	vunpack.i.l.bf16.f32 v47;
	[tilespmem:v61+s11+$0x0] =	vst.idx.add.f32.msk $0xffff, v48  }
0x20c: {  	v47 =	vunpack.i.u.bf16.f32 v47;
	v58 =	vadd.s32 v5, v31;
	v46 =	vmul.f32 v56, v42;
	v50 =	vld [tilespmem:s24+$0x1C0]  }
0x20d: {  	v42 =	vmul.f32 v47, v42;
	v47 =	vld [tilespmem:s24+$0x60];
	v59 =	vadd.s32 v6, v31  }
0x20e: {  	[tilespmem:v63+s11+$0x0] =	vst.idx.add.f32.msk $0xffff, v46;
	v60 =	vunpack.i.l.bf16.f32 v45  }
0x20f: {  	v63 =	vadd.s32 v5, v34;
	v61 =	vunpack.i.u.bf16.f32 v45;
	v62 =	vmul.f32 v60, v44;
	[tilespmem:v57+s11+$0x0] =	vst.idx.add.f32.msk $0xffff, v42  }
0x210: {  	v42 =	vmul.f32 v61, v44;
	v57 =	vadd.s32 v6, v34;
	v56 =	vld [tilespmem:s24+$0xB0]  }
0x211: {  	[tilespmem:v58+s11+$0x0] =	vst.idx.add.f32.msk $0xffff, v62;
	v58 =	vunpack.i.l.bf16.f32 v50  }
0x212: {  	v48 =	vadd.s32 v15, v22;
	[tilespmem:v59+s11+$0x0] =	vst.idx.add.f32.msk $0xffff, v42;
	v59 =	vunpack.i.u.bf16.f32 v50;
	v45 =	vmul.f32 v58, v49  }
0x213: {  	v46 =	vadd.s32 v7, v28;
	v50 =	vld [tilespmem:s24+$0x140];
	v42 =	vmul.f32 v59, v49  }
0x214: {  	v60 =	vunpack.i.l.bf16.f32 v47;
	v61 =	vadd.s32 v8, v28;
	[tilespmem:v63+s11+$0x0] =	vst.idx.add.f32.msk $0xffff, v45  }
0x215: {  	v49 =	vmul.f32 v60, v24;
	v62 =	vunpack.i.l.bf16.f32 v56;
	[tilespmem:v57+s11+$0x0] =	vst.idx.add.f32.msk $0xffff, v42  }
0x216: {  	v63 =	vunpack.i.u.bf16.f32 v56;
	v56 =	vmul.f32 v62, v39;
	v57 =	vadd.s32 v7, v31;
	v58 =	vld [tilespmem:s24+$0x1D0]  }
0x217: {  	v59 =	vadd.s32 v8, v31;
	[tilespmem:v48+s11+$0x0] =	vst.idx.add.f32.msk $0xffff, v49;
	v42 =	vmul.f32 v63, v39  }
0x218: {  	[tilespmem:v46+s11+$0x0] =	vst.idx.add.f32.msk $0xffff, v56;
	v60 =	vunpack.i.l.bf16.f32 v50  }
0x219: {  	v62 =	vadd.s32 v7, v34;
	[tilespmem:v61+s11+$0x0] =	vst.idx.add.f32.msk $0xffff, v42;
	v61 =	vunpack.i.u.bf16.f32 v50;
	v44 =	vmul.f32 v60, v41  }
0x21a: {  	v63 =	vadd.s32 v8, v34;
	v46 =	vld [tilespmem:s24+$0xC0];
	v42 =	vmul.f32 v61, v41  }
0x21b: {  	[tilespmem:v57+s11+$0x0] =	vst.idx.add.f32.msk $0xffff, v44;
	v53 =	vunpack.i.l.bf16.f32 v58  }
0x21c: {  	v54 =	vadd.s32 v16, v22;
	[tilespmem:v59+s11+$0x0] =	vst.idx.add.f32.msk $0xffff, v42;
	v55 =	vunpack.i.u.bf16.f32 v58;
	v44 =	vmul.f32 v53, v43  }
0x21d: {  	v56 =	vadd.s32 v9, v28;
	v51 =	vld [tilespmem:s24+$0x150];
	v42 =	vmul.f32 v55, v43  }
0x21e: {  	v47 =	vunpack.i.u.bf16.f32 v47;
	v57 =	vadd.s32 v10, v28;
	[tilespmem:v62+s11+$0x0] =	vst.idx.add.f32.msk $0xffff, v44  }
0x21f: {  	v58 =	vmul.f32 v47, v24;
	v59 =	vunpack.i.l.bf16.f32 v46;
	[tilespmem:v63+s11+$0x0] =	vst.idx.add.f32.msk $0xffff, v42  }
0x220: {  	v60 =	vunpack.i.u.bf16.f32 v46;
	v61 =	vmul.f32 v59, v39;
	v62 =	vadd.s32 v9, v31;
	v49 =	vld [tilespmem:s24+$0x1E0]  }
0x221: {  	[tilespmem:v54+s11+$0x0] =	vst.idx.add.f32.msk $0xffff, v58;
	v39 =	vmul.f32 v60, v39;
	v63 =	vadd.s32 v10, v31  }
0x222: {  	[tilespmem:v56+s11+$0x0] =	vst.idx.add.f32.msk $0xffff, v61;
	v50 =	vunpack.i.l.bf16.f32 v51  }
0x223: {  	v54 =	vadd.s32 v9, v34;
	[tilespmem:v57+s11+$0x0] =	vst.idx.add.f32.msk $0xffff, v39;
	v52 =	vunpack.i.u.bf16.f32 v51;
	v53 =	vmul.f32 v50, v41  }
0x224: {  	v55 =	vadd.s32 v10, v34;
	v46 =	vld [tilespmem:s24+$0xD0];
	v39 =	vmul.f32 v52, v41  }
0x225: {  	[tilespmem:v62+s11+$0x0] =	vst.idx.add.f32.msk $0xffff, v53;
	v56 =	vunpack.i.l.bf16.f32 v49  }
0x226: {  	[tilespmem:v63+s11+$0x0] =	vst.idx.add.f32.msk $0xffff, v39;
	v57 =	vunpack.i.u.bf16.f32 v49;
	v58 =	vmul.f32 v56, v43  }
0x227: {  	v59 =	vadd.s32 v11, v28;
	v47 =	vld [tilespmem:s24+$0x160];
	v39 =	vmul.f32 v57, v43  }
0x228: {  	v60 =	vadd.s32 v12, v28;
	[tilespmem:v54+s11+$0x0] =	vst.idx.add.f32.msk $0xffff, v58  }
0x229: {  	v61 =	vunpack.i.l.bf16.f32 v46;
	[tilespmem:v55+s11+$0x0] =	vst.idx.add.f32.msk $0xffff, v39  }
0x22a: {  	v52 =	vadd.s32 v11, v31;
	v62 =	vunpack.i.u.bf16.f32 v46;
	v63 =	vmul.f32 v61, v37;
	v45 =	vld [tilespmem:s24+$0x1F0]  }
0x22b: {  	v53 =	vadd.s32 v12, v31;
	v46 =	vld [tilespmem:s24+$0x70];
	v39 =	vmul.f32 v62, v37  }
0x22c: {  	[tilespmem:v59+s11+$0x0] =	vst.idx.add.f32.msk $0xffff, v63;
	v54 =	vunpack.i.l.bf16.f32 v47  }
0x22d: {  	v56 =	vadd.s32 v11, v34;
	[tilespmem:v60+s11+$0x0] =	vst.idx.add.f32.msk $0xffff, v39;
	v55 =	vunpack.i.u.bf16.f32 v47;
	v41 =	vmul.f32 v54, v38  }
0x22e: {  	v57 =	vadd.s32 v12, v34;
	v44 =	vld [tilespmem:s24+$0xE0];
	v39 =	vmul.f32 v55, v38  }
0x22f: {  	[tilespmem:v52+s11+$0x0] =	vst.idx.add.f32.msk $0xffff, v41;
	v58 =	vunpack.i.l.bf16.f32 v45  }
0x230: {  	v59 =	vadd.s32 v17, v22;
	[tilespmem:v53+s11+$0x0] =	vst.idx.add.f32.msk $0xffff, v39;
	v60 =	vunpack.i.u.bf16.f32 v45;
	v41 =	vmul.f32 v58, v40  }
0x231: {  	v61 =	vadd.s32 v13, v28;
	v48 =	vld [tilespmem:s24+$0x170];
	v39 =	vmul.f32 v60, v40  }
0x232: {  	v63 =	vadd.s32 v14, v28;
	v62 =	vunpack.i.l.bf16.f32 v46;
	[tilespmem:v56+s11+$0x0] =	vst.idx.add.f32.msk $0xffff, v41  }
0x233: {  	v52 =	vmul.f32 v62, v24;
	v53 =	vunpack.i.l.bf16.f32 v44;
	[tilespmem:v57+s11+$0x0] =	vst.idx.add.f32.msk $0xffff, v39  }
0x234: {  	v54 =	vunpack.i.u.bf16.f32 v44;
	v55 =	vmul.f32 v53, v37;
	v56 =	vadd.s32 v13, v31;
	v57 =	vld [tilespmem:s24+$0x200]  }
0x235: {  	[tilespmem:v59+s11+$0x0] =	vst.idx.add.f32.msk $0xffff, v52;
	v58 =	vadd.s32 v14, v31;
	v37 =	vmul.f32 v54, v37  }
0x236: {  	[tilespmem:v61+s11+$0x0] =	vst.idx.add.f32.msk $0xffff, v55;
	v59 =	vunpack.i.l.bf16.f32 v48  }
0x237: {  	v62 =	vadd.s32 v13, v34;
	[tilespmem:v63+s11+$0x0] =	vst.idx.add.f32.msk $0xffff, v37;
	v60 =	vunpack.i.u.bf16.f32 v48;
	v61 =	vmul.f32 v59, v38  }
0x238: {  	v48 =	vadd.s32 v14, v34;
	v63 =	vld [tilespmem:s24+$0xF0];
	v37 =	vmul.f32 v60, v38  }
0x239: {  	[tilespmem:v56+s11+$0x0] =	vst.idx.add.f32.msk $0xffff, v61;
	v50 =	vunpack.i.l.bf16.f32 v57  }
0x23a: {  	v51 =	vadd.s32 v18, v22;
	[tilespmem:v58+s11+$0x0] =	vst.idx.add.f32.msk $0xffff, v37;
	v52 =	vunpack.i.u.bf16.f32 v57;
	v41 =	vmul.f32 v50, v40  }
0x23b: {  	v53 =	vadd.s32 v15, v28;
	v39 =	vmul.f32 v52, v40;
	v54 =	vld [tilespmem:s24+$0x180]  }
0x23c: {  	v55 =	vunpack.i.u.bf16.f32 v46;
	v56 =	vadd.s32 v16, v28;
	[tilespmem:v62+s11+$0x0] =	vst.idx.add.f32.msk $0xffff, v41  }
0x23d: {  	v24 =	vmul.f32 v55, v24;
	v57 =	vunpack.i.l.bf16.f32 v63;
	[tilespmem:v48+s11+$0x0] =	vst.idx.add.f32.msk $0xffff, v39  }
0x23e: {  	v60 =	vadd.s32 v15, v31;
	v58 =	vunpack.i.u.bf16.f32 v63;
	v59 =	vmul.f32 v57, v29;
	v61 =	vld [tilespmem:s24+$0x210]  }
0x23f: {  	[tilespmem:v51+s11+$0x0] =	vst.idx.add.f32.msk $0xffff, v24;
	v63 =	vadd.s32 v16, v31;
	v62 =	vmul.f32 v58, v29  }
0x240: {  	[tilespmem:v53+s11+$0x0] =	vst.idx.add.f32.msk $0xffff, v59;
	v45 =	vunpack.i.l.bf16.f32 v54  }
0x241: {  	v47 =	vadd.s32 v15, v34;
	[tilespmem:v56+s11+$0x0] =	vst.idx.add.f32.msk $0xffff, v62;
	v46 =	vunpack.i.u.bf16.f32 v54;
	v38 =	vmul.f32 v45, v32  }
0x242: {  	v49 =	vadd.s32 v16, v34;
	v48 =	vld [tilespmem:s24+$0x100];
	v24 =	vmul.f32 v46, v32  }
0x243: {  	[tilespmem:v60+s11+$0x0] =	vst.idx.add.f32.msk $0xffff, v38;
	v50 =	vunpack.i.l.bf16.f32 v61  }
0x244: {  	v22 =	vadd.s32 v19, v22;
	[tilespmem:v63+s11+$0x0] =	vst.idx.add.f32.msk $0xffff, v24;
	v51 =	vunpack.i.u.bf16.f32 v61;
	v52 =	vmul.f32 v50, v35  }
0x245: {  	v53 =	vadd.s32 v17, v28;
	v41 =	vld [tilespmem:s24+$0x190];
	v24 =	vmul.f32 v51, v35  }
0x246: {  	v54 =	vadd.s32 v18, v28;
	[tilespmem:v47+s11+$0x0] =	vst.idx.add.f32.msk $0xffff, v52  }
0x247: {  	v21 =	vmul.f32 v23, v21;
	v28 =	vadd.s32 v19, v28;
	v23 =	vunpack.i.l.bf16.f32 v48;
	[tilespmem:v49+s11+$0x0] =	vst.idx.add.f32.msk $0xffff, v24  }
0x248: {  	v56 =	vadd.s32 v17, v31;
	v55 =	vunpack.i.u.bf16.f32 v48;
	v23 =	vmul.f32 v23, v29;
	v57 =	vld [tilespmem:s24+$0x220]  }
0x249: {  	[tilespmem:v22+s11+$0x0] =	vst.idx.add.f32.msk $0xffff, v21;
	v22 =	vadd.s32 v18, v31;
	v21 =	vmul.f32 v55, v29  }
0x24a: {  	v59 =	vadd.s32 v19, v31;
	[tilespmem:v53+s11+$0x0] =	vst.idx.add.f32.msk $0xffff, v23;
	v23 =	vmul.f32 v30, v25;
	v58 =	vunpack.i.l.bf16.f32 v41  }
0x24b: {  	v60 =	vadd.s32 v17, v34;
	[tilespmem:v54+s11+$0x0] =	vst.idx.add.f32.msk $0xffff, v21;
	v21 =	vunpack.i.u.bf16.f32 v41;
	v24 =	vmul.f32 v58, v32  }
0x24c: {  	[tilespmem:v28+s11+$0x0] =	vst.idx.add.f32.msk $0xffff, v23;
	v21 =	vmul.f32 v21, v32;
	v23 =	vadd.s32 v18, v34  }
0x24d: {  	p0 =	slt.u32 s17, $0x18;
	v61 =	vmul.f32 v33, v26;
	v63 =	vadd.s32 v19, v34;
	[tilespmem:v56+s11+$0x0] =	vst.idx.add.f32.msk $0xffff, v24;
	v62 =	vunpack.i.l.bf16.f32 v57  }
.Ltmp6:
0x24e: {  	[tilespmem:v22+s11+$0x0] =	vst.idx.add.f32.msk $0xffff, v21;
	v21 =	vunpack.i.u.bf16.f32 v57;
	v22 =	vmul.f32 v62, v35;
	(pc) =	sbr.rel @p0 .LBB2_10-.Ltmp6, $4  }
0x24f: {  	[tilespmem:v59+s11+$0x0] =	vst.idx.add.f32.msk $0xffff, v61;
	v21 =	vmul.f32 v21, v35  }
0x250: {  	[tilespmem:v60+s11+$0x0] =	vst.idx.add.f32.msk $0xffff, v22;
	v22 =	vmul.f32 v36, v27  }
0x251: {  	s25 =	sadd.s32 $0x80, s25;
	[tilespmem:v23+s11+$0x0] =	vst.idx.add.f32.msk $0xffff, v21  }
0x252: {  	s17 =	sadd.s32 $0x8, s17;
	s16 =	sadd.s32 $0x80, s16;
	s24 =	sadd.s32 $0x480, s24;
	[tilespmem:v63+s11+$0x0] =	vst.idx.add.f32.msk $0xffff, v22  }
0x253: {  	s9 =	sadd.s32 $0x40, s26  }
0x254: {  	p0 =	slt.s32 s9, $0x1660  }
0x255: {  	s14 =	simm.s32 $0x4C40;
	s9 =	simm.s32 @!p0 $0x1660  }
0x256: {  	[tilespmem:s14], [sflag:$0x1] =	stream.indirect.gather [hbm4b:s4+s23], $0x90, s9, s23, $0xb8;
	[tilespmem:$0x1DE40] =	vst v63  }
0x257: {  	s26 =	simm.s32 $0x7040;
	s9 =	sadd.s32 $0x1680, s9  }
0x258: {  	[tilespmem:s26], [sflag:$0x3] =	stream.indirect.gather [hbm4b:s5+s23], $0x10, s9, s23, $0xb8;
	[tilespmem:$0x1DE40] =	vst v63  }
0x259: {  	_ =	swait.ge [sflag:s31], $0x1200  }
0x25a: {  	[sflag:s31] =	ssyncset.done $0x0  }
0x25b: {  	[sflag:s31] =	ssyncadd.s32 $0xFFFFEE00  }
0x25c: {  	_ =	swait.ge [sflag:s0], $0x200  }
0x25d: {  	v20 =	vmov s1;
	s1 =	simm.s32 $0x6080;
	s16 =	simm.s32 $0x7280;
	[sflag:s0] =	ssyncset.done $0x0  }
0x25e: {  	s17 =	simm.s32 $0x7480;
	s9 =	simm.s32 $0x0;
	[sflag:s0] =	ssyncadd.s32 $0xFFFFFE00  }
.LBB2_12:
0x25f: {  	v21 =	vld [tilespmem:s1+$0xFFFFFE40]  }
0x260: {  	v23 =	vld [tilespmem:s16+$0xFFFFFFC0];
	_ =	sdelay $0x3  }
0x261: {  	v22 =	vunpack.i.l.bf16.f32 v21  }
0x262: {  	v21 =	vadd.f32 v23, v22;
	_ =	sdelay $0x1  }
0x263: {  	v23 =	vmul.f32 $2.000000030e-01, v21  }
0x264: {  	vm2 =	vgt.f32 v21, $0.0e+00  }
0x265: {  	v21 =	vsel vm2, v21, v23  }
0x266: {  	v21 =	vmul.f32 $1.442695020e+00, v21  }
0x267: {  	v23 =	vor.u32 s9, v20  }
0x268: {  	(erf) = vpow2.f32 v21;
	_ =	sdelay $0x3  }
0x269: {  	v21 =	vld.idx.msk [tilespmem:v23+s13+$0x0], $0xffff;
	_ =	sdelay $0x1  }
0x26a: {  	s14 =	sadd.s32 s9, s10;
	v23 =	vmov s9  }
0x26b: {  	p0 =	slt.s32 s14, s7;
	vm2 =	vmmov vm0;
	v24 =	vshll.u32 v23, $0x4  }
0x26c: {  	vm2 =	vmneg @p0 vm2;
	v23 =	vor.u32 $0x4, v24  }
0x26d: {  	vm2 =	vmand vm2, vm1;
	v21 =	vsub.s32 v21, v0;
	v25 =	vpop (erf)  }
0x26e: {  	v32 =	vld [tilespmem:s1+$0xFFFFFED0];
	v25 =	vnsel vm2, $0x0, v25;
	vm2 =	vgt.s32 v21, $0x0  }
0x26f: {  	v34 =	vld [tilespmem:s16+$0xFFFFFFD0];
	v26 =	vor.u32 $0x5, v24;
	v21 =	vnsel vm2, $0x0, v21;
	[tilespmem:s17+$0xFFFFFFC0] =	vst v25  }
0x270: {  	v27 =	vor.u32 $0x6, v24;
	v21 =	vmin.u32 v21, $0x13F;
	v28 =	vld [tilespmem:s1+$0xFFFFFDC0]  }
0x271: {  	v44 =	vor.u32 $0x7, v24;
	v29 =	vld.idx.msk [tilespmem:v23+s30+$0x0], $0xffff;
	v23 =	vmul.u32 $0x120, v21  }
0x272: {  	v21 =	vor.u32 v2, v24  }
0x273: {  	v25 =	vunpack.i.l.bf16.f32 v32;
	v30 =	vor.u32 v3, v23  }
0x274: {  	v26 =	vld.idx.msk [tilespmem:v26+s30+$0x0], $0xffff;
	v46 =	vadd.f32 v34, v25;
	v45 =	vor.u32 v4, v23  }
0x275: {  	v27 =	vld.idx.msk [tilespmem:v27+s30+$0x0], $0xffff;
	v31 =	vunpack.i.l.bf16.f32 v28  }
0x276: {  	v24 =	vld.idx.msk [tilespmem:v44+s30+$0x0], $0xffff;
	v48 =	vmul.f32 $2.000000030e-01, v46;
	v28 =	vunpack.i.u.bf16.f32 v28;
	v33 =	vmul.f32 v31, v29  }
0x277: {  	vm2 =	vgt.f32 v46, $0.0e+00;
	v31 =	vld.idx.msk [tilespmem:v21+s30+$0x0], $0xffff;
	v21 =	vmul.f32 v28, v29  }
0x278: {  	v28 =	vsel vm2, v46, v48;
	[tilespmem:v30+s11+$0x0] =	vst.idx.add.f32.msk $0xffff, v33  }
0x279: {  	v28 =	vmul.f32 $1.442695020e+00, v28;
	[tilespmem:v45+s11+$0x0] =	vst.idx.add.f32.msk $0xffff, v21  }
0x27a: {  	s15 =	sadd.s32 $0x1, s9;
	v21 =	vld [tilespmem:s1+$0xFFFFFDD0]  }
0x27b: {  	v52 =	vor.u32 s15, v20;
	(erf) = vpow2.f32 v28;
	_ =	sdelay $0x1  }
0x27c: {  	v47 =	vadd.s32 v5, v23  }
0x27d: {  	v49 =	vadd.s32 v6, v23  }
0x27e: {  	v50 =	vunpack.i.l.bf16.f32 v21  }
0x27f: {  	v53 =	vld.idx.msk [tilespmem:v52+s13+$0x0], $0xffff;
	v21 =	vunpack.i.u.bf16.f32 v21;
	v51 =	vmul.f32 v50, v29  }
0x280: {  	v55 =	vmov s15;
	s24 =	sadd.s32 $0x1, s14;
	v21 =	vmul.f32 v21, v29  }
0x281: {  	p0 =	slt.s32 s24, s7;
	vm2 =	vmmov vm0;
	v30 =	vshll.u32 v55, $0x4;
	[tilespmem:v47+s11+$0x0] =	vst.idx.add.f32.msk $0xffff, v51  }
0x282: {  	vm2 =	vmneg @p0 vm2;
	v57 =	vor.u32 $0x4, v30;
	[tilespmem:v49+s11+$0x0] =	vst.idx.add.f32.msk $0xffff, v21  }
0x283: {  	vm2 =	vmand vm2, vm1;
	v60 =	vor.u32 $0x5, v30;
	v35 =	vpop (erf);
	v21 =	vld [tilespmem:s1+$0xFFFFFDE0]  }
0x284: {  	v28 =	vsub.s32 v53, v0;
	v36 =	vor.u32 $0x7, v30;
	v59 =	vnsel vm2, $0x0, v35  }
0x285: {  	v63 =	vor.u32 v2, v30;
	vm2 =	vgt.s32 v28, $0x0;
	[tilespmem:s17+$0xFFFFFFD0] =	vst v59  }
0x286: {  	v54 =	vadd.s32 v7, v23;
	v28 =	vnsel vm2, $0x0, v28;
	v62 =	vld [tilespmem:s1+$0xFFFFFE50]  }
0x287: {  	v58 =	vadd.s32 v8, v23;
	v28 =	vmin.u32 v28, $0x13F;
	v33 =	vld.idx.msk [tilespmem:v57+s30+$0x0], $0xffff  }
0x288: {  	v61 =	vor.u32 $0x6, v30;
	v39 =	vld.idx.msk [tilespmem:v60+s30+$0x0], $0xffff;
	v28 =	vmul.u32 $0x120, v28;
	v56 =	vunpack.i.l.bf16.f32 v21  }
0x289: {  	v30 =	vld.idx.msk [tilespmem:v36+s30+$0x0], $0xffff;
	v21 =	vunpack.i.u.bf16.f32 v21;
	v32 =	vmul.f32 v56, v26  }
0x28a: {  	v29 =	vld.idx.msk [tilespmem:v63+s30+$0x0], $0xffff;
	v38 =	vor.u32 v3, v28;
	v21 =	vmul.f32 v21, v26  }
0x28b: {  	v40 =	vor.u32 v4, v28;
	[tilespmem:v54+s11+$0x0] =	vst.idx.add.f32.msk $0xffff, v32  }
0x28c: {  	v44 =	vunpack.i.l.bf16.f32 v62;
	[tilespmem:v58+s11+$0x0] =	vst.idx.add.f32.msk $0xffff, v21  }
0x28d: {  	v45 =	vunpack.i.u.bf16.f32 v62;
	v46 =	vmul.f32 v44, v33;
	v21 =	vld.idx.msk [tilespmem:v61+s30+$0x0], $0xffff  }
0x28e: {  	v32 =	vmul.f32 v45, v33;
	v37 =	vld [tilespmem:s1+$0xFFFFFDF0]  }
0x28f: {  	[tilespmem:v38+s11+$0x0] =	vst.idx.add.f32.msk $0xffff, v46  }
0x290: {  	[tilespmem:v40+s11+$0x0] =	vst.idx.add.f32.msk $0xffff, v32  }
0x291: {  	v47 =	vadd.s32 v9, v23;
	v48 =	vld [tilespmem:s1+$0xFFFFFE60]  }
0x292: {  	v49 =	vadd.s32 v10, v23  }
0x293: {  	v50 =	vunpack.i.l.bf16.f32 v37  }
0x294: {  	v51 =	vadd.s32 v5, v28;
	v37 =	vunpack.i.u.bf16.f32 v37;
	v36 =	vmul.f32 v50, v26  }
0x295: {  	v52 =	vadd.s32 v6, v28;
	v26 =	vmul.f32 v37, v26  }
0x296: {  	v53 =	vunpack.i.l.bf16.f32 v48;
	[tilespmem:v47+s11+$0x0] =	vst.idx.add.f32.msk $0xffff, v36  }
0x297: {  	v54 =	vunpack.i.u.bf16.f32 v48;
	v32 =	vmul.f32 v53, v33;
	[tilespmem:v49+s11+$0x0] =	vst.idx.add.f32.msk $0xffff, v26  }
0x298: {  	v26 =	vmul.f32 v54, v33;
	v55 =	vld [tilespmem:s1+$0xFFFFFE00]  }
0x299: {  	[tilespmem:v51+s11+$0x0] =	vst.idx.add.f32.msk $0xffff, v32  }
0x29a: {  	[tilespmem:v52+s11+$0x0] =	vst.idx.add.f32.msk $0xffff, v26  }
0x29b: {  	v56 =	vadd.s32 v11, v23;
	v32 =	vld [tilespmem:s1+$0xFFFFFE70]  }
0x29c: {  	v57 =	vadd.s32 v12, v23  }
0x29d: {  	v58 =	vunpack.i.l.bf16.f32 v55  }
0x29e: {  	v59 =	vadd.s32 v7, v28;
	v62 =	vld [tilespmem:s1+$0xFFFFFF60];
	v34 =	vunpack.i.u.bf16.f32 v55;
	v35 =	vmul.f32 v58, v27  }
0x29f: {  	v60 =	vadd.s32 v8, v28;
	v40 =	vld [tilespmem:s16+$0xFFFFFFE0];
	v34 =	vmul.f32 v34, v27  }
0x2a0: {  	v61 =	vunpack.i.l.bf16.f32 v32;
	[tilespmem:v56+s11+$0x0] =	vst.idx.add.f32.msk $0xffff, v35  }
0x2a1: {  	v32 =	vunpack.i.u.bf16.f32 v32;
	v26 =	vmul.f32 v61, v39;
	[tilespmem:v57+s11+$0x0] =	vst.idx.add.f32.msk $0xffff, v34  }
0x2a2: {  	v32 =	vmul.f32 v32, v39;
	v33 =	vld [tilespmem:s1+$0xFFFFFE10]  }
0x2a3: {  	[tilespmem:v59+s11+$0x0] =	vst.idx.add.f32.msk $0xffff, v26  }
0x2a4: {  	v26 =	vunpack.i.l.bf16.f32 v62;
	[tilespmem:v60+s11+$0x0] =	vst.idx.add.f32.msk $0xffff, v32  }
0x2a5: {  	v45 =	vadd.f32 v40, v26;
	v32 =	vld [tilespmem:s1+$0xFFFFFE80];
	_ =	sdelay $0x1  }
0x2a6: {  	v63 =	vadd.s32 v13, v23;
	v49 =	vmul.f32 $2.000000030e-01, v45  }
0x2a7: {  	v41 =	vadd.s32 v14, v23;
	vm2 =	vgt.f32 v45, $0.0e+00;
	v42 =	vunpack.i.l.bf16.f32 v33  }
0x2a8: {  	v52 =	vld [tilespmem:s1+$0xFFFFFFF0];
	v33 =	vunpack.i.u.bf16.f32 v33;
	v51 =	vsel vm2, v45, v49;
	v37 =	vmul.f32 v42, v27  }
0x2a9: {  	s25 =	sadd.s32 $0x2, s9;
	v53 =	vld [tilespmem:s16+$0xFFFFFFF0];
	v27 =	vmul.f32 v33, v27;
	v44 =	vunpack.i.l.bf16.f32 v32;
	v32 =	vunpack.i.u.bf16.f32 v32  }
0x2aa: {  	v54 =	vor.u32 s25, v20;
	v50 =	vmul.f32 v32, v39;
	v32 =	vmul.f32 $1.442695020e+00, v51  }
0x2ab: {  	v43 =	vadd.s32 v9, v28;
	[tilespmem:v63+s11+$0x0] =	vst.idx.add.f32.msk $0xffff, v37  }
0x2ac: {  	v47 =	vadd.s32 v10, v28;
	[tilespmem:v41+s11+$0x0] =	vst.idx.add.f32.msk $0xffff, v27;
	(erf) = vpow2.f32 v32  }
0x2ad: {  	v27 =	vunpack.i.l.bf16.f32 v52;
	v48 =	vld [tilespmem:s1+$0xFFFFFE20]  }
0x2ae: {  	v46 =	vmul.f32 v44, v39;
	v36 =	vadd.f32 v53, v27  }
0x2af: {  	v58 =	vadd.s32 v15, v23;
	v61 =	vadd.s32 v11, v28;
	v33 =	vld.idx.msk [tilespmem:v54+s13+$0x0], $0xffff;
	v42 =	vmov s25  }
0x2b0: {  	v59 =	vadd.s32 v16, v23;
	v62 =	vshll.u32 v42, $0x4;
	[tilespmem:v43+s11+$0x0] =	vst.idx.add.f32.msk $0xffff, v46;
	v41 =	vmul.f32 $2.000000030e-01, v36  }
0x2b1: {  	s24 =	sadd.s32 $0x3, s9;
	v63 =	vor.u32 $0x4, v62;
	v49 =	vor.u32 $0x6, v62;
	[tilespmem:v47+s11+$0x0] =	vst.idx.add.f32.msk $0xffff, v50;
	vm2 =	vgt.f32 v36, $0.0e+00  }
0x2b2: {  	s26 =	sadd.s32 $0x2, s14;
	v46 =	vor.u32 s24, v20;
	v55 =	vld [tilespmem:s1+$0xFFFFFE90];
	v36 =	vsel vm2, v36, v41;
	v57 =	vunpack.i.l.bf16.f32 v48  }
0x2b3: {  	p0 =	slt.s32 s26, s7;
	vm2 =	vmmov vm0;
	v56 =	vunpack.i.u.bf16.f32 v48;
	v34 =	vmul.f32 v57, v24  }
0x2b4: {  	vm2 =	vmneg @p0 vm2;
	v42 =	vmul.f32 $1.442695020e+00, v36;
	v32 =	vmul.f32 v56, v24  }
0x2b5: {  	v43 =	vadd.s32 v12, v28;
	v44 =	vsub.s32 v33, v0;
	vm2 =	vmand vm2, vm1;
	[tilespmem:v58+s11+$0x0] =	vst.idx.add.f32.msk $0xffff, v34;
	v45 =	vpop (erf)  }
0x2b6: {  	[tilespmem:v59+s11+$0x0] =	vst.idx.add.f32.msk $0xffff, v32;
	(erf) = vpow2.f32 v42;
	v33 =	vnsel vm2, $0x0, v45;
	vm2 =	vgt.s32 v44, $0x0  }
0x2b7: {  	v47 =	vor.u32 $0x5, v62;
	v36 =	vld.idx.msk [tilespmem:v46+s13+$0x0], $0xffff;
	v60 =	vunpack.i.l.bf16.f32 v55;
	v32 =	vnsel vm2, $0x0, v44;
	[tilespmem:s17+$0xFFFFFFE0] =	vst v33  }
0x2b8: {  	v48 =	vunpack.i.u.bf16.f32 v55;
	v39 =	vmul.f32 v60, v21;
	v32 =	vmin.u32 v32, $0x13F;
	v50 =	vld [tilespmem:s1+$0xFFFFFEE0]  }
0x2b9: {  	v51 =	vor.u32 $0x7, v62;
	v35 =	vmul.f32 v48, v21;
	v42 =	vld.idx.msk [tilespmem:v63+s30+$0x0], $0xffff;
	v32 =	vmul.u32 $0x120, v32  }
0x2ba: {  	v41 =	vor.u32 v2, v62;
	[tilespmem:v61+s11+$0x0] =	vst.idx.add.f32.msk $0xffff, v39  }
0x2bb: {  	[tilespmem:v43+s11+$0x0] =	vst.idx.add.f32.msk $0xffff, v35;
	v52 =	vor.u32 v3, v32  }
0x2bc: {  	s25 =	sadd.s32 $0x3, s14;
	v53 =	vmov s24;
	v40 =	vld.idx.msk [tilespmem:v47+s30+$0x0], $0xffff  }
0x2bd: {  	p0 =	slt.s32 s25, s7;
	vm2 =	vmmov vm0;
	v44 =	vshll.u32 v53, $0x4;
	v38 =	vld.idx.msk [tilespmem:v49+s30+$0x0], $0xffff;
	v54 =	vunpack.i.l.bf16.f32 v50  }
0x2be: {  	v35 =	vld.idx.msk [tilespmem:v51+s30+$0x0], $0xffff;
	vm2 =	vmneg @p0 vm2;
	v56 =	vor.u32 $0x4, v44;
	v55 =	vmul.f32 v54, v42  }
0x2bf: {  	v36 =	vsub.s32 v36, v0;
	v34 =	vld.idx.msk [tilespmem:v41+s30+$0x0], $0xffff;
	vm2 =	vmand vm2, vm1;
	v57 =	vor.u32 v4, v32;
	v45 =	vpop (erf)  }
0x2c0: {  	v59 =	vor.u32 $0x5, v44;
	v58 =	vnsel vm2, $0x0, v45;
	vm2 =	vgt.s32 v36, $0x0;
	[tilespmem:v52+s11+$0x0] =	vst.idx.add.f32.msk $0xffff, v55  }
0x2c1: {  	v61 =	vor.u32 $0x6, v44;
	v39 =	vunpack.i.u.bf16.f32 v50;
	v36 =	vnsel vm2, $0x0, v36;
	[tilespmem:s17+$0xFFFFFFF0] =	vst v58  }
0x2c2: {  	v39 =	vmul.f32 v39, v42;
	v60 =	vmin.u32 v36, $0x13F;
	v46 =	vld [tilespmem:s1+$0xFFFFFF70]  }
0x2c3: {  	v62 =	vor.u32 $0x7, v44;
	v47 =	vld.idx.msk [tilespmem:v56+s30+$0x0], $0xffff;
	v33 =	vmul.u32 $0x120, v60  }
0x2c4: {  	v63 =	vor.u32 v2, v44;
	[tilespmem:v57+s11+$0x0] =	vst.idx.add.f32.msk $0xffff, v39  }
0x2c5: {  	v45 =	vld.idx.msk [tilespmem:v59+s30+$0x0], $0xffff;
	v48 =	vor.u32 v3, v33  }
0x2c6: {  	v39 =	vld.idx.msk [tilespmem:v61+s30+$0x0], $0xffff;
	v49 =	vor.u32 v4, v33  }
0x2c7: {  	v54 =	vld [tilespmem:s1+$0xFFFFFEF0];
	v55 =	vunpack.i.l.bf16.f32 v46  }
0x2c8: {  	v37 =	vld.idx.msk [tilespmem:v62+s30+$0x0], $0xffff;
	v46 =	vunpack.i.u.bf16.f32 v46;
	v50 =	vmul.f32 v55, v47  }
0x2c9: {  	v36 =	vld.idx.msk [tilespmem:v63+s30+$0x0], $0xffff;
	v56 =	vmul.f32 v46, v47  }
0x2ca: {  	v51 =	vadd.s32 v5, v32;
	[tilespmem:v48+s11+$0x0] =	vst.idx.add.f32.msk $0xffff, v50  }
0x2cb: {  	v57 =	vadd.s32 v6, v32;
	[tilespmem:v49+s11+$0x0] =	vst.idx.add.f32.msk $0xffff, v56  }
0x2cc: {  	v58 =	vunpack.i.l.bf16.f32 v54;
	v61 =	vld [tilespmem:s1+$0xFFFFFF80]  }
0x2cd: {  	v43 =	vld [tilespmem:s1+$0xFFFFFE30];
	v59 =	vunpack.i.u.bf16.f32 v54;
	v60 =	vmul.f32 v58, v42  }
0x2ce: {  	v41 =	vmul.f32 v59, v42;
	v49 =	vld [tilespmem:s1+$0xFFFFFEA0]  }
0x2cf: {  	v62 =	vadd.s32 v5, v33;
	[tilespmem:v51+s11+$0x0] =	vst.idx.add.f32.msk $0xffff, v60  }
0x2d0: {  	v63 =	vadd.s32 v6, v33;
	[tilespmem:v57+s11+$0x0] =	vst.idx.add.f32.msk $0xffff, v41  }
0x2d1: {  	v57 =	vld [tilespmem:s1+$0x80];
	v56 =	vunpack.i.l.bf16.f32 v61  }
0x2d2: {  	v52 =	vld [tilespmem:s16+$0x0];
	v58 =	vadd.s32 v17, v23;
	v48 =	vunpack.i.u.bf16.f32 v61;
	v46 =	vmul.f32 v56, v47  }
0x2d3: {  	v42 =	vld [tilespmem:s1+$0xFFFFFF00];
	v47 =	vmul.f32 v48, v47;
	v48 =	vadd.s32 v13, v28  }
0x2d4: {  	v53 =	vunpack.i.l.bf16.f32 v43;
	v60 =	vadd.s32 v14, v28;
	v61 =	vunpack.i.u.bf16.f32 v49;
	[tilespmem:v62+s11+$0x0] =	vst.idx.add.f32.msk $0xffff, v46  }
0x2d5: {  	v59 =	vmul.f32 v53, v24;
	v44 =	vmul.f32 v61, v21;
	v62 =	vunpack.i.l.bf16.f32 v49;
	[tilespmem:v63+s11+$0x0] =	vst.idx.add.f32.msk $0xffff, v47  }
0x2d6: {  	v63 =	vadd.s32 v7, v32;
	v47 =	vmul.f32 v62, v21;
	v21 =	vunpack.i.l.bf16.f32 v57;
	v53 =	vld [tilespmem:s1+$0xFFFFFF90]  }
0x2d7: {  	[tilespmem:v58+s11+$0x0] =	vst.idx.add.f32.msk $0xffff, v59;
	v57 =	vadd.s32 v8, v32;
	v58 =	vadd.f32 v52, v21  }
0x2d8: {  	v59 =	vadd.s32 v7, v33;
	v56 =	vunpack.i.l.bf16.f32 v42;
	[tilespmem:v48+s11+$0x0] =	vst.idx.add.f32.msk $0xffff, v47  }
0x2d9: {  	v42 =	vunpack.i.u.bf16.f32 v42;
	v41 =	vmul.f32 v56, v40;
	[tilespmem:v60+s11+$0x0] =	vst.idx.add.f32.msk $0xffff, v44;
	v60 =	vmul.f32 $2.000000030e-01, v58  }
0x2da: {  	v61 =	vmul.f32 v42, v40;
	v62 =	vadd.s32 v8, v33;
	vm2 =	vgt.f32 v58, $0.0e+00;
	v48 =	vld [tilespmem:s1+$0xFFFFFEB0]  }
0x2db: {  	[tilespmem:v63+s11+$0x0] =	vst.idx.add.f32.msk $0xffff, v41;
	v63 =	vadd.s32 v18, v23;
	v46 =	vsel vm2, v58, v60;
	v54 =	vunpack.i.l.bf16.f32 v53  }
0x2dc: {  	s26 =	sadd.s32 $0x4, s9;
	[tilespmem:v57+s11+$0x0] =	vst.idx.add.f32.msk $0xffff, v61;
	v55 =	vunpack.i.u.bf16.f32 v53;
	v46 =	vmul.f32 $1.442695020e+00, v46;
	v49 =	vmul.f32 v54, v45  }
0x2dd: {  	v56 =	vor.u32 s26, v20;
	v50 =	vld [tilespmem:s1+$0xFFFFFF10];
	v41 =	vmul.f32 v55, v45  }
0x2de: {  	v43 =	vunpack.i.u.bf16.f32 v43;
	v23 =	vadd.s32 v19, v23;
	(erf) = vpow2.f32 v46;
	[tilespmem:v59+s11+$0x0] =	vst.idx.add.f32.msk $0xffff, v49  }
0x2df: {  	v24 =	vmul.f32 v43, v24;
	v57 =	vadd.s32 v15, v28;
	[tilespmem:v62+s11+$0x0] =	vst.idx.add.f32.msk $0xffff, v41  }
0x2e0: {  	v22 =	vmul.f32 v31, v22;
	v58 =	vadd.s32 v16, v28;
	v42 =	vld [tilespmem:s1+$0xFFFFFFA0]  }
0x2e1: {  	v60 =	vadd.s32 v9, v32;
	vm2 =	vmmov vm0;
	v59 =	vunpack.i.l.bf16.f32 v48;
	[tilespmem:v63+s11+$0x0] =	vst.idx.add.f32.msk $0xffff, v24  }
0x2e2: {  	v61 =	vunpack.i.u.bf16.f32 v48;
	v24 =	vmul.f32 v59, v30;
	v62 =	vadd.s32 v10, v32;
	v63 =	vld.idx.msk [tilespmem:v56+s13+$0x0], $0xffff  }
0x2e3: {  	v48 =	vadd.s32 v9, v33;
	[tilespmem:v23+s11+$0x0] =	vst.idx.add.f32.msk $0xffff, v22;
	v22 =	vmul.f32 v61, v30;
	v23 =	vunpack.i.l.bf16.f32 v50  }
0x2e4: {  	s24 =	sadd.s32 $0x4, s14;
	v54 =	vadd.s32 v10, v33;
	[tilespmem:v57+s11+$0x0] =	vst.idx.add.f32.msk $0xffff, v24;
	v49 =	vunpack.i.u.bf16.f32 v50;
	v23 =	vmul.f32 v23, v40  }
0x2e5: {  	p0 =	slt.s32 s24, s7;
	v50 =	vmov s26;
	[tilespmem:v58+s11+$0x0] =	vst.idx.add.f32.msk $0xffff, v22;
	v22 =	vmul.f32 v49, v40;
	v51 =	vunpack.i.l.bf16.f32 v42  }
0x2e6: {  	vm2 =	vmneg @p0 vm2;
	v52 =	vshll.u32 v50, $0x4;
	[tilespmem:v60+s11+$0x0] =	vst.idx.add.f32.msk $0xffff, v23;
	v23 =	vmul.f32 v51, v45  }
0x2e7: {  	vm2 =	vmand vm2, vm1;
	v53 =	vor.u32 $0x4, v52;
	[tilespmem:v62+s11+$0x0] =	vst.idx.add.f32.msk $0xffff, v22;
	v42 =	vunpack.i.u.bf16.f32 v42;
	v55 =	vpop (erf)  }
0x2e8: {  	v42 =	vmul.f32 v42, v45;
	[tilespmem:v48+s11+$0x0] =	vst.idx.add.f32.msk $0xffff, v23;
	v23 =	vnsel vm2, $0x0, v55  }
0x2e9: {  	v43 =	vor.u32 $0x6, v52;
	v22 =	vsub.s32 v63, v0;
	v56 =	vld [tilespmem:s1+$0xFFFFFF20];
	[tilespmem:s17+$0x0] =	vst v23  }
0x2ea: {  	v58 =	vor.u32 $0x7, v52;
	vm2 =	vgt.s32 v22, $0x0;
	[tilespmem:v54+s11+$0x0] =	vst.idx.add.f32.msk $0xffff, v42  }
0x2eb: {  	v22 =	vnsel vm2, $0x0, v22;
	v57 =	vld [tilespmem:s1+$0x0]  }
0x2ec: {  	v23 =	vor.u32 $0x5, v52;
	v22 =	vmin.u32 v22, $0x13F;
	v45 =	vld.idx.msk [tilespmem:v53+s30+$0x0], $0xffff  }
0x2ed: {  	v63 =	vadd.s32 v11, v32;
	v42 =	vld [tilespmem:s1+$0xFFFFFFB0];
	v22 =	vmul.u32 $0x120, v22  }
0x2ee: {  	v40 =	vor.u32 v2, v52;
	v31 =	vld.idx.msk [tilespmem:v43+s30+$0x0], $0xffff  }
0x2ef: {  	v24 =	vld.idx.msk [tilespmem:v58+s30+$0x0], $0xffff;
	v54 =	vunpack.i.l.bf16.f32 v56;
	v59 =	vor.u32 v3, v22  }
0x2f0: {  	v58 =	vld [tilespmem:s1+$0xFFFFFEC0];
	v55 =	vunpack.i.u.bf16.f32 v56;
	v56 =	vmul.f32 v54, v38;
	v60 =	vor.u32 v4, v22  }
0x2f1: {  	v47 =	vld.idx.msk [tilespmem:v23+s30+$0x0], $0xffff;
	v23 =	vunpack.i.l.bf16.f32 v57  }
0x2f2: {  	v53 =	vadd.s32 v12, v32;
	[tilespmem:v63+s11+$0x0] =	vst.idx.add.f32.msk $0xffff, v56;
	v61 =	vunpack.i.u.bf16.f32 v57;
	v62 =	vmul.f32 v23, v45  }
0x2f3: {  	v23 =	vld.idx.msk [tilespmem:v40+s30+$0x0], $0xffff;
	v52 =	vmul.f32 v61, v45  }
0x2f4: {  	v57 =	vadd.s32 v11, v33;
	[tilespmem:v59+s11+$0x0] =	vst.idx.add.f32.msk $0xffff, v62  }
0x2f5: {  	v40 =	vmul.f32 v55, v38;
	v59 =	vadd.s32 v12, v33;
	[tilespmem:v60+s11+$0x0] =	vst.idx.add.f32.msk $0xffff, v52  }
0x2f6: {  	v60 =	vunpack.i.l.bf16.f32 v42;
	v46 =	vld [tilespmem:s1+$0x10]  }
0x2f7: {  	v61 =	vunpack.i.u.bf16.f32 v42;
	[tilespmem:v53+s11+$0x0] =	vst.idx.add.f32.msk $0xffff, v40;
	v52 =	vadd.s32 v17, v28;
	v41 =	vmul.f32 v60, v39  }
0x2f8: {  	v54 =	vadd.s32 v18, v28;
	v40 =	vmul.f32 v61, v39;
	v43 =	vld [tilespmem:s1+$0xFFFFFF30]  }
0x2f9: {  	v55 =	vunpack.i.l.bf16.f32 v58;
	v62 =	vadd.s32 v5, v22;
	[tilespmem:v57+s11+$0x0] =	vst.idx.add.f32.msk $0xffff, v41  }
0x2fa: {  	v63 =	vadd.s32 v6, v22;
	v56 =	vunpack.i.u.bf16.f32 v58;
	v57 =	vmul.f32 v55, v30;
	[tilespmem:v59+s11+$0x0] =	vst.idx.add.f32.msk $0xffff, v40  }
0x2fb: {  	v30 =	vmul.f32 v56, v30;
	v50 =	vld [tilespmem:s1+$0xFFFFFFC0];
	v51 =	vunpack.i.l.bf16.f32 v46  }
0x2fc: {  	[tilespmem:v52+s11+$0x0] =	vst.idx.add.f32.msk $0xffff, v57;
	v53 =	vunpack.i.u.bf16.f32 v46;
	v41 =	vmul.f32 v51, v45  }
0x2fd: {  	v58 =	vadd.s32 v13, v32;
	[tilespmem:v54+s11+$0x0] =	vst.idx.add.f32.msk $0xffff, v30;
	v40 =	vmul.f32 v53, v45  }
0x2fe: {  	v59 =	vadd.s32 v14, v32;
	[tilespmem:v62+s11+$0x0] =	vst.idx.add.f32.msk $0xffff, v41  }
0x2ff: {  	v25 =	vmul.f32 v29, v25;
	v61 =	vunpack.i.l.bf16.f32 v43;
	[tilespmem:v63+s11+$0x0] =	vst.idx.add.f32.msk $0xffff, v40  }
0x300: {  	v29 =	vmul.f32 v61, v38;
	v62 =	vunpack.i.u.bf16.f32 v43;
	v63 =	vadd.s32 v13, v33;
	v60 =	vld [tilespmem:s1+$0x20]  }
0x301: {  	v52 =	vadd.s32 v14, v33;
	v61 =	vld [tilespmem:s1+$0x110];
	v43 =	vmul.f32 v62, v38  }
0x302: {  	[tilespmem:v58+s11+$0x0] =	vst.idx.add.f32.msk $0xffff, v29;
	v45 =	vunpack.i.l.bf16.f32 v50  }
0x303: {  	v44 =	vadd.s32 v7, v22;
	v54 =	vunpack.i.u.bf16.f32 v50;
	v48 =	vmul.f32 v45, v39;
	[tilespmem:v59+s11+$0x0] =	vst.idx.add.f32.msk $0xffff, v43  }
0x304: {  	v46 =	vadd.s32 v8, v22;
	v55 =	vmul.f32 v54, v39;
	v51 =	vld [tilespmem:s1+$0xFFFFFF40]  }
0x305: {  	[tilespmem:v63+s11+$0x0] =	vst.idx.add.f32.msk $0xffff, v48;
	v49 =	vunpack.i.l.bf16.f32 v60  }
0x306: {  	v28 =	vadd.s32 v19, v28;
	v41 =	vunpack.i.u.bf16.f32 v60;
	[tilespmem:v52+s11+$0x0] =	vst.idx.add.f32.msk $0xffff, v55;
	v29 =	vmul.f32 v49, v47  }
0x307: {  	v53 =	vmul.f32 v41, v47;
	v59 =	vld [tilespmem:s1+$0xFFFFFFD0]  }
0x308: {  	v56 =	vadd.s32 v15, v32;
	[tilespmem:v44+s11+$0x0] =	vst.idx.add.f32.msk $0xffff, v29  }
0x309: {  	v57 =	vadd.s32 v16, v32;
	[tilespmem:v46+s11+$0x0] =	vst.idx.add.f32.msk $0xffff, v53  }
0x30a: {  	v58 =	vunpack.i.l.bf16.f32 v51;
	v29 =	vld [tilespmem:s1+$0x30]  }
0x30b: {  	[tilespmem:v28+s11+$0x0] =	vst.idx.add.f32.msk $0xffff, v25;
	v49 =	vadd.s32 v15, v33;
	v38 =	vunpack.i.u.bf16.f32 v51;
	v28 =	vmul.f32 v58, v35  }
0x30c: {  	v50 =	vadd.s32 v16, v33;
	v63 =	vld [tilespmem:s16+$0x10];
	v38 =	vmul.f32 v38, v35  }
0x30d: {  	v60 =	vadd.s32 v9, v22;
	[tilespmem:v56+s11+$0x0] =	vst.idx.add.f32.msk $0xffff, v28;
	v51 =	vunpack.i.l.bf16.f32 v59  }
0x30e: {  	[tilespmem:v57+s11+$0x0] =	vst.idx.add.f32.msk $0xffff, v38;
	v39 =	vunpack.i.u.bf16.f32 v59;
	v52 =	vmul.f32 v51, v37  }
0x30f: {  	v62 =	vadd.s32 v10, v22;
	v30 =	vld [tilespmem:s1+$0xFFFFFF50];
	v39 =	vmul.f32 v39, v37;
	v48 =	vunpack.i.l.bf16.f32 v29  }
0x310: {  	[tilespmem:v49+s11+$0x0] =	vst.idx.add.f32.msk $0xffff, v52;
	v25 =	vmul.f32 v48, v47  }
0x311: {  	v29 =	vunpack.i.u.bf16.f32 v29;
	[tilespmem:v50+s11+$0x0] =	vst.idx.add.f32.msk $0xffff, v39  }
0x312: {  	v29 =	vmul.f32 v29, v47;
	[tilespmem:v60+s11+$0x0] =	vst.idx.add.f32.msk $0xffff, v25  }
0x313: {  	v25 =	vunpack.i.l.bf16.f32 v61;
	v60 =	vld [tilespmem:s1+$0x1A0]  }
0x314: {  	[tilespmem:v62+s11+$0x0] =	vst.idx.add.f32.msk $0xffff, v29;
	v53 =	vadd.f32 v63, v25  }
0x315: {  	s25 =	sadd.s32 $0x5, s9;
	v34 =	vmul.f32 v34, v26;
	v55 =	vadd.s32 v17, v32;
	v62 =	vld [tilespmem:s16+$0x20]  }
0x316: {  	v58 =	vadd.s32 v18, v32;
	v52 =	vor.u32 s25, v20;
	v63 =	vld [tilespmem:s1+$0xFFFFFFE0];
	v56 =	vmul.f32 $2.000000030e-01, v53  }
0x317: {  	v57 =	vunpack.i.u.bf16.f32 v30;
	v30 =	vunpack.i.l.bf16.f32 v30;
	v54 =	vld [tilespmem:s1+$0x40];
	vm2 =	vgt.f32 v53, $0.0e+00  }
0x318: {  	v32 =	vadd.s32 v19, v32;
	v30 =	vmul.f32 v30, v35;
	v28 =	vsel vm2, v53, v56  }
0x319: {  	v27 =	vmul.f32 v36, v27;
	v59 =	vadd.s32 v11, v22;
	v28 =	vmul.f32 $1.442695020e+00, v28  }
0x31a: {  	v61 =	vadd.s32 v12, v22;
	v35 =	vmul.f32 v57, v35;
	[tilespmem:v55+s11+$0x0] =	vst.idx.add.f32.msk $0xffff, v30  }
0x31b: {  	v30 =	vld.idx.msk [tilespmem:v52+s13+$0x0], $0xffff;
	v53 =	vadd.s32 v17, v33;
	v26 =	vunpack.i.l.bf16.f32 v60;
	(erf) = vpow2.f32 v28  }
0x31c: {  	[tilespmem:v58+s11+$0x0] =	vst.idx.add.f32.msk $0xffff, v35;
	v55 =	vadd.f32 v62, v26;
	v56 =	vunpack.i.l.bf16.f32 v63;
	v48 =	vunpack.i.l.bf16.f32 v54  }
0x31d: {  	[tilespmem:v32+s11+$0x0] =	vst.idx.add.f32.msk $0xffff, v34;
	v57 =	vunpack.i.u.bf16.f32 v63;
	v49 =	vunpack.i.u.bf16.f32 v54;
	v50 =	vmul.f32 v48, v31  }
0x31e: {  	v47 =	vld [tilespmem:s1+$0x230];
	v62 =	vadd.s32 v19, v33;
	v54 =	vadd.s32 v18, v33;
	v51 =	vmul.f32 v49, v31  }
0x31f: {  	v60 =	vmov s25;
	v58 =	vmul.f32 v56, v37;
	v32 =	vmul.f32 v57, v37;
	[tilespmem:v59+s11+$0x0] =	vst.idx.add.f32.msk $0xffff, v50  }
0x320: {  	s24 =	sadd.s32 $0x6, s9;
	v30 =	vsub.s32 v30, v0;
	vm2 =	vgt.f32 v55, $0.0e+00;
	v59 =	vmul.f32 $2.000000030e-01, v55;
	[tilespmem:v61+s11+$0x0] =	vst.idx.add.f32.msk $0xffff, v51  }
0x321: {  	s26 =	sadd.s32 $0x5, s14;
	v48 =	vadd.s32 v13, v22;
	v50 =	vor.u32 s24, v20;
	v61 =	vshll.u32 v60, $0x4;
	v39 =	vld [tilespmem:s1+$0x50]  }
0x322: {  	p0 =	slt.s32 s26, s7;
	v49 =	vld [tilespmem:s16+$0x30];
	v28 =	vsel vm2, v55, v59;
	vm2 =	vmmov vm0;
	v63 =	vor.u32 $0x4, v61  }
0x323: {  	[tilespmem:v53+s11+$0x0] =	vst.idx.add.f32.msk $0xffff, v58;
	v53 =	vor.u32 $0x5, v61;
	vm2 =	vmneg @p0 vm2;
	v28 =	vmul.f32 $1.442695020e+00, v28  }
0x324: {  	[tilespmem:v54+s11+$0x0] =	vst.idx.add.f32.msk $0xffff, v32;
	v54 =	vor.u32 $0x6, v61;
	v55 =	vor.u32 $0x7, v61;
	vm2 =	vmand vm2, vm1;
	v46 =	vpop (erf)  }
0x325: {  	[tilespmem:v62+s11+$0x0] =	vst.idx.add.f32.msk $0xffff, v27;
	(erf) = vpow2.f32 v28;
	v36 =	vnsel vm2, $0x0, v46;
	vm2 =	vgt.s32 v30, $0x0  }
0x326: {  	v27 =	vunpack.i.l.bf16.f32 v47;
	v57 =	vld.idx.msk [tilespmem:v50+s13+$0x0], $0xffff;
	v45 =	vunpack.i.l.bf16.f32 v39;
	[tilespmem:s17+$0x10] =	vst v36;
	v52 =	vnsel vm2, $0x0, v30  }
0x327: {  	v56 =	vadd.f32 v49, v27;
	v35 =	vmul.f32 v45, v31;
	v41 =	vld [tilespmem:s1+$0x90];
	v28 =	vmin.u32 v52, $0x13F  }
0x328: {  	v51 =	vadd.s32 v14, v22;
	v34 =	vor.u32 v2, v61;
	v42 =	vld.idx.msk [tilespmem:v63+s30+$0x0], $0xffff;
	v28 =	vmul.u32 $0x120, v28  }
0x329: {  	v61 =	vmov s24;
	v60 =	vmul.f32 $2.000000030e-01, v56;
	v44 =	vunpack.i.u.bf16.f32 v39;
	[tilespmem:v48+s11+$0x0] =	vst.idx.add.f32.msk $0xffff, v35  }
0x32a: {  	s25 =	sadd.s32 $0x6, s14;
	v31 =	vmul.f32 v44, v31;
	vm2 =	vgt.f32 v56, $0.0e+00;
	v39 =	vld.idx.msk [tilespmem:v53+s30+$0x0], $0xffff;
	v59 =	vor.u32 v3, v28  }
0x32b: {  	p0 =	slt.s32 s25, s7;
	v37 =	vld.idx.msk [tilespmem:v54+s30+$0x0], $0xffff;
	v33 =	vsel vm2, v56, v60;
	vm2 =	vmmov vm0;
	v63 =	vshll.u32 v61, $0x4  }
0x32c: {  	v29 =	vld.idx.msk [tilespmem:v55+s30+$0x0], $0xffff;
	v46 =	vsub.s32 v57, v0;
	vm2 =	vmneg @p0 vm2;
	v58 =	vunpack.i.l.bf16.f32 v41  }
0x32d: {  	s26 =	sadd.s32 $0x7, s9;
	[tilespmem:v51+s11+$0x0] =	vst.idx.add.f32.msk $0xffff, v31;
	v45 =	vor.u32 $0x4, v63;
	v33 =	vmul.f32 $1.442695020e+00, v33;
	v31 =	vmul.f32 v58, v42  }
0x32e: {  	v30 =	vld.idx.msk [tilespmem:v34+s30+$0x0], $0xffff;
	v48 =	vor.u32 s26, v20;
	vm2 =	vmand vm2, vm1;
	v62 =	vor.u32 v4, v28;
	v47 =	vpop (erf)  }
0x32f: {  	(erf) = vpow2.f32 v33;
	v49 =	vnsel vm2, $0x0, v47;
	vm2 =	vgt.s32 v46, $0x0;
	[tilespmem:v59+s11+$0x0] =	vst.idx.add.f32.msk $0xffff, v31  }
0x330: {  	v51 =	vor.u32 $0x5, v63;
	v50 =	vnsel vm2, $0x0, v46;
	[tilespmem:s17+$0x20] =	vst v49  }
0x331: {  	v53 =	vor.u32 $0x6, v63;
	v52 =	vunpack.i.u.bf16.f32 v41;
	v33 =	vmin.u32 v50, $0x13F;
	v54 =	vld [tilespmem:s1+$0x120]  }
0x332: {  	v55 =	vor.u32 $0x7, v63;
	v41 =	vmul.f32 v52, v42;
	v44 =	vld.idx.msk [tilespmem:v45+s30+$0x0], $0xffff;
	v31 =	vmul.u32 $0x120, v33  }
0x333: {  	v56 =	vor.u32 v2, v63;
	v43 =	vld.idx.msk [tilespmem:v48+s13+$0x0], $0xffff  }
0x334: {  	[tilespmem:v62+s11+$0x0] =	vst.idx.add.f32.msk $0xffff, v41;
	v57 =	vor.u32 v3, v31  }
0x335: {  	s14 =	sadd.s32 $0x7, s14;
	v58 =	vmov s26;
	v41 =	vld.idx.msk [tilespmem:v51+s30+$0x0], $0xffff  }
0x336: {  	p0 =	slt.s32 s14, s7;
	v60 =	vshll.u32 v58, $0x4;
	vm2 =	vmmov vm0;
	v38 =	vld.idx.msk [tilespmem:v53+s30+$0x0], $0xffff;
	v59 =	vunpack.i.l.bf16.f32 v54  }
0x337: {  	v32 =	vld.idx.msk [tilespmem:v55+s30+$0x0], $0xffff;
	vm2 =	vmneg @p0 vm2;
	v62 =	vor.u32 $0x4, v60;
	v61 =	vmul.f32 v59, v44  }
0x338: {  	v33 =	vld.idx.msk [tilespmem:v56+s30+$0x0], $0xffff;
	v43 =	vsub.s32 v43, v0;
	vm2 =	vmand vm2, vm1;
	v63 =	vor.u32 v4, v31;
	v51 =	vpop (erf)  }
0x339: {  	v56 =	vor.u32 $0x6, v60;
	v52 =	vnsel vm2, $0x0, v51;
	vm2 =	vgt.s32 v43, $0x0;
	[tilespmem:v57+s11+$0x0] =	vst.idx.add.f32.msk $0xffff, v61  }
0x33a: {  	v58 =	vor.u32 $0x7, v60;
	v47 =	vld [tilespmem:s1+$0xA0];
	v36 =	vunpack.i.u.bf16.f32 v54;
	v53 =	vnsel vm2, $0x0, v43;
	[tilespmem:s17+$0x30] =	vst v52  }
0x33b: {  	v36 =	vmul.f32 v36, v44;
	v55 =	vmin.u32 v53, $0x13F;
	v57 =	vld [tilespmem:s1+$0x1B0]  }
0x33c: {  	v54 =	vor.u32 $0x5, v60;
	v49 =	vld.idx.msk [tilespmem:v62+s30+$0x0], $0xffff;
	v34 =	vmul.u32 $0x120, v55  }
0x33d: {  	v59 =	vor.u32 v2, v60;
	[tilespmem:v63+s11+$0x0] =	vst.idx.add.f32.msk $0xffff, v36  }
0x33e: {  	v40 =	vld.idx.msk [tilespmem:v56+s30+$0x0], $0xffff;
	v60 =	vor.u32 v3, v34  }
0x33f: {  	v35 =	vld.idx.msk [tilespmem:v58+s30+$0x0], $0xffff;
	v61 =	vor.u32 v4, v34  }
0x340: {  	v45 =	vld [tilespmem:s1+$0x130];
	v62 =	vunpack.i.l.bf16.f32 v57  }
0x341: {  	v43 =	vld.idx.msk [tilespmem:v54+s30+$0x0], $0xffff;
	v48 =	vunpack.i.u.bf16.f32 v57;
	v51 =	vmul.f32 v62, v49  }
0x342: {  	v63 =	vadd.s32 v5, v28;
	v36 =	vld.idx.msk [tilespmem:v59+s30+$0x0], $0xffff;
	v48 =	vmul.f32 v48, v49  }
0x343: {  	v57 =	vadd.s32 v6, v28;
	[tilespmem:v60+s11+$0x0] =	vst.idx.add.f32.msk $0xffff, v51  }
0x344: {  	v56 =	vunpack.i.l.bf16.f32 v47;
	[tilespmem:v61+s11+$0x0] =	vst.idx.add.f32.msk $0xffff, v48  }
0x345: {  	v47 =	vunpack.i.u.bf16.f32 v47;
	v58 =	vadd.s32 v5, v31;
	v46 =	vmul.f32 v56, v42;
	v50 =	vld [tilespmem:s1+$0x1C0]  }
0x346: {  	v42 =	vmul.f32 v47, v42;
	v47 =	vld [tilespmem:s1+$0x60];
	v59 =	vadd.s32 v6, v31  }
0x347: {  	[tilespmem:v63+s11+$0x0] =	vst.idx.add.f32.msk $0xffff, v46;
	v60 =	vunpack.i.l.bf16.f32 v45  }
0x348: {  	v63 =	vadd.s32 v5, v34;
	v61 =	vunpack.i.u.bf16.f32 v45;
	v62 =	vmul.f32 v60, v44;
	[tilespmem:v57+s11+$0x0] =	vst.idx.add.f32.msk $0xffff, v42  }
0x349: {  	v42 =	vmul.f32 v61, v44;
	v57 =	vadd.s32 v6, v34;
	v56 =	vld [tilespmem:s1+$0xB0]  }
0x34a: {  	[tilespmem:v58+s11+$0x0] =	vst.idx.add.f32.msk $0xffff, v62;
	v58 =	vunpack.i.l.bf16.f32 v50  }
0x34b: {  	v48 =	vadd.s32 v15, v22;
	[tilespmem:v59+s11+$0x0] =	vst.idx.add.f32.msk $0xffff, v42;
	v59 =	vunpack.i.u.bf16.f32 v50;
	v45 =	vmul.f32 v58, v49  }
0x34c: {  	v46 =	vadd.s32 v7, v28;
	v50 =	vld [tilespmem:s1+$0x140];
	v42 =	vmul.f32 v59, v49  }
0x34d: {  	v60 =	vunpack.i.l.bf16.f32 v47;
	v61 =	vadd.s32 v8, v28;
	[tilespmem:v63+s11+$0x0] =	vst.idx.add.f32.msk $0xffff, v45  }
0x34e: {  	v49 =	vmul.f32 v60, v24;
	v62 =	vunpack.i.l.bf16.f32 v56;
	[tilespmem:v57+s11+$0x0] =	vst.idx.add.f32.msk $0xffff, v42  }
0x34f: {  	v63 =	vunpack.i.u.bf16.f32 v56;
	v56 =	vmul.f32 v62, v39;
	v57 =	vadd.s32 v7, v31;
	v58 =	vld [tilespmem:s1+$0x1D0]  }
0x350: {  	v59 =	vadd.s32 v8, v31;
	[tilespmem:v48+s11+$0x0] =	vst.idx.add.f32.msk $0xffff, v49;
	v42 =	vmul.f32 v63, v39  }
0x351: {  	[tilespmem:v46+s11+$0x0] =	vst.idx.add.f32.msk $0xffff, v56;
	v60 =	vunpack.i.l.bf16.f32 v50  }
0x352: {  	v62 =	vadd.s32 v7, v34;
	[tilespmem:v61+s11+$0x0] =	vst.idx.add.f32.msk $0xffff, v42;
	v61 =	vunpack.i.u.bf16.f32 v50;
	v44 =	vmul.f32 v60, v41  }
0x353: {  	v63 =	vadd.s32 v8, v34;
	v46 =	vld [tilespmem:s1+$0xC0];
	v42 =	vmul.f32 v61, v41  }
0x354: {  	[tilespmem:v57+s11+$0x0] =	vst.idx.add.f32.msk $0xffff, v44;
	v53 =	vunpack.i.l.bf16.f32 v58  }
0x355: {  	v54 =	vadd.s32 v16, v22;
	[tilespmem:v59+s11+$0x0] =	vst.idx.add.f32.msk $0xffff, v42;
	v55 =	vunpack.i.u.bf16.f32 v58;
	v44 =	vmul.f32 v53, v43  }
0x356: {  	v56 =	vadd.s32 v9, v28;
	v51 =	vld [tilespmem:s1+$0x150];
	v42 =	vmul.f32 v55, v43  }
0x357: {  	v47 =	vunpack.i.u.bf16.f32 v47;
	v57 =	vadd.s32 v10, v28;
	[tilespmem:v62+s11+$0x0] =	vst.idx.add.f32.msk $0xffff, v44  }
0x358: {  	v58 =	vmul.f32 v47, v24;
	v59 =	vunpack.i.l.bf16.f32 v46;
	[tilespmem:v63+s11+$0x0] =	vst.idx.add.f32.msk $0xffff, v42  }
0x359: {  	v60 =	vunpack.i.u.bf16.f32 v46;
	v61 =	vmul.f32 v59, v39;
	v62 =	vadd.s32 v9, v31;
	v49 =	vld [tilespmem:s1+$0x1E0]  }
0x35a: {  	[tilespmem:v54+s11+$0x0] =	vst.idx.add.f32.msk $0xffff, v58;
	v39 =	vmul.f32 v60, v39;
	v63 =	vadd.s32 v10, v31  }
0x35b: {  	[tilespmem:v56+s11+$0x0] =	vst.idx.add.f32.msk $0xffff, v61;
	v50 =	vunpack.i.l.bf16.f32 v51  }
0x35c: {  	v54 =	vadd.s32 v9, v34;
	[tilespmem:v57+s11+$0x0] =	vst.idx.add.f32.msk $0xffff, v39;
	v52 =	vunpack.i.u.bf16.f32 v51;
	v53 =	vmul.f32 v50, v41  }
0x35d: {  	v55 =	vadd.s32 v10, v34;
	v46 =	vld [tilespmem:s1+$0xD0];
	v39 =	vmul.f32 v52, v41  }
0x35e: {  	[tilespmem:v62+s11+$0x0] =	vst.idx.add.f32.msk $0xffff, v53;
	v56 =	vunpack.i.l.bf16.f32 v49  }
0x35f: {  	[tilespmem:v63+s11+$0x0] =	vst.idx.add.f32.msk $0xffff, v39;
	v57 =	vunpack.i.u.bf16.f32 v49;
	v58 =	vmul.f32 v56, v43  }
0x360: {  	v59 =	vadd.s32 v11, v28;
	v47 =	vld [tilespmem:s1+$0x160];
	v39 =	vmul.f32 v57, v43  }
0x361: {  	v60 =	vadd.s32 v12, v28;
	[tilespmem:v54+s11+$0x0] =	vst.idx.add.f32.msk $0xffff, v58  }
0x362: {  	v61 =	vunpack.i.l.bf16.f32 v46;
	[tilespmem:v55+s11+$0x0] =	vst.idx.add.f32.msk $0xffff, v39  }
0x363: {  	v52 =	vadd.s32 v11, v31;
	v62 =	vunpack.i.u.bf16.f32 v46;
	v63 =	vmul.f32 v61, v37;
	v45 =	vld [tilespmem:s1+$0x1F0]  }
0x364: {  	v53 =	vadd.s32 v12, v31;
	v46 =	vld [tilespmem:s1+$0x70];
	v39 =	vmul.f32 v62, v37  }
0x365: {  	[tilespmem:v59+s11+$0x0] =	vst.idx.add.f32.msk $0xffff, v63;
	v54 =	vunpack.i.l.bf16.f32 v47  }
0x366: {  	v56 =	vadd.s32 v11, v34;
	[tilespmem:v60+s11+$0x0] =	vst.idx.add.f32.msk $0xffff, v39;
	v55 =	vunpack.i.u.bf16.f32 v47;
	v41 =	vmul.f32 v54, v38  }
0x367: {  	v57 =	vadd.s32 v12, v34;
	v44 =	vld [tilespmem:s1+$0xE0];
	v39 =	vmul.f32 v55, v38  }
0x368: {  	[tilespmem:v52+s11+$0x0] =	vst.idx.add.f32.msk $0xffff, v41;
	v58 =	vunpack.i.l.bf16.f32 v45  }
0x369: {  	v59 =	vadd.s32 v17, v22;
	[tilespmem:v53+s11+$0x0] =	vst.idx.add.f32.msk $0xffff, v39;
	v60 =	vunpack.i.u.bf16.f32 v45;
	v41 =	vmul.f32 v58, v40  }
0x36a: {  	v61 =	vadd.s32 v13, v28;
	v48 =	vld [tilespmem:s1+$0x170];
	v39 =	vmul.f32 v60, v40  }
0x36b: {  	v63 =	vadd.s32 v14, v28;
	v62 =	vunpack.i.l.bf16.f32 v46;
	[tilespmem:v56+s11+$0x0] =	vst.idx.add.f32.msk $0xffff, v41  }
0x36c: {  	v52 =	vmul.f32 v62, v24;
	v53 =	vunpack.i.l.bf16.f32 v44;
	[tilespmem:v57+s11+$0x0] =	vst.idx.add.f32.msk $0xffff, v39  }
0x36d: {  	v54 =	vunpack.i.u.bf16.f32 v44;
	v55 =	vmul.f32 v53, v37;
	v56 =	vadd.s32 v13, v31;
	v57 =	vld [tilespmem:s1+$0x200]  }
0x36e: {  	[tilespmem:v59+s11+$0x0] =	vst.idx.add.f32.msk $0xffff, v52;
	v58 =	vadd.s32 v14, v31;
	v37 =	vmul.f32 v54, v37  }
0x36f: {  	[tilespmem:v61+s11+$0x0] =	vst.idx.add.f32.msk $0xffff, v55;
	v59 =	vunpack.i.l.bf16.f32 v48  }
0x370: {  	v62 =	vadd.s32 v13, v34;
	[tilespmem:v63+s11+$0x0] =	vst.idx.add.f32.msk $0xffff, v37;
	v60 =	vunpack.i.u.bf16.f32 v48;
	v61 =	vmul.f32 v59, v38  }
0x371: {  	v48 =	vadd.s32 v14, v34;
	v63 =	vld [tilespmem:s1+$0xF0];
	v37 =	vmul.f32 v60, v38  }
0x372: {  	[tilespmem:v56+s11+$0x0] =	vst.idx.add.f32.msk $0xffff, v61;
	v50 =	vunpack.i.l.bf16.f32 v57  }
0x373: {  	v51 =	vadd.s32 v18, v22;
	[tilespmem:v58+s11+$0x0] =	vst.idx.add.f32.msk $0xffff, v37;
	v52 =	vunpack.i.u.bf16.f32 v57;
	v41 =	vmul.f32 v50, v40  }
0x374: {  	v53 =	vadd.s32 v15, v28;
	v39 =	vmul.f32 v52, v40;
	v54 =	vld [tilespmem:s1+$0x180]  }
0x375: {  	v55 =	vunpack.i.u.bf16.f32 v46;
	v56 =	vadd.s32 v16, v28;
	[tilespmem:v62+s11+$0x0] =	vst.idx.add.f32.msk $0xffff, v41  }
0x376: {  	v24 =	vmul.f32 v55, v24;
	v57 =	vunpack.i.l.bf16.f32 v63;
	[tilespmem:v48+s11+$0x0] =	vst.idx.add.f32.msk $0xffff, v39  }
0x377: {  	v60 =	vadd.s32 v15, v31;
	v58 =	vunpack.i.u.bf16.f32 v63;
	v59 =	vmul.f32 v57, v29;
	v61 =	vld [tilespmem:s1+$0x210]  }
0x378: {  	[tilespmem:v51+s11+$0x0] =	vst.idx.add.f32.msk $0xffff, v24;
	v63 =	vadd.s32 v16, v31;
	v62 =	vmul.f32 v58, v29  }
0x379: {  	[tilespmem:v53+s11+$0x0] =	vst.idx.add.f32.msk $0xffff, v59;
	v45 =	vunpack.i.l.bf16.f32 v54  }
0x37a: {  	v47 =	vadd.s32 v15, v34;
	[tilespmem:v56+s11+$0x0] =	vst.idx.add.f32.msk $0xffff, v62;
	v46 =	vunpack.i.u.bf16.f32 v54;
	v38 =	vmul.f32 v45, v32  }
0x37b: {  	v49 =	vadd.s32 v16, v34;
	v48 =	vld [tilespmem:s1+$0x100];
	v24 =	vmul.f32 v46, v32  }
0x37c: {  	[tilespmem:v60+s11+$0x0] =	vst.idx.add.f32.msk $0xffff, v38;
	v50 =	vunpack.i.l.bf16.f32 v61  }
0x37d: {  	v22 =	vadd.s32 v19, v22;
	[tilespmem:v63+s11+$0x0] =	vst.idx.add.f32.msk $0xffff, v24;
	v51 =	vunpack.i.u.bf16.f32 v61;
	v52 =	vmul.f32 v50, v35  }
0x37e: {  	v53 =	vadd.s32 v17, v28;
	v41 =	vld [tilespmem:s1+$0x190];
	v24 =	vmul.f32 v51, v35  }
0x37f: {  	v54 =	vadd.s32 v18, v28;
	[tilespmem:v47+s11+$0x0] =	vst.idx.add.f32.msk $0xffff, v52  }
0x380: {  	v21 =	vmul.f32 v23, v21;
	v28 =	vadd.s32 v19, v28;
	v23 =	vunpack.i.l.bf16.f32 v48;
	[tilespmem:v49+s11+$0x0] =	vst.idx.add.f32.msk $0xffff, v24  }
0x381: {  	v56 =	vadd.s32 v17, v31;
	v55 =	vunpack.i.u.bf16.f32 v48;
	v23 =	vmul.f32 v23, v29;
	v57 =	vld [tilespmem:s1+$0x220]  }
0x382: {  	[tilespmem:v22+s11+$0x0] =	vst.idx.add.f32.msk $0xffff, v21;
	v22 =	vadd.s32 v18, v31;
	v21 =	vmul.f32 v55, v29  }
0x383: {  	v59 =	vadd.s32 v19, v31;
	[tilespmem:v53+s11+$0x0] =	vst.idx.add.f32.msk $0xffff, v23;
	v23 =	vmul.f32 v30, v25;
	v58 =	vunpack.i.l.bf16.f32 v41  }
0x384: {  	v60 =	vadd.s32 v17, v34;
	[tilespmem:v54+s11+$0x0] =	vst.idx.add.f32.msk $0xffff, v21;
	v21 =	vunpack.i.u.bf16.f32 v41;
	v24 =	vmul.f32 v58, v32  }
0x385: {  	[tilespmem:v28+s11+$0x0] =	vst.idx.add.f32.msk $0xffff, v23;
	v21 =	vmul.f32 v21, v32;
	v23 =	vadd.s32 v18, v34  }
0x386: {  	p0 =	slt.u32 s9, $0x18;
	v61 =	vmul.f32 v33, v26;
	v63 =	vadd.s32 v19, v34;
	[tilespmem:v56+s11+$0x0] =	vst.idx.add.f32.msk $0xffff, v24;
	v62 =	vunpack.i.l.bf16.f32 v57  }
.Ltmp7:
0x387: {  	[tilespmem:v22+s11+$0x0] =	vst.idx.add.f32.msk $0xffff, v21;
	v21 =	vunpack.i.u.bf16.f32 v57;
	v22 =	vmul.f32 v62, v35;
	(pc) =	sbr.rel @p0 .LBB2_12-.Ltmp7, $4  }
0x388: {  	[tilespmem:v59+s11+$0x0] =	vst.idx.add.f32.msk $0xffff, v61;
	v21 =	vmul.f32 v21, v35  }
0x389: {  	[tilespmem:v60+s11+$0x0] =	vst.idx.add.f32.msk $0xffff, v22;
	v22 =	vmul.f32 v36, v27  }
0x38a: {  	s16 =	sadd.s32 $0x80, s16;
	[tilespmem:v23+s11+$0x0] =	vst.idx.add.f32.msk $0xffff, v21  }
0x38b: {  	s9 =	sadd.s32 $0x8, s9;
	s17 =	sadd.s32 $0x80, s17;
	s1 =	sadd.s32 $0x480, s1;
	[tilespmem:v63+s11+$0x0] =	vst.idx.add.f32.msk $0xffff, v22  }
0x38c: {  	s6 =	sadd.s32 $0x1, s6  }
0x38d: {  	p0 =	sne.s32 s6, s8  }
.Ltmp8:
0x38e: {  	_ = 	snop;
	(pc) =	sbr.rel @p0 .LBB2_9-.Ltmp8, $4  }
.Ltmp9:
0x38f: {  	_ = 	snop;
	(pc) =	sbr.rel @!p0 .LBB2_14-.Ltmp9, $4  }
0x390: {  	_ = 	snop  }
0x391: {  	_ = 	snop  }
0x392: {  	s28 =	sadd.s32 $0x40, s28;
	s12 =	sadd.s32 $0x40, s12  }
0x393: {  	_ = 	snop  }
.LBB2_15:
0x394: {  	_ =	sfence.sel $0x180000  }
0x395: {  	[bflag:$0x0] =	sbarrier.arrive $0xFFFF  }
0x396: {  	_ =	strace $0x90000047  }
0x397: {  	s0 =	stileid.u32;
	[bflag:$0x2] =	sbarrier.arrive $0xFFFF  }
0x398: {  	p0 =	sne.s32 s0, $0x0;
	s0 =	rddreg [dreg:$0x1]  }
0x399: {  	s0 =	sadd.s32 @!p0 $0x100000, s0  }
0x39a: {  	[sflag:s0] =	ssyncadd.tile.s32 @!p0 $0x1;
	_ =	shalt  }
.Lfunc_end2:
_tile_overlayer_lowered:
.L_overlay_start_2:
0x39b: {  	(tag) =	ssettag $0x2  }
0x39c: {  	s0 =	rddreg [dreg:$0x0];
	s2 =	stileid.u32  }
0x39d: {  	s1 =	rddreg [dreg:$0x1];
	p0 =	sne.s32 s2, $0x0  }
0x39e: {  	s3 =	rddreg [dreg:$0x2];
	[bflag:$0x3] =	sbarrier.arrive $0xFFFF;
	s2 =	simm.s32 @!p0 $0x1C09  }
0x39f: {  	[timem:s3], [sflag:s2] =	dma.local @!p0 [hbm:s0], s1  }
0x3a0: {  	s0 =	simm.s32 @!p0 $0x9  }
0x3a1: {  	_ =	swait.ge @!p0 [sflag:s0], s1  }
0x3a2: {  	s1 =	ssub.s32 @!p0 $0x0, s1;
	[sflag:s0] =	ssyncset.done @!p0 $0x0  }
0x3a3: {  	[sflag:s0] =	ssyncadd.s32 @!p0 s1  }
0x3a4: {  	[bflag:$0x3] =	sbarrier.arrive $0xFFFF  }
0x3a5: {  	_ =	shalt  }

</sc_bundles>
